<compile_context>
chip_gen: v7x
topology: tpu7x:2x2x1
jax: 0.10.2.dev20260603
libtpu: 0.0.44.dev20260713+nightly
codegen_flags: <defaults>
</compile_context>

<pallas_src>
import functools

import jax
import jax.numpy as jnp
from jax import lax
from jax.experimental import pallas as pl
from jax.experimental.pallas import tpu as pltpu
from jax.experimental.pallas import tpu_sc as plsc

N = 10000
D = 128
E = 320000
DH = D // 2
NC = 2
NS = 16
CH = 128
NCHUNK = E // CH
K = -(-NCHUNK // NS)
KL = NCHUNK - (NS - 1) * K
KH = (K + 1) // 2
ROWS_PER_TILE = 625
RFULL = (ROWS_PER_TILE // CH) * CH
RTAIL = ROWS_PER_TILE - RFULL


def _fill(ref, rows, cols, value):
    v = jnp.full((16,), value, jnp.float32)

    def row(i, _):
        def col(j, _):
            ref[i, pl.ds(j * 16, 16)] = v
            return 0
        return lax.fori_loop(0, cols // 16, col, 0)

    lax.fori_loop(0, rows, row, 0)


def _make_sc_agg(with_deg: bool):
    mesh = plsc.VectorSubcoreMesh(core_axis_name="c", subcore_axis_name="s",
                                  num_cores=NC, num_subcores=NS)
    out_type = [jax.ShapeDtypeStruct((N, D), jnp.float32)]
    scratch = [
        pltpu.VMEM((K, CH), jnp.int32),
        pltpu.VMEM((K, CH), jnp.int32),
        pltpu.VMEM(((3 if with_deg else 4) * CH, DH), jnp.float32),
        pltpu.VMEM((CH, DH), jnp.float32),
        pltpu.VMEM_SHARED((N, DH), jnp.float32),
        pltpu.SemaphoreType.DMA,
        pltpu.SemaphoreType.DMA,
    ]
    if with_deg:
        out_type.append(jax.ShapeDtypeStruct((NC, N, 16), jnp.float32))
        scratch += [
            pltpu.VMEM((CH, 16), jnp.float32),
            pltpu.VMEM((CH, 16), jnp.float32),
            pltpu.VMEM_SHARED((N, 16), jnp.float32),
        ]

    def body(z2_hbm, src_hbm, dst_hbm, out_hbm, *rest):
        if with_deg:
            (deg_hbm, idx_s, idx_d, rows, zrows, acc_sh, sem, sem_s,
             ones16, zdeg, deg_sh) = rest
        else:
            (idx_s, idx_d, rows, zrows, acc_sh, sem, sem_s) = rest
        cid = lax.axis_index("c")
        sid = lax.axis_index("s")
        base = sid * ROWS_PER_TILE
        kt = jnp.where(sid == NS - 1, KL, K)

        _fill(zrows, CH, DH, 0.0)
        if with_deg:
            _fill(ones16, CH, 16, 1.0)
            _fill(zdeg, CH, 16, 0.0)

        def zacc(t, _):
            pltpu.sync_copy(zrows, acc_sh.at[pl.ds(base + t * CH, CH)])
            if with_deg:
                pltpu.sync_copy(zdeg, deg_sh.at[pl.ds(base + t * CH, CH)])
            return 0
        lax.fori_loop(0, RFULL // CH, zacc, 0)
        pltpu.sync_copy(zrows.at[pl.ds(0, RTAIL)],
                        acc_sh.at[pl.ds(base + RFULL, RTAIL)])
        if with_deg:
            pltpu.sync_copy(zdeg.at[pl.ds(0, RTAIL)],
                            deg_sh.at[pl.ds(base + RFULL, RTAIL)])

        @pl.when(sid < NS - 1)
        def _():
            pltpu.sync_copy(src_hbm.at[pl.ds(sid * K, K)], idx_s)
            pltpu.sync_copy(dst_hbm.at[pl.ds(sid * K, K)], idx_d)

        @pl.when(sid == NS - 1)
        def _():
            pltpu.sync_copy(src_hbm.at[pl.ds((NS - 1) * K, KL)],
                            idx_s.at[pl.ds(0, KL)])
            pltpu.sync_copy(dst_hbm.at[pl.ds((NS - 1) * K, KL)],
                            idx_d.at[pl.ds(0, KL)])

        def txrow(i, _):
            def txcol(c2, _):
                sl = idx_s[i, pl.ds(c2 * 16, 16)]
                idx_s[i, pl.ds(c2 * 16, 16)] = sl * 2 + cid
                return 0
            return lax.fori_loop(0, CH // 16, txcol, 0)
        lax.fori_loop(0, kt, txrow, 0)
        plsc.subcore_barrier()

        def make_loop(deg_lo, deg_hi):
            RB = 3 if with_deg else 4
            G = 2 if with_deg else 3
            SO = RB - G

            def run():
                for b in range(G):
                    pltpu.async_copy(z2_hbm.at[idx_s.at[b]],
                                     rows.at[pl.ds(b * CH, CH)], sem)

                def step(j, _):
                    slot = lax.rem(j, RB)
                    buf = rows.at[pl.ds(slot * CH, CH)]
                    pltpu.make_async_copy(z2_hbm.at[idx_s.at[j]], buf,
                                          sem).wait()
                    @pl.when(j >= SO)
                    def _():
                        pslot = lax.rem(j + G, RB)
                        pbuf = rows.at[pl.ds(pslot * CH, CH)]
                        pltpu.make_async_copy(
                            pbuf, acc_sh.at[idx_d.at[j - SO]], sem_s).wait()
                    @pl.when(j + G < kt)
                    def _():
                        nslot = lax.rem(j + G, RB)
                        pltpu.async_copy(
                            z2_hbm.at[idx_s.at[j + G]],
                            rows.at[pl.ds(nslot * CH, CH)], sem)
                    pltpu.async_copy(buf, acc_sh.at[idx_d.at[j]], sem_s,
                                     add=True)
                    if with_deg:
                        @pl.when(jnp.logical_and(j >= deg_lo, j < deg_hi))
                        def _():
                            pltpu.sync_copy(ones16, deg_sh.at[idx_d.at[j]],
                                            add=True)
                    return 0
                lax.fori_loop(0, kt, step, 0)
                for t in range(SO):
                    pltpu.make_async_copy(
                        rows.at[pl.ds(t * CH, CH)],
                        acc_sh.at[idx_d.at[t]], sem_s).wait()
            return run

        @pl.when(cid == 0)
        def _():
            make_loop(0, KH)()

        @pl.when(cid == 1)
        def _():
            make_loop(KH, K)()

        plsc.subcore_barrier()

        pltpu.sync_copy(
            acc_sh.at[pl.ds(base, ROWS_PER_TILE)],
            out_hbm.at[pl.ds(base, ROWS_PER_TILE), pl.ds(cid * DH, DH)])
        if with_deg:
            pltpu.sync_copy(deg_sh.at[pl.ds(base, ROWS_PER_TILE)],
                            deg_hbm.at[cid].at[pl.ds(base, ROWS_PER_TILE)])

    return pl.kernel(
        body, out_type=tuple(out_type), mesh=mesh, scratch_types=scratch,
        compiler_params=pltpu.CompilerParams(use_tc_tiling_on_sc=False))


_make_sc_agg = functools.cache(_make_sc_agg)


def _dense_body(z_ref, p_ref, g_ref, w_ref, b_ref, o_ref):
    deg = jnp.maximum(g_ref[0, :, 0:1] + g_ref[1, :, 0:1], 1.0)
    zn = p_ref[...] / deg
    x = (jnp.dot(z_ref[...], w_ref[:D], preferred_element_type=jnp.float32)
         + jnp.dot(zn, w_ref[D:], preferred_element_type=jnp.float32)
         + b_ref[...])
    h = jax.nn.sigmoid(x)
    nrm = jnp.sqrt(jnp.sum(h * h, axis=1, keepdims=True))
    o_ref[...] = h / jnp.maximum(nrm, 1e-12)


_R = 2000
_tc_dense = pl.pallas_call(
    _dense_body,
    grid=(N // _R,),
    in_specs=[
        pl.BlockSpec((_R, D), lambda i: (i, 0)),
        pl.BlockSpec((_R, D), lambda i: (i, 0)),
        pl.BlockSpec((NC, _R, 16), lambda i: (0, i, 0)),
        pl.BlockSpec((2 * D, D), lambda i: (0, 0)),
        pl.BlockSpec((1, D), lambda i: (0, 0)),
    ],
    out_specs=pl.BlockSpec((_R, D), lambda i: (i, 0)),
    out_shape=jax.ShapeDtypeStruct((N, D), jnp.float32),
)


def kernel(Z, edge_index, W0, b0, W1, b1):
    src2 = edge_index[0].reshape(NCHUNK, CH)
    dst2 = edge_index[1].reshape(NCHUNK, CH)

    agg1, degp = _make_sc_agg(True)(Z.reshape(2 * N, DH), src2, dst2)
    Z1 = _tc_dense(Z, agg1, degp, W0, b0.reshape(1, D))
    (agg2,) = _make_sc_agg(False)(Z1.reshape(2 * N, DH), src2, dst2)
    return _tc_dense(Z1, agg2, degp, W1, b1.reshape(1, D))

# --- scband reference (transcript-rebuilt; emitter-appended) ---
"""Pipeline reference for scband-graph-sage-54958401520041 (READ-ONLY COPY).

The authoritative reference and input builder live on the scoring server;
editing this copy changes nothing except your own understanding.
"""

import jax, jax.numpy as jnp
import numpy as np

N = 10000
D = 128
E = 320000
K = 2

def setup_inputs(seed: int = 0) -> dict:
    key = jax.random.key(seed)
    k1, k2, k3, k4 = jax.random.split(key, 4)
    Z = jax.random.normal(k1, (N, D), dtype=jnp.float32)
    edge_index = jax.random.randint(k2, (2, E), 0, N, dtype=jnp.int32)
    W0 = jax.random.normal(k3, (2 * D, D), dtype=jnp.float32) * (1.0 / np.sqrt(2 * D))
    b0 = jnp.zeros((D,), dtype=jnp.float32)
    W1 = jax.random.normal(k4, (2 * D, D), dtype=jnp.float32) * (1.0 / np.sqrt(2 * D))
    b1 = jnp.zeros((D,), dtype=jnp.float32)
    return {"Z": Z, "edge_index": edge_index, "W0": W0, "b0": b0, "W1": W1, "b1": b1}

def reference(Z, edge_index, W0, b0, W1, b1):
    # GraphSAGE with K=2 layers: mean-aggregate sampled neighbors (materialized
    # as edge_index), concat(self, neigh) -> Linear(2D -> D) -> sigmoid -> L2 normalize.
    src = edge_index[0]
    dst = edge_index[1]
    ones = jnp.ones((E,), dtype=Z.dtype)
    deg = jax.ops.segment_sum(ones, dst, num_segments=N)
    deg = jnp.maximum(deg, 1.0)

    def sage_layer(Zc, W, b):
        msgs = jnp.take(Zc, src, axis=0)                       # gather over edges
        agg = jax.ops.segment_sum(msgs, dst, num_segments=N)    # scatter-add
        zn = agg / deg[:, None]                                 # mean aggregate
        h = jax.nn.sigmoid(jnp.concatenate([Zc, zn], axis=1) @ W + b)
        nrm = jnp.linalg.norm(h, axis=1, keepdims=True)
        return h / jnp.maximum(nrm, 1e-12)

    Z1 = sage_layer(Z, W0, b0)
    Z2 = sage_layer(Z1, W1, b1)
    return Z2

if __name__ == "__main__":
    import jax
    _d = setup_inputs()
    print(jax.jit(kernel)(*tuple(_d.values())))

</pallas_src>

<mosaic_0001>
#map = affine_map<(d0, d1) -> (0, 0)>
module attributes {stable_mosaic.version = 14 : i64} {
  func.func @body(%arg0: i32, %arg1: i32, %arg2: memref<20000x64xf32, #tpu.memory_space<hbm>>, %arg3: memref<2500x128xi32, #tpu.memory_space<hbm>>, %arg4: memref<2500x128xi32, #tpu.memory_space<hbm>>, %arg5: memref<10000x128xf32, #tpu.memory_space<hbm>>, %arg6: memref<2x128xi32, #tpu.memory_space<vmem>>, %arg7: memref<2x128xi32, #tpu.memory_space<vmem>>, %arg8: memref<512x64xf32, #tpu.memory_space<vmem>>, %arg9: memref<128x64xf32, #tpu.memory_space<vmem>>, %arg10: memref<10000x64xf32, #tpu.memory_space<vmem_shared>>, %arg11: memref<!tpu.dma_semaphore, #tpu.memory_space<semaphore_mem>>, %arg12: memref<!tpu.dma_semaphore, #tpu.memory_space<semaphore_mem>>) attributes {dimension_semantics = [#tpu.dimension_semantics<core_parallel>, #tpu.dimension_semantics<subcore_parallel>], iteration_bounds = array<i64: 2, 16>, scalar_prefetch = 0 : i64, scratch_operands = 7 : i64, tpu.core_type = #tpu.core_type<sc_vector_subcore>, window_params = [{transform_indices = #map}, {transform_indices = #map}, {transform_indices = #map}, {transform_indices = #map}]} {
    %mul3A = arith.constant 625 : i32
    %mul3A_0 = arith.muli %arg1, %mul3A : i32
    %eq3A = arith.constant 15 : i32
    %eq3A_1 = arith.cmpi eq, %arg1, %eq3A : i32
    %jit3A = arith.constant 145 : i32
    %jit3A_2 = arith.constant 2 : i32
    %select_n3A = arith.select %eq3A_1, %jit3A, %jit3A_2 : i32
    %broadcast_in_dim3A = arith.constant 0.000000e+00 : f32
    %broadcast_in_dim3A_3 = vector.broadcast %broadcast_in_dim3A : f32 to vector<16xf32>
    %scan3A = arith.constant 0 : i32
    %scan3A_4 = arith.constant 0 : i32
    %scan3A_5 = arith.constant 128 : i32
    %scan3A_6 = arith.addi %scan3A_4, %scan3A_5 : i32
    %scan3A_7 = arith.constant 1 : i32
    %scan3A_8 = scf.for %scan3A_49 = %scan3A_4 to %scan3A_6 step %scan3A_7 iter_args(%scan3A_50 = %scan3A) -> (i32)  : i32 {
      %scan3A_51 = arith.constant 0 : i32
      %scan3A_52 = arith.constant 0 : i32
      %scan3A_53 = arith.constant 4 : i32
      %scan3A_54 = arith.addi %scan3A_52, %scan3A_53 : i32
      %scan3A_55 = arith.constant 1 : i32
      %scan3A_56 = scf.for %scan3A_58 = %scan3A_52 to %scan3A_54 step %scan3A_55 iter_args(%scan3A_59 = %scan3A_51) -> (i32)  : i32 {
        %mul3A_60 = arith.constant 16 : i32
        %mul3A_61 = arith.muli %scan3A_58, %mul3A_60 : i32
        %swap3A = arith.index_cast %scan3A_49 : i32 to index
        %swap3A_62 = arith.index_cast %mul3A_61 : i32 to index
        %swap3A_63 = tpu.vector_load %arg9[%swap3A, %swap3A_62] {strides = array<i32>} : memref<128x64xf32, #tpu.memory_space<vmem>>, vector<1x16xf32>,
        %swap3A_64 = vector.shape_cast %swap3A_63 : vector<1x16xf32> to vector<16xf32>
        %swap3A_65 = vector.shape_cast %broadcast_in_dim3A_3 : vector<16xf32> to vector<1x16xf32>
        tpu.vector_store %arg9[%swap3A, %swap3A_62], %swap3A_65 {strides = array<i32>} : memref<128x64xf32, #tpu.memory_space<vmem>>, vector<1x16xf32>,
        %scan3A_66 = arith.constant 0 : i32
        scf.yield %scan3A_66 : i32
      }
      %scan3A_57 = arith.constant 4 : i32
      scf.yield %scan3A_56 : i32
    }
    %scan3A_9 = arith.constant 128 : i32
    %scan3A_10 = arith.constant 0 : i32
    %scan3A_11 = arith.constant 0 : i32
    %scan3A_12 = arith.constant 4 : i32
    %scan3A_13 = arith.addi %scan3A_11, %scan3A_12 : i32
    %scan3A_14 = arith.constant 1 : i32
    %scan3A_15 = scf.for %scan3A_49 = %scan3A_11 to %scan3A_13 step %scan3A_14 iter_args(%scan3A_50 = %scan3A_10) -> (i32)  : i32 {
      %mul3A_51 = arith.constant 128 : i32
      %mul3A_52 = arith.muli %scan3A_49, %mul3A_51 : i32
      %add3A_53 = arith.addi %mul3A_0, %mul3A_52 : i32
      "tpu.region"() ({
        %run_scoped3A = tpu.sem_alloc : memref<!tpu.dma_semaphore, #tpu.memory_space<semaphore_mem>>
        %dma_start3A = arith.constant 0 : i32
        %dma_start3A_55 = tpu.memref_slice %arg10[%add3A_53, %dma_start3A] : memref<10000x64xf32, #tpu.memory_space<vmem_shared>> -> memref<128x64xf32, #tpu.memory_space<vmem_shared>>
        %dma_start3A_56 = arith.constant 0 : i32
        %dma_start3A_57 = tpu.memref_slice %arg10[%add3A_53, %dma_start3A_56] : memref<10000x64xf32, #tpu.memory_space<vmem_shared>> -> memref<128x64xf32, #tpu.memory_space<vmem_shared>>
        tpu.enqueue_dma source(%arg9 : memref<128x64xf32, #tpu.memory_space<vmem>>) target(%dma_start3A_57 : memref<128x64xf32, #tpu.memory_space<vmem_shared>>) target_semaphore(%run_scoped3A : memref<!tpu.dma_semaphore, #tpu.memory_space<semaphore_mem>>)
        %dma_wait3A = arith.constant 0 : i32
        %dma_wait3A_58 = tpu.memref_slice %arg10[%add3A_53, %dma_wait3A] : memref<10000x64xf32, #tpu.memory_space<vmem_shared>> -> memref<128x64xf32, #tpu.memory_space<vmem_shared>>
        %dma_wait3A_59 = arith.constant 0 : i32
        %dma_wait3A_60 = tpu.memref_slice %arg10[%add3A_53, %dma_wait3A_59] : memref<10000x64xf32, #tpu.memory_space<vmem_shared>> -> memref<128x64xf32, #tpu.memory_space<vmem_shared>>
        tpu.wait_dma2 semaphore(%run_scoped3A : memref<!tpu.dma_semaphore, #tpu.memory_space<semaphore_mem>>) src(%arg9 : memref<128x64xf32, #tpu.memory_space<vmem>>) dst(%dma_wait3A_60 : memref<128x64xf32, #tpu.memory_space<vmem_shared>>)
        tpu.yield
      }) : () -> ()
      %scan3A_54 = arith.constant 0 : i32
      scf.yield %scan3A_54 : i32
    }
    %scan3A_16 = arith.constant 4 : i32
    %add3A = arith.constant 512 : i32
    %add3A_17 = arith.addi %mul3A_0, %add3A : i32
    "tpu.region"() ({
      %run_scoped3A = tpu.sem_alloc : memref<!tpu.dma_semaphore, #tpu.memory_space<semaphore_mem>>
      %dma_start3A = arith.constant 0 : i32
      %dma_start3A_49 = arith.constant 0 : i32
      %dma_start3A_50 = tpu.memref_slice %arg9[%dma_start3A, %dma_start3A_49] : memref<128x64xf32, #tpu.memory_space<vmem>> -> memref<113x64xf32, #tpu.memory_space<vmem>>
      %dma_start3A_51 = arith.constant 0 : i32
      %dma_start3A_52 = tpu.memref_slice %arg10[%add3A_17, %dma_start3A_51] : memref<10000x64xf32, #tpu.memory_space<vmem_shared>> -> memref<113x64xf32, #tpu.memory_space<vmem_shared>>
      %dma_start3A_53 = arith.constant 0 : i32
      %dma_start3A_54 = tpu.memref_slice %arg10[%add3A_17, %dma_start3A_53] : memref<10000x64xf32, #tpu.memory_space<vmem_shared>> -> memref<113x64xf32, #tpu.memory_space<vmem_shared>>
      %dma_start3A_55 = arith.constant 0 : i32
      %dma_start3A_56 = arith.constant 0 : i32
      %dma_start3A_57 = tpu.memref_slice %arg9[%dma_start3A_55, %dma_start3A_56] : memref<128x64xf32, #tpu.memory_space<vmem>> -> memref<113x64xf32, #tpu.memory_space<vmem>>
      tpu.enqueue_dma source(%dma_start3A_57 : memref<113x64xf32, #tpu.memory_space<vmem>>) target(%dma_start3A_54 : memref<113x64xf32, #tpu.memory_space<vmem_shared>>) target_semaphore(%run_scoped3A : memref<!tpu.dma_semaphore, #tpu.memory_space<semaphore_mem>>)
      %dma_wait3A = arith.constant 0 : i32
      %dma_wait3A_58 = arith.constant 0 : i32
      %dma_wait3A_59 = tpu.memref_slice %arg9[%dma_wait3A, %dma_wait3A_58] : memref<128x64xf32, #tpu.memory_space<vmem>> -> memref<113x64xf32, #tpu.memory_space<vmem>>
      %dma_wait3A_60 = arith.constant 0 : i32
      %dma_wait3A_61 = tpu.memref_slice %arg10[%add3A_17, %dma_wait3A_60] : memref<10000x64xf32, #tpu.memory_space<vmem_shared>> -> memref<113x64xf32, #tpu.memory_space<vmem_shared>>
      %dma_wait3A_62 = arith.constant 0 : i32
      %dma_wait3A_63 = tpu.memref_slice %arg10[%add3A_17, %dma_wait3A_62] : memref<10000x64xf32, #tpu.memory_space<vmem_shared>> -> memref<113x64xf32, #tpu.memory_space<vmem_shared>>
      %dma_wait3A_64 = arith.constant 0 : i32
      %dma_wait3A_65 = arith.constant 0 : i32
      %dma_wait3A_66 = tpu.memref_slice %arg9[%dma_wait3A_64, %dma_wait3A_65] : memref<128x64xf32, #tpu.memory_space<vmem>> -> memref<113x64xf32, #tpu.memory_space<vmem>>
      tpu.wait_dma2 semaphore(%run_scoped3A : memref<!tpu.dma_semaphore, #tpu.memory_space<semaphore_mem>>) src(%dma_wait3A_66 : memref<113x64xf32, #tpu.memory_space<vmem>>) dst(%dma_wait3A_63 : memref<113x64xf32, #tpu.memory_space<vmem_shared>>)
      tpu.yield
    }) : () -> ()
    %lt3A = arith.constant 15 : i32
    %lt3A_18 = arith.cmpi slt, %arg1, %lt3A : i32
    %convert_element_type3A = arith.extui %lt3A_18 : i1 to i32
    %cond3A = arith.constant 0 : i32
    %cond3A_19 = arith.cmpi ne, %convert_element_type3A, %cond3A : i32
    scf.if %cond3A_19 {
      %mul3A_49 = arith.constant 2 : i32
      %mul3A_50 = arith.muli %arg1, %mul3A_49 : i32
      "tpu.region"() ({
        %run_scoped3A = tpu.sem_alloc : memref<!tpu.dma_semaphore, #tpu.memory_space<semaphore_mem>>
        %dma_start3A = arith.constant 0 : i32
        %dma_start3A_53 = tpu.memref_slice %arg3[%mul3A_50, %dma_start3A] : memref<2500x128xi32, #tpu.memory_space<hbm>> -> memref<2x128xi32, #tpu.memory_space<hbm>>
        %dma_start3A_54 = arith.constant 0 : i32
        %dma_start3A_55 = tpu.memref_slice %arg3[%mul3A_50, %dma_start3A_54] : memref<2500x128xi32, #tpu.memory_space<hbm>> -> memref<2x128xi32, #tpu.memory_space<hbm>>
        tpu.enqueue_dma source(%dma_start3A_55 : memref<2x128xi32, #tpu.memory_space<hbm>>) target(%arg6 : memref<2x128xi32, #tpu.memory_space<vmem>>) target_semaphore(%run_scoped3A : memref<!tpu.dma_semaphore, #tpu.memory_space<semaphore_mem>>)
        %dma_wait3A = arith.constant 0 : i32
        %dma_wait3A_56 = tpu.memref_slice %arg3[%mul3A_50, %dma_wait3A] : memref<2500x128xi32, #tpu.memory_space<hbm>> -> memref<2x128xi32, #tpu.memory_space<hbm>>
        %dma_wait3A_57 = arith.constant 0 : i32
        %dma_wait3A_58 = tpu.memref_slice %arg3[%mul3A_50, %dma_wait3A_57] : memref<2500x128xi32, #tpu.memory_space<hbm>> -> memref<2x128xi32, #tpu.memory_space<hbm>>
        tpu.wait_dma2 semaphore(%run_scoped3A : memref<!tpu.dma_semaphore, #tpu.memory_space<semaphore_mem>>) src(%dma_wait3A_58 : memref<2x128xi32, #tpu.memory_space<hbm>>) dst(%arg6 : memref<2x128xi32, #tpu.memory_space<vmem>>)
        tpu.yield
      }) : () -> ()
      %mul3A_51 = arith.constant 2 : i32
      %mul3A_52 = arith.muli %arg1, %mul3A_51 : i32
      "tpu.region"() ({
        %run_scoped3A = tpu.sem_alloc : memref<!tpu.dma_semaphore, #tpu.memory_space<semaphore_mem>>
        %dma_start3A = arith.constant 0 : i32
        %dma_start3A_53 = tpu.memref_slice %arg4[%mul3A_52, %dma_start3A] : memref<2500x128xi32, #tpu.memory_space<hbm>> -> memref<2x128xi32, #tpu.memory_space<hbm>>
        %dma_start3A_54 = arith.constant 0 : i32
        %dma_start3A_55 = tpu.memref_slice %arg4[%mul3A_52, %dma_start3A_54] : memref<2500x128xi32, #tpu.memory_space<hbm>> -> memref<2x128xi32, #tpu.memory_space<hbm>>
        tpu.enqueue_dma source(%dma_start3A_55 : memref<2x128xi32, #tpu.memory_space<hbm>>) target(%arg7 : memref<2x128xi32, #tpu.memory_space<vmem>>) target_semaphore(%run_scoped3A : memref<!tpu.dma_semaphore, #tpu.memory_space<semaphore_mem>>)
        %dma_wait3A = arith.constant 0 : i32
        %dma_wait3A_56 = tpu.memref_slice %arg4[%mul3A_52, %dma_wait3A] : memref<2500x128xi32, #tpu.memory_space<hbm>> -> memref<2x128xi32, #tpu.memory_space<hbm>>
        %dma_wait3A_57 = arith.constant 0 : i32
        %dma_wait3A_58 = tpu.memref_slice %arg4[%mul3A_52, %dma_wait3A_57] : memref<2500x128xi32, #tpu.memory_space<hbm>> -> memref<2x128xi32, #tpu.memory_space<hbm>>
        tpu.wait_dma2 semaphore(%run_scoped3A : memref<!tpu.dma_semaphore, #tpu.memory_space<semaphore_mem>>) src(%dma_wait3A_58 : memref<2x128xi32, #tpu.memory_space<hbm>>) dst(%arg7 : memref<2x128xi32, #tpu.memory_space<vmem>>)
        tpu.yield
      }) : () -> ()
    } else {
    }
    %eq3A_20 = arith.constant 15 : i32
    %eq3A_21 = arith.cmpi eq, %arg1, %eq3A_20 : i32
    %convert_element_type3A_22 = arith.extui %eq3A_21 : i1 to i32
    %cond3A_23 = arith.constant 0 : i32
    %cond3A_24 = arith.cmpi ne, %convert_element_type3A_22, %cond3A_23 : i32
    scf.if %cond3A_24 {
      "tpu.region"() ({
        %run_scoped3A = tpu.sem_alloc : memref<!tpu.dma_semaphore, #tpu.memory_space<semaphore_mem>>
        %dma_start3A = arith.constant 0 : i32
        %dma_start3A_49 = arith.constant 0 : i32
        %dma_start3A_50 = tpu.memref_slice %arg6[%dma_start3A, %dma_start3A_49] : memref<2x128xi32, #tpu.memory_space<vmem>> -> memref<145x128xi32, #tpu.memory_space<vmem>>
        %dma_start3A_51 = arith.constant 30 : i32
        %dma_start3A_52 = arith.constant 0 : i32
        %dma_start3A_53 = tpu.memref_slice %arg3[%dma_start3A_51, %dma_start3A_52] : memref<2500x128xi32, #tpu.memory_space<hbm>> -> memref<145x128xi32, #tpu.memory_space<hbm>>
        %dma_start3A_54 = arith.constant 0 : i32
        %dma_start3A_55 = arith.constant 0 : i32
        %dma_start3A_56 = tpu.memref_slice %arg6[%dma_start3A_54, %dma_start3A_55] : memref<2x128xi32, #tpu.memory_space<vmem>> -> memref<145x128xi32, #tpu.memory_space<vmem>>
        %dma_start3A_57 = arith.constant 30 : i32
        %dma_start3A_58 = arith.constant 0 : i32
        %dma_start3A_59 = tpu.memref_slice %arg3[%dma_start3A_57, %dma_start3A_58] : memref<2500x128xi32, #tpu.memory_space<hbm>> -> memref<145x128xi32, #tpu.memory_space<hbm>>
        tpu.enqueue_dma source(%dma_start3A_59 : memref<145x128xi32, #tpu.memory_space<hbm>>) target(%dma_start3A_56 : memref<145x128xi32, #tpu.memory_space<vmem>>) target_semaphore(%run_scoped3A : memref<!tpu.dma_semaphore, #tpu.memory_space<semaphore_mem>>)
        %dma_wait3A = arith.constant 0 : i32
        %dma_wait3A_60 = arith.constant 0 : i32
        %dma_wait3A_61 = tpu.memref_slice %arg6[%dma_wait3A, %dma_wait3A_60] : memref<2x128xi32, #tpu.memory_space<vmem>> -> memref<145x128xi32, #tpu.memory_space<vmem>>
        %dma_wait3A_62 = arith.constant 30 : i32
        %dma_wait3A_63 = arith.constant 0 : i32
        %dma_wait3A_64 = tpu.memref_slice %arg3[%dma_wait3A_62, %dma_wait3A_63] : memref<2500x128xi32, #tpu.memory_space<hbm>> -> memref<145x128xi32, #tpu.memory_space<hbm>>
        %dma_wait3A_65 = arith.constant 0 : i32
        %dma_wait3A_66 = arith.constant 0 : i32
        %dma_wait3A_67 = tpu.memref_slice %arg6[%dma_wait3A_65, %dma_wait3A_66] : memref<2x128xi32, #tpu.memory_space<vmem>> -> memref<145x128xi32, #tpu.memory_space<vmem>>
        %dma_wait3A_68 = arith.constant 30 : i32
        %dma_wait3A_69 = arith.constant 0 : i32
        %dma_wait3A_70 = tpu.memref_slice %arg3[%dma_wait3A_68, %dma_wait3A_69] : memref<2500x128xi32, #tpu.memory_space<hbm>> -> memref<145x128xi32, #tpu.memory_space<hbm>>
        tpu.wait_dma2 semaphore(%run_scoped3A : memref<!tpu.dma_semaphore, #tpu.memory_space<semaphore_mem>>) src(%dma_wait3A_70 : memref<145x128xi32, #tpu.memory_space<hbm>>) dst(%dma_wait3A_67 : memref<145x128xi32, #tpu.memory_space<vmem>>)
        tpu.yield
      }) : () -> ()
      "tpu.region"() ({
        %run_scoped3A = tpu.sem_alloc : memref<!tpu.dma_semaphore, #tpu.memory_space<semaphore_mem>>
        %dma_start3A = arith.constant 0 : i32
        %dma_start3A_49 = arith.constant 0 : i32
        %dma_start3A_50 = tpu.memref_slice %arg7[%dma_start3A, %dma_start3A_49] : memref<2x128xi32, #tpu.memory_space<vmem>> -> memref<145x128xi32, #tpu.memory_space<vmem>>
        %dma_start3A_51 = arith.constant 30 : i32
        %dma_start3A_52 = arith.constant 0 : i32
        %dma_start3A_53 = tpu.memref_slice %arg4[%dma_start3A_51, %dma_start3A_52] : memref<2500x128xi32, #tpu.memory_space<hbm>> -> memref<145x128xi32, #tpu.memory_space<hbm>>
        %dma_start3A_54 = arith.constant 0 : i32
        %dma_start3A_55 = arith.constant 0 : i32
        %dma_start3A_56 = tpu.memref_slice %arg7[%dma_start3A_54, %dma_start3A_55] : memref<2x128xi32, #tpu.memory_space<vmem>> -> memref<145x128xi32, #tpu.memory_space<vmem>>
        %dma_start3A_57 = arith.constant 30 : i32
        %dma_start3A_58 = arith.constant 0 : i32
        %dma_start3A_59 = tpu.memref_slice %arg4[%dma_start3A_57, %dma_start3A_58] : memref<2500x128xi32, #tpu.memory_space<hbm>> -> memref<145x128xi32, #tpu.memory_space<hbm>>
        tpu.enqueue_dma source(%dma_start3A_59 : memref<145x128xi32, #tpu.memory_space<hbm>>) target(%dma_start3A_56 : memref<145x128xi32, #tpu.memory_space<vmem>>) target_semaphore(%run_scoped3A : memref<!tpu.dma_semaphore, #tpu.memory_space<semaphore_mem>>)
        %dma_wait3A = arith.constant 0 : i32
        %dma_wait3A_60 = arith.constant 0 : i32
        %dma_wait3A_61 = tpu.memref_slice %arg7[%dma_wait3A, %dma_wait3A_60] : memref<2x128xi32, #tpu.memory_space<vmem>> -> memref<145x128xi32, #tpu.memory_space<vmem>>
        %dma_wait3A_62 = arith.constant 30 : i32
        %dma_wait3A_63 = arith.constant 0 : i32
        %dma_wait3A_64 = tpu.memref_slice %arg4[%dma_wait3A_62, %dma_wait3A_63] : memref<2500x128xi32, #tpu.memory_space<hbm>> -> memref<145x128xi32, #tpu.memory_space<hbm>>
        %dma_wait3A_65 = arith.constant 0 : i32
        %dma_wait3A_66 = arith.constant 0 : i32
        %dma_wait3A_67 = tpu.memref_slice %arg7[%dma_wait3A_65, %dma_wait3A_66] : memref<2x128xi32, #tpu.memory_space<vmem>> -> memref<145x128xi32, #tpu.memory_space<vmem>>
        %dma_wait3A_68 = arith.constant 30 : i32
        %dma_wait3A_69 = arith.constant 0 : i32
        %dma_wait3A_70 = tpu.memref_slice %arg4[%dma_wait3A_68, %dma_wait3A_69] : memref<2500x128xi32, #tpu.memory_space<hbm>> -> memref<145x128xi32, #tpu.memory_space<hbm>>
        tpu.wait_dma2 semaphore(%run_scoped3A : memref<!tpu.dma_semaphore, #tpu.memory_space<semaphore_mem>>) src(%dma_wait3A_70 : memref<145x128xi32, #tpu.memory_space<hbm>>) dst(%dma_wait3A_67 : memref<145x128xi32, #tpu.memory_space<vmem>>)
        tpu.yield
      }) : () -> ()
    } else {
    }
    %while3A = arith.constant 0 : i32
    %while3A_25 = arith.constant 0 : i32
    %while3A_26 = arith.subi %select_n3A, %while3A : i32
    %while3A_27 = arith.addi %while3A, %while3A_26 : i32
    %while3A_28 = arith.constant 1 : i32
    %while3A_29 = arith.divsi %while3A_26, %while3A_28 : i32
    %while3A_30 = arith.muli %while3A_29, %while3A_28 : i32
    %while3A_31 = arith.addi %while3A, %while3A_30 : i32
    %while3A_32 = arith.constant 1 : i32
    %while3A_33 = scf.for %while3A_49 = %while3A to %while3A_31 step %while3A_32 iter_args(%while3A_50 = %while3A_25) -> (i32)  : i32 {
      %scan3A_51 = arith.constant 0 : i32
      %scan3A_52 = arith.constant 0 : i32
      %scan3A_53 = arith.constant 8 : i32
      %scan3A_54 = arith.addi %scan3A_52, %scan3A_53 : i32
      %scan3A_55 = arith.constant 1 : i32
      %scan3A_56 = scf.for %scan3A_58 = %scan3A_52 to %scan3A_54 step %scan3A_55 iter_args(%scan3A_59 = %scan3A_51) -> (i32)  : i32 {
        %mul3A_60 = arith.constant 16 : i32
        %mul3A_61 = arith.muli %scan3A_58, %mul3A_60 : i32
        %get3A = arith.index_cast %while3A_49 : i32 to index
        %get3A_62 = arith.index_cast %mul3A_61 : i32 to index
        %get3A_63 = tpu.vector_load %arg6[%get3A, %get3A_62] {strides = array<i32>} : memref<2x128xi32, #tpu.memory_space<vmem>>, vector<1x16xi32>,
        %get3A_64 = vector.shape_cast %get3A_63 : vector<1x16xi32> to vector<16xi32>
        %mul3A_65 = arith.constant 2 : i32
        %mul3A_66 = vector.broadcast %mul3A_65 : i32 to vector<16xi32>
        %mul3A_67 = arith.muli %get3A_64, %mul3A_66 : vector<16xi32>
        %add3A_68 = vector.broadcast %arg0 : i32 to vector<16xi32>
        %add3A_69 = arith.addi %mul3A_67, %add3A_68 : vector<16xi32>
        %mul3A_70 = arith.constant 16 : i32
        %mul3A_71 = arith.muli %scan3A_58, %mul3A_70 : i32
        %swap3A = arith.index_cast %while3A_49 : i32 to index
        %swap3A_72 = arith.index_cast %mul3A_71 : i32 to index
        %swap3A_73 = tpu.vector_load %arg6[%swap3A, %swap3A_72] {strides = array<i32>} : memref<2x128xi32, #tpu.memory_space<vmem>>, vector<1x16xi32>,
        %swap3A_74 = vector.shape_cast %swap3A_73 : vector<1x16xi32> to vector<16xi32>
        %swap3A_75 = vector.shape_cast %add3A_69 : vector<16xi32> to vector<1x16xi32>
        tpu.vector_store %arg6[%swap3A, %swap3A_72], %swap3A_75 {strides = array<i32>} : memref<2x128xi32, #tpu.memory_space<vmem>>, vector<1x16xi32>,
        %scan3A_76 = arith.constant 0 : i32
        scf.yield %scan3A_76 : i32
      }
      %scan3A_57 = arith.constant 8 : i32
      scf.yield %scan3A_56 : i32
    }
    %while3A_34 = arith.constant 1 : i32
    %while3A_35 = scf.for %while3A_49 = %while3A_31 to %while3A_27 step %while3A_34 iter_args(%while3A_50 = %while3A_33) -> (i32)  : i32 {
      %scan3A_51 = arith.constant 0 : i32
      %scan3A_52 = arith.constant 0 : i32
      %scan3A_53 = arith.constant 8 : i32
      %scan3A_54 = arith.addi %scan3A_52, %scan3A_53 : i32
      %scan3A_55 = arith.constant 1 : i32
      %scan3A_56 = scf.for %scan3A_58 = %scan3A_52 to %scan3A_54 step %scan3A_55 iter_args(%scan3A_59 = %scan3A_51) -> (i32)  : i32 {
        %mul3A_60 = arith.constant 16 : i32
        %mul3A_61 = arith.muli %scan3A_58, %mul3A_60 : i32
        %get3A = arith.index_cast %while3A_49 : i32 to index
        %get3A_62 = arith.index_cast %mul3A_61 : i32 to index
        %get3A_63 = tpu.vector_load %arg6[%get3A, %get3A_62] {strides = array<i32>} : memref<2x128xi32, #tpu.memory_space<vmem>>, vector<1x16xi32>,
        %get3A_64 = vector.shape_cast %get3A_63 : vector<1x16xi32> to vector<16xi32>
        %mul3A_65 = arith.constant 2 : i32
        %mul3A_66 = vector.broadcast %mul3A_65 : i32 to vector<16xi32>
        %mul3A_67 = arith.muli %get3A_64, %mul3A_66 : vector<16xi32>
        %add3A_68 = vector.broadcast %arg0 : i32 to vector<16xi32>
        %add3A_69 = arith.addi %mul3A_67, %add3A_68 : vector<16xi32>
        %mul3A_70 = arith.constant 16 : i32
        %mul3A_71 = arith.muli %scan3A_58, %mul3A_70 : i32
        %swap3A = arith.index_cast %while3A_49 : i32 to index
        %swap3A_72 = arith.index_cast %mul3A_71 : i32 to index
        %swap3A_73 = tpu.vector_load %arg6[%swap3A, %swap3A_72] {strides = array<i32>} : memref<2x128xi32, #tpu.memory_space<vmem>>, vector<1x16xi32>,
        %swap3A_74 = vector.shape_cast %swap3A_73 : vector<1x16xi32> to vector<16xi32>
        %swap3A_75 = vector.shape_cast %add3A_69 : vector<16xi32> to vector<1x16xi32>
        tpu.vector_store %arg6[%swap3A, %swap3A_72], %swap3A_75 {strides = array<i32>} : memref<2x128xi32, #tpu.memory_space<vmem>>, vector<1x16xi32>,
        %scan3A_76 = arith.constant 0 : i32
        scf.yield %scan3A_76 : i32
      }
      %scan3A_57 = arith.constant 8 : i32
      scf.yield %scan3A_56 : i32
    }
    %barrier3A = arith.constant 0 : index
    tpu.barrier barrier_id(%barrier3A)
    %eq3A_36 = arith.constant 0 : i32
    %eq3A_37 = arith.cmpi eq, %arg0, %eq3A_36 : i32
    %convert_element_type3A_38 = arith.extui %eq3A_37 : i1 to i32
    %cond3A_39 = arith.constant 0 : i32
    %cond3A_40 = arith.cmpi ne, %convert_element_type3A_38, %cond3A_39 : i32
    scf.if %cond3A_40 {
      %dma_start3A = arith.constant 0 : i32
      %dma_start3A_49 = arith.constant 0 : i32
      %dma_start3A_50 = arith.constant 0 : i32
      %dma_start3A_51 = tpu.memref_slice %arg8[%dma_start3A_49, %dma_start3A_50] : memref<512x64xf32, #tpu.memory_space<vmem>> -> memref<128x64xf32, #tpu.memory_space<vmem>>
      %dma_start3A_52 = arith.constant 0 : i32
      %dma_start3A_53 = tpu.memref_slice %arg6[%dma_start3A, %dma_start3A_52] : memref<2x128xi32, #tpu.memory_space<vmem>> -> memref<1x128xi32, #tpu.memory_space<vmem>>
      %dma_start3A_54 = tpu.memref_squeeze %dma_start3A_53 : memref<1x128xi32, #tpu.memory_space<vmem>> -> memref<128xi32, #tpu.memory_space<vmem>>
      %dma_start3A_55 = arith.constant 0 : i32
      %dma_start3A_56 = arith.constant 0 : i32
      %dma_start3A_57 = tpu.memref_slice %arg2[%dma_start3A_55, %dma_start3A_56] : memref<20000x64xf32, #tpu.memory_space<hbm>> -> memref<20000x64xf32, #tpu.memory_space<hbm>>
      tpu.enqueue_indirect_dma source(%dma_start3A_57 : memref<20000x64xf32, #tpu.memory_space<hbm>>) target(%dma_start3A_51 : memref<128x64xf32, #tpu.memory_space<vmem>>) offsets(%dma_start3A_54 : memref<128xi32, #tpu.memory_space<vmem>>) semaphore(%arg11 : memref<!tpu.dma_semaphore, #tpu.memory_space<semaphore_mem>>)
      %dma_start3A_58 = arith.constant 1 : i32
      %dma_start3A_59 = arith.constant 128 : i32
      %dma_start3A_60 = arith.constant 0 : i32
      %dma_start3A_61 = tpu.memref_slice %arg8[%dma_start3A_59, %dma_start3A_60] : memref<512x64xf32, #tpu.memory_space<vmem>> -> memref<128x64xf32, #tpu.memory_space<vmem>>
      %dma_start3A_62 = arith.constant 0 : i32
      %dma_start3A_63 = tpu.memref_slice %arg6[%dma_start3A_58, %dma_start3A_62] : memref<2x128xi32, #tpu.memory_space<vmem>> -> memref<1x128xi32, #tpu.memory_space<vmem>>
      %dma_start3A_64 = tpu.memref_squeeze %dma_start3A_63 : memref<1x128xi32, #tpu.memory_space<vmem>> -> memref<128xi32, #tpu.memory_space<vmem>>
      %dma_start3A_65 = arith.constant 0 : i32
      %dma_start3A_66 = arith.constant 0 : i32
      %dma_start3A_67 = tpu.memref_slice %arg2[%dma_start3A_65, %dma_start3A_66] : memref<20000x64xf32, #tpu.memory_space<hbm>> -> memref<20000x64xf32, #tpu.memory_space<hbm>>
      tpu.enqueue_indirect_dma source(%dma_start3A_67 : memref<20000x64xf32, #tpu.memory_space<hbm>>) target(%dma_start3A_61 : memref<128x64xf32, #tpu.memory_space<vmem>>) offsets(%dma_start3A_64 : memref<128xi32, #tpu.memory_space<vmem>>) semaphore(%arg11 : memref<!tpu.dma_semaphore, #tpu.memory_space<semaphore_mem>>)
      %dma_start3A_68 = arith.constant 2 : i32
      %dma_start3A_69 = arith.constant 256 : i32
      %dma_start3A_70 = arith.constant 0 : i32
      %dma_start3A_71 = tpu.memref_slice %arg8[%dma_start3A_69, %dma_start3A_70] : memref<512x64xf32, #tpu.memory_space<vmem>> -> memref<128x64xf32, #tpu.memory_space<vmem>>
      %dma_start3A_72 = arith.constant 0 : i32
      %dma_start3A_73 = tpu.memref_slice %arg6[%dma_start3A_68, %dma_start3A_72] : memref<2x128xi32, #tpu.memory_space<vmem>> -> memref<1x128xi32, #tpu.memory_space<vmem>>
      %dma_start3A_74 = tpu.memref_squeeze %dma_start3A_73 : memref<1x128xi32, #tpu.memory_space<vmem>> -> memref<128xi32, #tpu.memory_space<vmem>>
      %dma_start3A_75 = arith.constant 0 : i32
      %dma_start3A_76 = arith.constant 0 : i32
      %dma_start3A_77 = tpu.memref_slice %arg2[%dma_start3A_75, %dma_start3A_76] : memref<20000x64xf32, #tpu.memory_space<hbm>> -> memref<20000x64xf32, #tpu.memory_space<hbm>>
      tpu.enqueue_indirect_dma source(%dma_start3A_77 : memref<20000x64xf32, #tpu.memory_space<hbm>>) target(%dma_start3A_71 : memref<128x64xf32, #tpu.memory_space<vmem>>) offsets(%dma_start3A_74 : memref<128xi32, #tpu.memory_space<vmem>>) semaphore(%arg11 : memref<!tpu.dma_semaphore, #tpu.memory_space<semaphore_mem>>)
      %while3A_78 = arith.constant 0 : i32
      %while3A_79 = arith.constant 0 : i32
      %while3A_80 = arith.subi %select_n3A, %while3A_78 : i32
      %while3A_81 = arith.addi %while3A_78, %while3A_80 : i32
      %while3A_82 = arith.constant 1 : i32
      %while3A_83 = arith.divsi %while3A_80, %while3A_82 : i32
      %while3A_84 = arith.muli %while3A_83, %while3A_82 : i32
      %while3A_85 = arith.addi %while3A_78, %while3A_84 : i32
      %while3A_86 = arith.constant 1 : i32
      %while3A_87 = scf.for %while3A_99 = %while3A_78 to %while3A_85 step %while3A_86 iter_args(%while3A_100 = %while3A_79) -> (i32)  : i32 {
        %rem3A = arith.constant 4 : i32
        %rem3A_101 = arith.remsi %while3A_99, %rem3A : i32
        %mul3A_102 = arith.constant 128 : i32
        %mul3A_103 = arith.muli %rem3A_101, %mul3A_102 : i32
        %dma_wait3A_104 = arith.constant 0 : i32
        %dma_wait3A_105 = tpu.memref_slice %arg8[%mul3A_103, %dma_wait3A_104] : memref<512x64xf32, #tpu.memory_space<vmem>> -> memref<128x64xf32, #tpu.memory_space<vmem>>
        %dma_wait3A_106 = arith.constant 0 : i32
        %dma_wait3A_107 = tpu.memref_slice %arg6[%while3A_99, %dma_wait3A_106] : memref<2x128xi32, #tpu.memory_space<vmem>> -> memref<1x128xi32, #tpu.memory_space<vmem>>
        %dma_wait3A_108 = tpu.memref_squeeze %dma_wait3A_107 : memref<1x128xi32, #tpu.memory_space<vmem>> -> memref<128xi32, #tpu.memory_space<vmem>>
        %dma_wait3A_109 = arith.constant 0 : i32
        %dma_wait3A_110 = arith.constant 0 : i32
        %dma_wait3A_111 = tpu.memref_slice %arg2[%dma_wait3A_109, %dma_wait3A_110] : memref<20000x64xf32, #tpu.memory_space<hbm>> -> memref<20000x64xf32, #tpu.memory_space<hbm>>
        tpu.wait_indirect_dma semaphore(%arg11 : memref<!tpu.dma_semaphore, #tpu.memory_space<semaphore_mem>>) src(%dma_wait3A_111 : memref<20000x64xf32, #tpu.memory_space<hbm>>) dst(%dma_wait3A_105 : memref<128x64xf32, #tpu.memory_space<vmem>>)
        %ge3A = arith.constant 1 : i32
        %ge3A_112 = arith.cmpi sge, %while3A_99, %ge3A : i32
        %convert_element_type3A_113 = arith.extui %ge3A_112 : i1 to i32
        %cond3A_114 = arith.constant 0 : i32
        %cond3A_115 = arith.cmpi ne, %convert_element_type3A_113, %cond3A_114 : i32
        scf.if %cond3A_115 {
          %add3A_131 = arith.constant 3 : i32
          %add3A_132 = arith.addi %while3A_99, %add3A_131 : i32
          %rem3A_133 = arith.constant 4 : i32
          %rem3A_134 = arith.remsi %add3A_132, %rem3A_133 : i32
          %mul3A_135 = arith.constant 128 : i32
          %mul3A_136 = arith.muli %rem3A_134, %mul3A_135 : i32
          %sub3A = arith.constant 1 : i32
          %sub3A_137 = arith.subi %while3A_99, %sub3A : i32
          %dma_wait3A_138 = arith.constant 0 : i32
          %dma_wait3A_139 = tpu.memref_slice %arg8[%mul3A_136, %dma_wait3A_138] : memref<512x64xf32, #tpu.memory_space<vmem>> -> memref<128x64xf32, #tpu.memory_space<vmem>>
          %dma_wait3A_140 = arith.constant 0 : i32
          %dma_wait3A_141 = tpu.memref_slice %arg7[%sub3A_137, %dma_wait3A_140] : memref<2x128xi32, #tpu.memory_space<vmem>> -> memref<1x128xi32, #tpu.memory_space<vmem>>
          %dma_wait3A_142 = tpu.memref_squeeze %dma_wait3A_141 : memref<1x128xi32, #tpu.memory_space<vmem>> -> memref<128xi32, #tpu.memory_space<vmem>>
          %dma_wait3A_143 = arith.constant 0 : i32
          %dma_wait3A_144 = arith.constant 0 : i32
          %dma_wait3A_145 = tpu.memref_slice %arg10[%dma_wait3A_143, %dma_wait3A_144] : memref<10000x64xf32, #tpu.memory_space<vmem_shared>> -> memref<10000x64xf32, #tpu.memory_space<vmem_shared>>
          tpu.wait_indirect_dma semaphore(%arg12 : memref<!tpu.dma_semaphore, #tpu.memory_space<semaphore_mem>>) src(%dma_wait3A_139 : memref<128x64xf32, #tpu.memory_space<vmem>>) dst(%dma_wait3A_145 : memref<10000x64xf32, #tpu.memory_space<vmem_shared>>)
        } else {
        }
        %add3A_116 = arith.constant 3 : i32
        %add3A_117 = arith.addi %while3A_99, %add3A_116 : i32
        %lt3A_118 = arith.cmpi slt, %add3A_117, %select_n3A : i32
        %convert_element_type3A_119 = arith.extui %lt3A_118 : i1 to i32
        %cond3A_120 = arith.constant 0 : i32
        %cond3A_121 = arith.cmpi ne, %convert_element_type3A_119, %cond3A_120 : i32
        scf.if %cond3A_121 {
          %add3A_131 = arith.constant 3 : i32
          %add3A_132 = arith.addi %while3A_99, %add3A_131 : i32
          %rem3A_133 = arith.constant 4 : i32
          %rem3A_134 = arith.remsi %add3A_132, %rem3A_133 : i32
          %add3A_135 = arith.constant 3 : i32
          %add3A_136 = arith.addi %while3A_99, %add3A_135 : i32
          %mul3A_137 = arith.constant 128 : i32
          %mul3A_138 = arith.muli %rem3A_134, %mul3A_137 : i32
          %dma_start3A_139 = arith.constant 0 : i32
          %dma_start3A_140 = tpu.memref_slice %arg8[%mul3A_138, %dma_start3A_139] : memref<512x64xf32, #tpu.memory_space<vmem>> -> memref<128x64xf32, #tpu.memory_space<vmem>>
          %dma_start3A_141 = arith.constant 0 : i32
          %dma_start3A_142 = tpu.memref_slice %arg6[%add3A_136, %dma_start3A_141] : memref<2x128xi32, #tpu.memory_space<vmem>> -> memref<1x128xi32, #tpu.memory_space<vmem>>
          %dma_start3A_143 = tpu.memref_squeeze %dma_start3A_142 : memref<1x128xi32, #tpu.memory_space<vmem>> -> memref<128xi32, #tpu.memory_space<vmem>>
          %dma_start3A_144 = arith.constant 0 : i32
          %dma_start3A_145 = arith.constant 0 : i32
          %dma_start3A_146 = tpu.memref_slice %arg2[%dma_start3A_144, %dma_start3A_145] : memref<20000x64xf32, #tpu.memory_space<hbm>> -> memref<20000x64xf32, #tpu.memory_space<hbm>>
          tpu.enqueue_indirect_dma source(%dma_start3A_146 : memref<20000x64xf32, #tpu.memory_space<hbm>>) target(%dma_start3A_140 : memref<128x64xf32, #tpu.memory_space<vmem>>) offsets(%dma_start3A_143 : memref<128xi32, #tpu.memory_space<vmem>>) semaphore(%arg11 : memref<!tpu.dma_semaphore, #tpu.memory_space<semaphore_mem>>)
        } else {
        }
        %dma_start3A_122 = arith.constant 0 : i32
        %dma_start3A_123 = tpu.memref_slice %arg8[%mul3A_103, %dma_start3A_122] : memref<512x64xf32, #tpu.memory_space<vmem>> -> memref<128x64xf32, #tpu.memory_space<vmem>>
        %dma_start3A_124 = arith.constant 0 : i32
        %dma_start3A_125 = tpu.memref_slice %arg7[%while3A_99, %dma_start3A_124] : memref<2x128xi32, #tpu.memory_space<vmem>> -> memref<1x128xi32, #tpu.memory_space<vmem>>
        %dma_start3A_126 = tpu.memref_squeeze %dma_start3A_125 : memref<1x128xi32, #tpu.memory_space<vmem>> -> memref<128xi32, #tpu.memory_space<vmem>>
        %dma_start3A_127 = arith.constant 0 : i32
        %dma_start3A_128 = arith.constant 0 : i32
        %dma_start3A_129 = tpu.memref_slice %arg10[%dma_start3A_127, %dma_start3A_128] : memref<10000x64xf32, #tpu.memory_space<vmem_shared>> -> memref<10000x64xf32, #tpu.memory_space<vmem_shared>>
        tpu.enqueue_indirect_dma source(%dma_start3A_123 : memref<128x64xf32, #tpu.memory_space<vmem>>) target(%dma_start3A_129 : memref<10000x64xf32, #tpu.memory_space<vmem_shared>>) offsets(%dma_start3A_126 : memref<128xi32, #tpu.memory_space<vmem>>) semaphore(%arg12 : memref<!tpu.dma_semaphore, #tpu.memory_space<semaphore_mem>>) {add = true}
        %while3A_130 = arith.constant 0 : i32
        scf.yield %while3A_130 : i32
      }
      %while3A_88 = arith.constant 1 : i32
      %while3A_89 = scf.for %while3A_99 = %while3A_85 to %while3A_81 step %while3A_88 iter_args(%while3A_100 = %while3A_87) -> (i32)  : i32 {
        %rem3A = arith.constant 4 : i32
        %rem3A_101 = arith.remsi %while3A_99, %rem3A : i32
        %mul3A_102 = arith.constant 128 : i32
        %mul3A_103 = arith.muli %rem3A_101, %mul3A_102 : i32
        %dma_wait3A_104 = arith.constant 0 : i32
        %dma_wait3A_105 = tpu.memref_slice %arg8[%mul3A_103, %dma_wait3A_104] : memref<512x64xf32, #tpu.memory_space<vmem>> -> memref<128x64xf32, #tpu.memory_space<vmem>>
        %dma_wait3A_106 = arith.constant 0 : i32
        %dma_wait3A_107 = tpu.memref_slice %arg6[%while3A_99, %dma_wait3A_106] : memref<2x128xi32, #tpu.memory_space<vmem>> -> memref<1x128xi32, #tpu.memory_space<vmem>>
        %dma_wait3A_108 = tpu.memref_squeeze %dma_wait3A_107 : memref<1x128xi32, #tpu.memory_space<vmem>> -> memref<128xi32, #tpu.memory_space<vmem>>
        %dma_wait3A_109 = arith.constant 0 : i32
        %dma_wait3A_110 = arith.constant 0 : i32
        %dma_wait3A_111 = tpu.memref_slice %arg2[%dma_wait3A_109, %dma_wait3A_110] : memref<20000x64xf32, #tpu.memory_space<hbm>> -> memref<20000x64xf32, #tpu.memory_space<hbm>>
        tpu.wait_indirect_dma semaphore(%arg11 : memref<!tpu.dma_semaphore, #tpu.memory_space<semaphore_mem>>) src(%dma_wait3A_111 : memref<20000x64xf32, #tpu.memory_space<hbm>>) dst(%dma_wait3A_105 : memref<128x64xf32, #tpu.memory_space<vmem>>)
        %ge3A = arith.constant 1 : i32
        %ge3A_112 = arith.cmpi sge, %while3A_99, %ge3A : i32
        %convert_element_type3A_113 = arith.extui %ge3A_112 : i1 to i32
        %cond3A_114 = arith.constant 0 : i32
        %cond3A_115 = arith.cmpi ne, %convert_element_type3A_113, %cond3A_114 : i32
        scf.if %cond3A_115 {
          %add3A_131 = arith.constant 3 : i32
          %add3A_132 = arith.addi %while3A_99, %add3A_131 : i32
          %rem3A_133 = arith.constant 4 : i32
          %rem3A_134 = arith.remsi %add3A_132, %rem3A_133 : i32
          %mul3A_135 = arith.constant 128 : i32
          %mul3A_136 = arith.muli %rem3A_134, %mul3A_135 : i32
          %sub3A = arith.constant 1 : i32
          %sub3A_137 = arith.subi %while3A_99, %sub3A : i32
          %dma_wait3A_138 = arith.constant 0 : i32
          %dma_wait3A_139 = tpu.memref_slice %arg8[%mul3A_136, %dma_wait3A_138] : memref<512x64xf32, #tpu.memory_space<vmem>> -> memref<128x64xf32, #tpu.memory_space<vmem>>
          %dma_wait3A_140 = arith.constant 0 : i32
          %dma_wait3A_141 = tpu.memref_slice %arg7[%sub3A_137, %dma_wait3A_140] : memref<2x128xi32, #tpu.memory_space<vmem>> -> memref<1x128xi32, #tpu.memory_space<vmem>>
          %dma_wait3A_142 = tpu.memref_squeeze %dma_wait3A_141 : memref<1x128xi32, #tpu.memory_space<vmem>> -> memref<128xi32, #tpu.memory_space<vmem>>
          %dma_wait3A_143 = arith.constant 0 : i32
          %dma_wait3A_144 = arith.constant 0 : i32
          %dma_wait3A_145 = tpu.memref_slice %arg10[%dma_wait3A_143, %dma_wait3A_144] : memref<10000x64xf32, #tpu.memory_space<vmem_shared>> -> memref<10000x64xf32, #tpu.memory_space<vmem_shared>>
          tpu.wait_indirect_dma semaphore(%arg12 : memref<!tpu.dma_semaphore, #tpu.memory_space<semaphore_mem>>) src(%dma_wait3A_139 : memref<128x64xf32, #tpu.memory_space<vmem>>) dst(%dma_wait3A_145 : memref<10000x64xf32, #tpu.memory_space<vmem_shared>>)
        } else {
        }
        %add3A_116 = arith.constant 3 : i32
        %add3A_117 = arith.addi %while3A_99, %add3A_116 : i32
        %lt3A_118 = arith.cmpi slt, %add3A_117, %select_n3A : i32
        %convert_element_type3A_119 = arith.extui %lt3A_118 : i1 to i32
        %cond3A_120 = arith.constant 0 : i32
        %cond3A_121 = arith.cmpi ne, %convert_element_type3A_119, %cond3A_120 : i32
        scf.if %cond3A_121 {
          %add3A_131 = arith.constant 3 : i32
          %add3A_132 = arith.addi %while3A_99, %add3A_131 : i32
          %rem3A_133 = arith.constant 4 : i32
          %rem3A_134 = arith.remsi %add3A_132, %rem3A_133 : i32
          %add3A_135 = arith.constant 3 : i32
          %add3A_136 = arith.addi %while3A_99, %add3A_135 : i32
          %mul3A_137 = arith.constant 128 : i32
          %mul3A_138 = arith.muli %rem3A_134, %mul3A_137 : i32
          %dma_start3A_139 = arith.constant 0 : i32
          %dma_start3A_140 = tpu.memref_slice %arg8[%mul3A_138, %dma_start3A_139] : memref<512x64xf32, #tpu.memory_space<vmem>> -> memref<128x64xf32, #tpu.memory_space<vmem>>
          %dma_start3A_141 = arith.constant 0 : i32
          %dma_start3A_142 = tpu.memref_slice %arg6[%add3A_136, %dma_start3A_141] : memref<2x128xi32, #tpu.memory_space<vmem>> -> memref<1x128xi32, #tpu.memory_space<vmem>>
          %dma_start3A_143 = tpu.memref_squeeze %dma_start3A_142 : memref<1x128xi32, #tpu.memory_space<vmem>> -> memref<128xi32, #tpu.memory_space<vmem>>
          %dma_start3A_144 = arith.constant 0 : i32
          %dma_start3A_145 = arith.constant 0 : i32
          %dma_start3A_146 = tpu.memref_slice %arg2[%dma_start3A_144, %dma_start3A_145] : memref<20000x64xf32, #tpu.memory_space<hbm>> -> memref<20000x64xf32, #tpu.memory_space<hbm>>
          tpu.enqueue_indirect_dma source(%dma_start3A_146 : memref<20000x64xf32, #tpu.memory_space<hbm>>) target(%dma_start3A_140 : memref<128x64xf32, #tpu.memory_space<vmem>>) offsets(%dma_start3A_143 : memref<128xi32, #tpu.memory_space<vmem>>) semaphore(%arg11 : memref<!tpu.dma_semaphore, #tpu.memory_space<semaphore_mem>>)
        } else {
        }
        %dma_start3A_122 = arith.constant 0 : i32
        %dma_start3A_123 = tpu.memref_slice %arg8[%mul3A_103, %dma_start3A_122] : memref<512x64xf32, #tpu.memory_space<vmem>> -> memref<128x64xf32, #tpu.memory_space<vmem>>
        %dma_start3A_124 = arith.constant 0 : i32
        %dma_start3A_125 = tpu.memref_slice %arg7[%while3A_99, %dma_start3A_124] : memref<2x128xi32, #tpu.memory_space<vmem>> -> memref<1x128xi32, #tpu.memory_space<vmem>>
        %dma_start3A_126 = tpu.memref_squeeze %dma_start3A_125 : memref<1x128xi32, #tpu.memory_space<vmem>> -> memref<128xi32, #tpu.memory_space<vmem>>
        %dma_start3A_127 = arith.constant 0 : i32
        %dma_start3A_128 = arith.constant 0 : i32
        %dma_start3A_129 = tpu.memref_slice %arg10[%dma_start3A_127, %dma_start3A_128] : memref<10000x64xf32, #tpu.memory_space<vmem_shared>> -> memref<10000x64xf32, #tpu.memory_space<vmem_shared>>
        tpu.enqueue_indirect_dma source(%dma_start3A_123 : memref<128x64xf32, #tpu.memory_space<vmem>>) target(%dma_start3A_129 : memref<10000x64xf32, #tpu.memory_space<vmem_shared>>) offsets(%dma_start3A_126 : memref<128xi32, #tpu.memory_space<vmem>>) semaphore(%arg12 : memref<!tpu.dma_semaphore, #tpu.memory_space<semaphore_mem>>) {add = true}
        %while3A_130 = arith.constant 0 : i32
        scf.yield %while3A_130 : i32
      }
      %dma_wait3A = arith.constant 0 : i32
      %dma_wait3A_90 = arith.constant 0 : i32
      %dma_wait3A_91 = arith.constant 0 : i32
      %dma_wait3A_92 = tpu.memref_slice %arg8[%dma_wait3A_90, %dma_wait3A_91] : memref<512x64xf32, #tpu.memory_space<vmem>> -> memref<128x64xf32, #tpu.memory_space<vmem>>
      %dma_wait3A_93 = arith.constant 0 : i32
      %dma_wait3A_94 = tpu.memref_slice %arg7[%dma_wait3A, %dma_wait3A_93] : memref<2x128xi32, #tpu.memory_space<vmem>> -> memref<1x128xi32, #tpu.memory_space<vmem>>
      %dma_wait3A_95 = tpu.memref_squeeze %dma_wait3A_94 : memref<1x128xi32, #tpu.memory_space<vmem>> -> memref<128xi32, #tpu.memory_space<vmem>>
      %dma_wait3A_96 = arith.constant 0 : i32
      %dma_wait3A_97 = arith.constant 0 : i32
      %dma_wait3A_98 = tpu.memref_slice %arg10[%dma_wait3A_96, %dma_wait3A_97] : memref<10000x64xf32, #tpu.memory_space<vmem_shared>> -> memref<10000x64xf32, #tpu.memory_space<vmem_shared>>
      tpu.wait_indirect_dma semaphore(%arg12 : memref<!tpu.dma_semaphore, #tpu.memory_space<semaphore_mem>>) src(%dma_wait3A_92 : memref<128x64xf32, #tpu.memory_space<vmem>>) dst(%dma_wait3A_98 : memref<10000x64xf32, #tpu.memory_space<vmem_shared>>)
    } else {
    }
    %eq3A_41 = arith.constant 1 : i32
    %eq3A_42 = arith.cmpi eq, %arg0, %eq3A_41 : i32
    %convert_element_type3A_43 = arith.extui %eq3A_42 : i1 to i32
    %cond3A_44 = arith.constant 0 : i32
    %cond3A_45 = arith.cmpi ne, %convert_element_type3A_43, %cond3A_44 : i32
    scf.if %cond3A_45 {
      %dma_start3A = arith.constant 0 : i32
      %dma_start3A_49 = arith.constant 0 : i32
      %dma_start3A_50 = arith.constant 0 : i32
      %dma_start3A_51 = tpu.memref_slice %arg8[%dma_start3A_49, %dma_start3A_50] : memref<512x64xf32, #tpu.memory_space<vmem>> -> memref<128x64xf32, #tpu.memory_space<vmem>>
      %dma_start3A_52 = arith.constant 0 : i32
      %dma_start3A_53 = tpu.memref_slice %arg6[%dma_start3A, %dma_start3A_52] : memref<2x128xi32, #tpu.memory_space<vmem>> -> memref<1x128xi32, #tpu.memory_space<vmem>>
      %dma_start3A_54 = tpu.memref_squeeze %dma_start3A_53 : memref<1x128xi32, #tpu.memory_space<vmem>> -> memref<128xi32, #tpu.memory_space<vmem>>
      %dma_start3A_55 = arith.constant 0 : i32
      %dma_start3A_56 = arith.constant 0 : i32
      %dma_start3A_57 = tpu.memref_slice %arg2[%dma_start3A_55, %dma_start3A_56] : memref<20000x64xf32, #tpu.memory_space<hbm>> -> memref<20000x64xf32, #tpu.memory_space<hbm>>
      tpu.enqueue_indirect_dma source(%dma_start3A_57 : memref<20000x64xf32, #tpu.memory_space<hbm>>) target(%dma_start3A_51 : memref<128x64xf32, #tpu.memory_space<vmem>>) offsets(%dma_start3A_54 : memref<128xi32, #tpu.memory_space<vmem>>) semaphore(%arg11 : memref<!tpu.dma_semaphore, #tpu.memory_space<semaphore_mem>>)
      %dma_start3A_58 = arith.constant 1 : i32
      %dma_start3A_59 = arith.constant 128 : i32
      %dma_start3A_60 = arith.constant 0 : i32
      %dma_start3A_61 = tpu.memref_slice %arg8[%dma_start3A_59, %dma_start3A_60] : memref<512x64xf32, #tpu.memory_space<vmem>> -> memref<128x64xf32, #tpu.memory_space<vmem>>
      %dma_start3A_62 = arith.constant 0 : i32
      %dma_start3A_63 = tpu.memref_slice %arg6[%dma_start3A_58, %dma_start3A_62] : memref<2x128xi32, #tpu.memory_space<vmem>> -> memref<1x128xi32, #tpu.memory_space<vmem>>
      %dma_start3A_64 = tpu.memref_squeeze %dma_start3A_63 : memref<1x128xi32, #tpu.memory_space<vmem>> -> memref<128xi32, #tpu.memory_space<vmem>>
      %dma_start3A_65 = arith.constant 0 : i32
      %dma_start3A_66 = arith.constant 0 : i32
      %dma_start3A_67 = tpu.memref_slice %arg2[%dma_start3A_65, %dma_start3A_66] : memref<20000x64xf32, #tpu.memory_space<hbm>> -> memref<20000x64xf32, #tpu.memory_space<hbm>>
      tpu.enqueue_indirect_dma source(%dma_start3A_67 : memref<20000x64xf32, #tpu.memory_space<hbm>>) target(%dma_start3A_61 : memref<128x64xf32, #tpu.memory_space<vmem>>) offsets(%dma_start3A_64 : memref<128xi32, #tpu.memory_space<vmem>>) semaphore(%arg11 : memref<!tpu.dma_semaphore, #tpu.memory_space<semaphore_mem>>)
      %dma_start3A_68 = arith.constant 2 : i32
      %dma_start3A_69 = arith.constant 256 : i32
      %dma_start3A_70 = arith.constant 0 : i32
      %dma_start3A_71 = tpu.memref_slice %arg8[%dma_start3A_69, %dma_start3A_70] : memref<512x64xf32, #tpu.memory_space<vmem>> -> memref<128x64xf32, #tpu.memory_space<vmem>>
      %dma_start3A_72 = arith.constant 0 : i32
      %dma_start3A_73 = tpu.memref_slice %arg6[%dma_start3A_68, %dma_start3A_72] : memref<2x128xi32, #tpu.memory_space<vmem>> -> memref<1x128xi32, #tpu.memory_space<vmem>>
      %dma_start3A_74 = tpu.memref_squeeze %dma_start3A_73 : memref<1x128xi32, #tpu.memory_space<vmem>> -> memref<128xi32, #tpu.memory_space<vmem>>
      %dma_start3A_75 = arith.constant 0 : i32
      %dma_start3A_76 = arith.constant 0 : i32
      %dma_start3A_77 = tpu.memref_slice %arg2[%dma_start3A_75, %dma_start3A_76] : memref<20000x64xf32, #tpu.memory_space<hbm>> -> memref<20000x64xf32, #tpu.memory_space<hbm>>
      tpu.enqueue_indirect_dma source(%dma_start3A_77 : memref<20000x64xf32, #tpu.memory_space<hbm>>) target(%dma_start3A_71 : memref<128x64xf32, #tpu.memory_space<vmem>>) offsets(%dma_start3A_74 : memref<128xi32, #tpu.memory_space<vmem>>) semaphore(%arg11 : memref<!tpu.dma_semaphore, #tpu.memory_space<semaphore_mem>>)
      %while3A_78 = arith.constant 0 : i32
      %while3A_79 = arith.constant 0 : i32
      %while3A_80 = arith.subi %select_n3A, %while3A_78 : i32
      %while3A_81 = arith.addi %while3A_78, %while3A_80 : i32
      %while3A_82 = arith.constant 1 : i32
      %while3A_83 = arith.divsi %while3A_80, %while3A_82 : i32
      %while3A_84 = arith.muli %while3A_83, %while3A_82 : i32
      %while3A_85 = arith.addi %while3A_78, %while3A_84 : i32
      %while3A_86 = arith.constant 1 : i32
      %while3A_87 = scf.for %while3A_99 = %while3A_78 to %while3A_85 step %while3A_86 iter_args(%while3A_100 = %while3A_79) -> (i32)  : i32 {
        %rem3A = arith.constant 4 : i32
        %rem3A_101 = arith.remsi %while3A_99, %rem3A : i32
        %mul3A_102 = arith.constant 128 : i32
        %mul3A_103 = arith.muli %rem3A_101, %mul3A_102 : i32
        %dma_wait3A_104 = arith.constant 0 : i32
        %dma_wait3A_105 = tpu.memref_slice %arg8[%mul3A_103, %dma_wait3A_104] : memref<512x64xf32, #tpu.memory_space<vmem>> -> memref<128x64xf32, #tpu.memory_space<vmem>>
        %dma_wait3A_106 = arith.constant 0 : i32
        %dma_wait3A_107 = tpu.memref_slice %arg6[%while3A_99, %dma_wait3A_106] : memref<2x128xi32, #tpu.memory_space<vmem>> -> memref<1x128xi32, #tpu.memory_space<vmem>>
        %dma_wait3A_108 = tpu.memref_squeeze %dma_wait3A_107 : memref<1x128xi32, #tpu.memory_space<vmem>> -> memref<128xi32, #tpu.memory_space<vmem>>
        %dma_wait3A_109 = arith.constant 0 : i32
        %dma_wait3A_110 = arith.constant 0 : i32
        %dma_wait3A_111 = tpu.memref_slice %arg2[%dma_wait3A_109, %dma_wait3A_110] : memref<20000x64xf32, #tpu.memory_space<hbm>> -> memref<20000x64xf32, #tpu.memory_space<hbm>>
        tpu.wait_indirect_dma semaphore(%arg11 : memref<!tpu.dma_semaphore, #tpu.memory_space<semaphore_mem>>) src(%dma_wait3A_111 : memref<20000x64xf32, #tpu.memory_space<hbm>>) dst(%dma_wait3A_105 : memref<128x64xf32, #tpu.memory_space<vmem>>)
        %ge3A = arith.constant 1 : i32
        %ge3A_112 = arith.cmpi sge, %while3A_99, %ge3A : i32
        %convert_element_type3A_113 = arith.extui %ge3A_112 : i1 to i32
        %cond3A_114 = arith.constant 0 : i32
        %cond3A_115 = arith.cmpi ne, %convert_element_type3A_113, %cond3A_114 : i32
        scf.if %cond3A_115 {
          %add3A_131 = arith.constant 3 : i32
          %add3A_132 = arith.addi %while3A_99, %add3A_131 : i32
          %rem3A_133 = arith.constant 4 : i32
          %rem3A_134 = arith.remsi %add3A_132, %rem3A_133 : i32
          %mul3A_135 = arith.constant 128 : i32
          %mul3A_136 = arith.muli %rem3A_134, %mul3A_135 : i32
          %sub3A = arith.constant 1 : i32
          %sub3A_137 = arith.subi %while3A_99, %sub3A : i32
          %dma_wait3A_138 = arith.constant 0 : i32
          %dma_wait3A_139 = tpu.memref_slice %arg8[%mul3A_136, %dma_wait3A_138] : memref<512x64xf32, #tpu.memory_space<vmem>> -> memref<128x64xf32, #tpu.memory_space<vmem>>
          %dma_wait3A_140 = arith.constant 0 : i32
          %dma_wait3A_141 = tpu.memref_slice %arg7[%sub3A_137, %dma_wait3A_140] : memref<2x128xi32, #tpu.memory_space<vmem>> -> memref<1x128xi32, #tpu.memory_space<vmem>>
          %dma_wait3A_142 = tpu.memref_squeeze %dma_wait3A_141 : memref<1x128xi32, #tpu.memory_space<vmem>> -> memref<128xi32, #tpu.memory_space<vmem>>
          %dma_wait3A_143 = arith.constant 0 : i32
          %dma_wait3A_144 = arith.constant 0 : i32
          %dma_wait3A_145 = tpu.memref_slice %arg10[%dma_wait3A_143, %dma_wait3A_144] : memref<10000x64xf32, #tpu.memory_space<vmem_shared>> -> memref<10000x64xf32, #tpu.memory_space<vmem_shared>>
          tpu.wait_indirect_dma semaphore(%arg12 : memref<!tpu.dma_semaphore, #tpu.memory_space<semaphore_mem>>) src(%dma_wait3A_139 : memref<128x64xf32, #tpu.memory_space<vmem>>) dst(%dma_wait3A_145 : memref<10000x64xf32, #tpu.memory_space<vmem_shared>>)
        } else {
        }
        %add3A_116 = arith.constant 3 : i32
        %add3A_117 = arith.addi %while3A_99, %add3A_116 : i32
        %lt3A_118 = arith.cmpi slt, %add3A_117, %select_n3A : i32
        %convert_element_type3A_119 = arith.extui %lt3A_118 : i1 to i32
        %cond3A_120 = arith.constant 0 : i32
        %cond3A_121 = arith.cmpi ne, %convert_element_type3A_119, %cond3A_120 : i32
        scf.if %cond3A_121 {
          %add3A_131 = arith.constant 3 : i32
          %add3A_132 = arith.addi %while3A_99, %add3A_131 : i32
          %rem3A_133 = arith.constant 4 : i32
          %rem3A_134 = arith.remsi %add3A_132, %rem3A_133 : i32
          %add3A_135 = arith.constant 3 : i32
          %add3A_136 = arith.addi %while3A_99, %add3A_135 : i32
          %mul3A_137 = arith.constant 128 : i32
          %mul3A_138 = arith.muli %rem3A_134, %mul3A_137 : i32
          %dma_start3A_139 = arith.constant 0 : i32
          %dma_start3A_140 = tpu.memref_slice %arg8[%mul3A_138, %dma_start3A_139] : memref<512x64xf32, #tpu.memory_space<vmem>> -> memref<128x64xf32, #tpu.memory_space<vmem>>
          %dma_start3A_141 = arith.constant 0 : i32
          %dma_start3A_142 = tpu.memref_slice %arg6[%add3A_136, %dma_start3A_141] : memref<2x128xi32, #tpu.memory_space<vmem>> -> memref<1x128xi32, #tpu.memory_space<vmem>>
          %dma_start3A_143 = tpu.memref_squeeze %dma_start3A_142 : memref<1x128xi32, #tpu.memory_space<vmem>> -> memref<128xi32, #tpu.memory_space<vmem>>
          %dma_start3A_144 = arith.constant 0 : i32
          %dma_start3A_145 = arith.constant 0 : i32
          %dma_start3A_146 = tpu.memref_slice %arg2[%dma_start3A_144, %dma_start3A_145] : memref<20000x64xf32, #tpu.memory_space<hbm>> -> memref<20000x64xf32, #tpu.memory_space<hbm>>
          tpu.enqueue_indirect_dma source(%dma_start3A_146 : memref<20000x64xf32, #tpu.memory_space<hbm>>) target(%dma_start3A_140 : memref<128x64xf32, #tpu.memory_space<vmem>>) offsets(%dma_start3A_143 : memref<128xi32, #tpu.memory_space<vmem>>) semaphore(%arg11 : memref<!tpu.dma_semaphore, #tpu.memory_space<semaphore_mem>>)
        } else {
        }
        %dma_start3A_122 = arith.constant 0 : i32
        %dma_start3A_123 = tpu.memref_slice %arg8[%mul3A_103, %dma_start3A_122] : memref<512x64xf32, #tpu.memory_space<vmem>> -> memref<128x64xf32, #tpu.memory_space<vmem>>
        %dma_start3A_124 = arith.constant 0 : i32
        %dma_start3A_125 = tpu.memref_slice %arg7[%while3A_99, %dma_start3A_124] : memref<2x128xi32, #tpu.memory_space<vmem>> -> memref<1x128xi32, #tpu.memory_space<vmem>>
        %dma_start3A_126 = tpu.memref_squeeze %dma_start3A_125 : memref<1x128xi32, #tpu.memory_space<vmem>> -> memref<128xi32, #tpu.memory_space<vmem>>
        %dma_start3A_127 = arith.constant 0 : i32
        %dma_start3A_128 = arith.constant 0 : i32
        %dma_start3A_129 = tpu.memref_slice %arg10[%dma_start3A_127, %dma_start3A_128] : memref<10000x64xf32, #tpu.memory_space<vmem_shared>> -> memref<10000x64xf32, #tpu.memory_space<vmem_shared>>
        tpu.enqueue_indirect_dma source(%dma_start3A_123 : memref<128x64xf32, #tpu.memory_space<vmem>>) target(%dma_start3A_129 : memref<10000x64xf32, #tpu.memory_space<vmem_shared>>) offsets(%dma_start3A_126 : memref<128xi32, #tpu.memory_space<vmem>>) semaphore(%arg12 : memref<!tpu.dma_semaphore, #tpu.memory_space<semaphore_mem>>) {add = true}
        %while3A_130 = arith.constant 0 : i32
        scf.yield %while3A_130 : i32
      }
      %while3A_88 = arith.constant 1 : i32
      %while3A_89 = scf.for %while3A_99 = %while3A_85 to %while3A_81 step %while3A_88 iter_args(%while3A_100 = %while3A_87) -> (i32)  : i32 {
        %rem3A = arith.constant 4 : i32
        %rem3A_101 = arith.remsi %while3A_99, %rem3A : i32
        %mul3A_102 = arith.constant 128 : i32
        %mul3A_103 = arith.muli %rem3A_101, %mul3A_102 : i32
        %dma_wait3A_104 = arith.constant 0 : i32
        %dma_wait3A_105 = tpu.memref_slice %arg8[%mul3A_103, %dma_wait3A_104] : memref<512x64xf32, #tpu.memory_space<vmem>> -> memref<128x64xf32, #tpu.memory_space<vmem>>
        %dma_wait3A_106 = arith.constant 0 : i32
        %dma_wait3A_107 = tpu.memref_slice %arg6[%while3A_99, %dma_wait3A_106] : memref<2x128xi32, #tpu.memory_space<vmem>> -> memref<1x128xi32, #tpu.memory_space<vmem>>
        %dma_wait3A_108 = tpu.memref_squeeze %dma_wait3A_107 : memref<1x128xi32, #tpu.memory_space<vmem>> -> memref<128xi32, #tpu.memory_space<vmem>>
        %dma_wait3A_109 = arith.constant 0 : i32
        %dma_wait3A_110 = arith.constant 0 : i32
        %dma_wait3A_111 = tpu.memref_slice %arg2[%dma_wait3A_109, %dma_wait3A_110] : memref<20000x64xf32, #tpu.memory_space<hbm>> -> memref<20000x64xf32, #tpu.memory_space<hbm>>
        tpu.wait_indirect_dma semaphore(%arg11 : memref<!tpu.dma_semaphore, #tpu.memory_space<semaphore_mem>>) src(%dma_wait3A_111 : memref<20000x64xf32, #tpu.memory_space<hbm>>) dst(%dma_wait3A_105 : memref<128x64xf32, #tpu.memory_space<vmem>>)
        %ge3A = arith.constant 1 : i32
        %ge3A_112 = arith.cmpi sge, %while3A_99, %ge3A : i32
        %convert_element_type3A_113 = arith.extui %ge3A_112 : i1 to i32
        %cond3A_114 = arith.constant 0 : i32
        %cond3A_115 = arith.cmpi ne, %convert_element_type3A_113, %cond3A_114 : i32
        scf.if %cond3A_115 {
          %add3A_131 = arith.constant 3 : i32
          %add3A_132 = arith.addi %while3A_99, %add3A_131 : i32
          %rem3A_133 = arith.constant 4 : i32
          %rem3A_134 = arith.remsi %add3A_132, %rem3A_133 : i32
          %mul3A_135 = arith.constant 128 : i32
          %mul3A_136 = arith.muli %rem3A_134, %mul3A_135 : i32
          %sub3A = arith.constant 1 : i32
          %sub3A_137 = arith.subi %while3A_99, %sub3A : i32
          %dma_wait3A_138 = arith.constant 0 : i32
          %dma_wait3A_139 = tpu.memref_slice %arg8[%mul3A_136, %dma_wait3A_138] : memref<512x64xf32, #tpu.memory_space<vmem>> -> memref<128x64xf32, #tpu.memory_space<vmem>>
          %dma_wait3A_140 = arith.constant 0 : i32
          %dma_wait3A_141 = tpu.memref_slice %arg7[%sub3A_137, %dma_wait3A_140] : memref<2x128xi32, #tpu.memory_space<vmem>> -> memref<1x128xi32, #tpu.memory_space<vmem>>
          %dma_wait3A_142 = tpu.memref_squeeze %dma_wait3A_141 : memref<1x128xi32, #tpu.memory_space<vmem>> -> memref<128xi32, #tpu.memory_space<vmem>>
          %dma_wait3A_143 = arith.constant 0 : i32
          %dma_wait3A_144 = arith.constant 0 : i32
          %dma_wait3A_145 = tpu.memref_slice %arg10[%dma_wait3A_143, %dma_wait3A_144] : memref<10000x64xf32, #tpu.memory_space<vmem_shared>> -> memref<10000x64xf32, #tpu.memory_space<vmem_shared>>
          tpu.wait_indirect_dma semaphore(%arg12 : memref<!tpu.dma_semaphore, #tpu.memory_space<semaphore_mem>>) src(%dma_wait3A_139 : memref<128x64xf32, #tpu.memory_space<vmem>>) dst(%dma_wait3A_145 : memref<10000x64xf32, #tpu.memory_space<vmem_shared>>)
        } else {
        }
        %add3A_116 = arith.constant 3 : i32
        %add3A_117 = arith.addi %while3A_99, %add3A_116 : i32
        %lt3A_118 = arith.cmpi slt, %add3A_117, %select_n3A : i32
        %convert_element_type3A_119 = arith.extui %lt3A_118 : i1 to i32
        %cond3A_120 = arith.constant 0 : i32
        %cond3A_121 = arith.cmpi ne, %convert_element_type3A_119, %cond3A_120 : i32
        scf.if %cond3A_121 {
          %add3A_131 = arith.constant 3 : i32
          %add3A_132 = arith.addi %while3A_99, %add3A_131 : i32
          %rem3A_133 = arith.constant 4 : i32
          %rem3A_134 = arith.remsi %add3A_132, %rem3A_133 : i32
          %add3A_135 = arith.constant 3 : i32
          %add3A_136 = arith.addi %while3A_99, %add3A_135 : i32
          %mul3A_137 = arith.constant 128 : i32
          %mul3A_138 = arith.muli %rem3A_134, %mul3A_137 : i32
          %dma_start3A_139 = arith.constant 0 : i32
          %dma_start3A_140 = tpu.memref_slice %arg8[%mul3A_138, %dma_start3A_139] : memref<512x64xf32, #tpu.memory_space<vmem>> -> memref<128x64xf32, #tpu.memory_space<vmem>>
          %dma_start3A_141 = arith.constant 0 : i32
          %dma_start3A_142 = tpu.memref_slice %arg6[%add3A_136, %dma_start3A_141] : memref<2x128xi32, #tpu.memory_space<vmem>> -> memref<1x128xi32, #tpu.memory_space<vmem>>
          %dma_start3A_143 = tpu.memref_squeeze %dma_start3A_142 : memref<1x128xi32, #tpu.memory_space<vmem>> -> memref<128xi32, #tpu.memory_space<vmem>>
          %dma_start3A_144 = arith.constant 0 : i32
          %dma_start3A_145 = arith.constant 0 : i32
          %dma_start3A_146 = tpu.memref_slice %arg2[%dma_start3A_144, %dma_start3A_145] : memref<20000x64xf32, #tpu.memory_space<hbm>> -> memref<20000x64xf32, #tpu.memory_space<hbm>>
          tpu.enqueue_indirect_dma source(%dma_start3A_146 : memref<20000x64xf32, #tpu.memory_space<hbm>>) target(%dma_start3A_140 : memref<128x64xf32, #tpu.memory_space<vmem>>) offsets(%dma_start3A_143 : memref<128xi32, #tpu.memory_space<vmem>>) semaphore(%arg11 : memref<!tpu.dma_semaphore, #tpu.memory_space<semaphore_mem>>)
        } else {
        }
        %dma_start3A_122 = arith.constant 0 : i32
        %dma_start3A_123 = tpu.memref_slice %arg8[%mul3A_103, %dma_start3A_122] : memref<512x64xf32, #tpu.memory_space<vmem>> -> memref<128x64xf32, #tpu.memory_space<vmem>>
        %dma_start3A_124 = arith.constant 0 : i32
        %dma_start3A_125 = tpu.memref_slice %arg7[%while3A_99, %dma_start3A_124] : memref<2x128xi32, #tpu.memory_space<vmem>> -> memref<1x128xi32, #tpu.memory_space<vmem>>
        %dma_start3A_126 = tpu.memref_squeeze %dma_start3A_125 : memref<1x128xi32, #tpu.memory_space<vmem>> -> memref<128xi32, #tpu.memory_space<vmem>>
        %dma_start3A_127 = arith.constant 0 : i32
        %dma_start3A_128 = arith.constant 0 : i32
        %dma_start3A_129 = tpu.memref_slice %arg10[%dma_start3A_127, %dma_start3A_128] : memref<10000x64xf32, #tpu.memory_space<vmem_shared>> -> memref<10000x64xf32, #tpu.memory_space<vmem_shared>>
        tpu.enqueue_indirect_dma source(%dma_start3A_123 : memref<128x64xf32, #tpu.memory_space<vmem>>) target(%dma_start3A_129 : memref<10000x64xf32, #tpu.memory_space<vmem_shared>>) offsets(%dma_start3A_126 : memref<128xi32, #tpu.memory_space<vmem>>) semaphore(%arg12 : memref<!tpu.dma_semaphore, #tpu.memory_space<semaphore_mem>>) {add = true}
        %while3A_130 = arith.constant 0 : i32
        scf.yield %while3A_130 : i32
      }
      %dma_wait3A = arith.constant 0 : i32
      %dma_wait3A_90 = arith.constant 0 : i32
      %dma_wait3A_91 = arith.constant 0 : i32
      %dma_wait3A_92 = tpu.memref_slice %arg8[%dma_wait3A_90, %dma_wait3A_91] : memref<512x64xf32, #tpu.memory_space<vmem>> -> memref<128x64xf32, #tpu.memory_space<vmem>>
      %dma_wait3A_93 = arith.constant 0 : i32
      %dma_wait3A_94 = tpu.memref_slice %arg7[%dma_wait3A, %dma_wait3A_93] : memref<2x128xi32, #tpu.memory_space<vmem>> -> memref<1x128xi32, #tpu.memory_space<vmem>>
      %dma_wait3A_95 = tpu.memref_squeeze %dma_wait3A_94 : memref<1x128xi32, #tpu.memory_space<vmem>> -> memref<128xi32, #tpu.memory_space<vmem>>
      %dma_wait3A_96 = arith.constant 0 : i32
      %dma_wait3A_97 = arith.constant 0 : i32
      %dma_wait3A_98 = tpu.memref_slice %arg10[%dma_wait3A_96, %dma_wait3A_97] : memref<10000x64xf32, #tpu.memory_space<vmem_shared>> -> memref<10000x64xf32, #tpu.memory_space<vmem_shared>>
      tpu.wait_indirect_dma semaphore(%arg12 : memref<!tpu.dma_semaphore, #tpu.memory_space<semaphore_mem>>) src(%dma_wait3A_92 : memref<128x64xf32, #tpu.memory_space<vmem>>) dst(%dma_wait3A_98 : memref<10000x64xf32, #tpu.memory_space<vmem_shared>>)
    } else {
    }
    %barrier3A_46 = arith.constant 0 : index
    tpu.barrier barrier_id(%barrier3A_46)
    %mul3A_47 = arith.constant 64 : i32
    %mul3A_48 = arith.muli %arg0, %mul3A_47 : i32
    "tpu.region"() ({
      %run_scoped3A = tpu.sem_alloc : memref<!tpu.dma_semaphore, #tpu.memory_space<semaphore_mem>>
      %dma_start3A = tpu.memref_slice %arg5[%mul3A_0, %mul3A_48] : memref<10000x128xf32, #tpu.memory_space<hbm>> -> memref<625x64xf32, #tpu.memory_space<hbm>>
      %dma_start3A_49 = arith.constant 0 : i32
      %dma_start3A_50 = tpu.memref_slice %arg10[%mul3A_0, %dma_start3A_49] : memref<10000x64xf32, #tpu.memory_space<vmem_shared>> -> memref<625x64xf32, #tpu.memory_space<vmem_shared>>
      tpu.enqueue_dma source(%dma_start3A_50 : memref<625x64xf32, #tpu.memory_space<vmem_shared>>) target(%dma_start3A : memref<625x64xf32, #tpu.memory_space<hbm>>) target_semaphore(%run_scoped3A : memref<!tpu.dma_semaphore, #tpu.memory_space<semaphore_mem>>)
      %dma_wait3A = tpu.memref_slice %arg5[%mul3A_0, %mul3A_48] : memref<10000x128xf32, #tpu.memory_space<hbm>> -> memref<625x64xf32, #tpu.memory_space<hbm>>
      %dma_wait3A_51 = arith.constant 0 : i32
      %dma_wait3A_52 = tpu.memref_slice %arg10[%mul3A_0, %dma_wait3A_51] : memref<10000x64xf32, #tpu.memory_space<vmem_shared>> -> memref<625x64xf32, #tpu.memory_space<vmem_shared>>
      tpu.wait_dma2 semaphore(%run_scoped3A : memref<!tpu.dma_semaphore, #tpu.memory_space<semaphore_mem>>) src(%dma_wait3A_52 : memref<625x64xf32, #tpu.memory_space<vmem_shared>>) dst(%dma_wait3A : memref<625x64xf32, #tpu.memory_space<hbm>>)
      tpu.yield
    }) : () -> ()
    return
  }
}

#map = affine_map<(d0, d1) -> (0, 0)>
#map1 = affine_map<(d0, d1) -> (0, 0, 0)>
module attributes {stable_mosaic.version = 14 : i64} {
  func.func @body(%arg0: i32, %arg1: i32, %arg2: memref<20000x64xf32, #tpu.memory_space<hbm>>, %arg3: memref<2500x128xi32, #tpu.memory_space<hbm>>, %arg4: memref<2500x128xi32, #tpu.memory_space<hbm>>, %arg5: memref<10000x128xf32, #tpu.memory_space<hbm>>, %arg6: memref<2x10000x16xf32, #tpu.memory_space<hbm>>, %arg7: memref<2x128xi32, #tpu.memory_space<vmem>>, %arg8: memref<2x128xi32, #tpu.memory_space<vmem>>, %arg9: memref<384x64xf32, #tpu.memory_space<vmem>>, %arg10: memref<128x64xf32, #tpu.memory_space<vmem>>, %arg11: memref<10000x64xf32, #tpu.memory_space<vmem_shared>>, %arg12: memref<!tpu.dma_semaphore, #tpu.memory_space<semaphore_mem>>, %arg13: memref<!tpu.dma_semaphore, #tpu.memory_space<semaphore_mem>>, %arg14: memref<128x16xf32, #tpu.memory_space<vmem>>, %arg15: memref<128x16xf32, #tpu.memory_space<vmem>>, %arg16: memref<10000x16xf32, #tpu.memory_space<vmem_shared>>) attributes {dimension_semantics = [#tpu.dimension_semantics<core_parallel>, #tpu.dimension_semantics<subcore_parallel>], iteration_bounds = array<i64: 2, 16>, scalar_prefetch = 0 : i64, scratch_operands = 10 : i64, tpu.core_type = #tpu.core_type<sc_vector_subcore>, window_params = [{transform_indices = #map}, {transform_indices = #map}, {transform_indices = #map}, {transform_indices = #map}, {transform_indices = #map1}]} {
    %mul3A = arith.constant 625 : i32
    %mul3A_0 = arith.muli %arg1, %mul3A : i32
    %eq3A = arith.constant 15 : i32
    %eq3A_1 = arith.cmpi eq, %arg1, %eq3A : i32
    %jit3A = arith.constant 145 : i32
    %jit3A_2 = arith.constant 2 : i32
    %select_n3A = arith.select %eq3A_1, %jit3A, %jit3A_2 : i32
    %broadcast_in_dim3A = arith.constant 0.000000e+00 : f32
    %broadcast_in_dim3A_3 = vector.broadcast %broadcast_in_dim3A : f32 to vector<16xf32>
    %scan3A = arith.constant 0 : i32
    %scan3A_4 = arith.constant 0 : i32
    %scan3A_5 = arith.constant 128 : i32
    %scan3A_6 = arith.addi %scan3A_4, %scan3A_5 : i32
    %scan3A_7 = arith.constant 1 : i32
    %scan3A_8 = scf.for %scan3A_69 = %scan3A_4 to %scan3A_6 step %scan3A_7 iter_args(%scan3A_70 = %scan3A) -> (i32)  : i32 {
      %scan3A_71 = arith.constant 0 : i32
      %scan3A_72 = arith.constant 0 : i32
      %scan3A_73 = arith.constant 4 : i32
      %scan3A_74 = arith.addi %scan3A_72, %scan3A_73 : i32
      %scan3A_75 = arith.constant 1 : i32
      %scan3A_76 = scf.for %scan3A_78 = %scan3A_72 to %scan3A_74 step %scan3A_75 iter_args(%scan3A_79 = %scan3A_71) -> (i32)  : i32 {
        %mul3A_80 = arith.constant 16 : i32
        %mul3A_81 = arith.muli %scan3A_78, %mul3A_80 : i32
        %swap3A = arith.index_cast %scan3A_69 : i32 to index
        %swap3A_82 = arith.index_cast %mul3A_81 : i32 to index
        %swap3A_83 = tpu.vector_load %arg10[%swap3A, %swap3A_82] {strides = array<i32>} : memref<128x64xf32, #tpu.memory_space<vmem>>, vector<1x16xf32>,
        %swap3A_84 = vector.shape_cast %swap3A_83 : vector<1x16xf32> to vector<16xf32>
        %swap3A_85 = vector.shape_cast %broadcast_in_dim3A_3 : vector<16xf32> to vector<1x16xf32>
        tpu.vector_store %arg10[%swap3A, %swap3A_82], %swap3A_85 {strides = array<i32>} : memref<128x64xf32, #tpu.memory_space<vmem>>, vector<1x16xf32>,
        %scan3A_86 = arith.constant 0 : i32
        scf.yield %scan3A_86 : i32
      }
      %scan3A_77 = arith.constant 4 : i32
      scf.yield %scan3A_76 : i32
    }
    %scan3A_9 = arith.constant 128 : i32
    %broadcast_in_dim3A_10 = arith.constant 1.000000e+00 : f32
    %broadcast_in_dim3A_11 = vector.broadcast %broadcast_in_dim3A_10 : f32 to vector<16xf32>
    %scan3A_12 = arith.constant 0 : i32
    %scan3A_13 = arith.constant 0 : i32
    %scan3A_14 = arith.constant 128 : i32
    %scan3A_15 = arith.addi %scan3A_13, %scan3A_14 : i32
    %scan3A_16 = arith.constant 1 : i32
    %scan3A_17 = scf.for %scan3A_69 = %scan3A_13 to %scan3A_15 step %scan3A_16 iter_args(%scan3A_70 = %scan3A_12) -> (i32)  : i32 {
      %scan3A_71 = arith.constant 0 : i32
      %scan3A_72 = arith.constant 0 : i32
      %mul3A_73 = arith.constant 16 : i32
      %mul3A_74 = arith.muli %scan3A_72, %mul3A_73 : i32
      %swap3A = arith.index_cast %scan3A_69 : i32 to index
      %swap3A_75 = arith.index_cast %mul3A_74 : i32 to index
      %swap3A_76 = tpu.vector_load %arg14[%swap3A, %swap3A_75] {strides = array<i32>} : memref<128x16xf32, #tpu.memory_space<vmem>>, vector<1x16xf32>,
      %swap3A_77 = vector.shape_cast %swap3A_76 : vector<1x16xf32> to vector<16xf32>
      %swap3A_78 = vector.shape_cast %broadcast_in_dim3A_11 : vector<16xf32> to vector<1x16xf32>
      tpu.vector_store %arg14[%swap3A, %swap3A_75], %swap3A_78 {strides = array<i32>} : memref<128x16xf32, #tpu.memory_space<vmem>>, vector<1x16xf32>,
      %scan3A_79 = arith.constant 0 : i32
      %scan3A_80 = arith.constant 1 : i32
      scf.yield %scan3A_79 : i32
    }
    %scan3A_18 = arith.constant 128 : i32
    %broadcast_in_dim3A_19 = arith.constant 0.000000e+00 : f32
    %broadcast_in_dim3A_20 = vector.broadcast %broadcast_in_dim3A_19 : f32 to vector<16xf32>
    %scan3A_21 = arith.constant 0 : i32
    %scan3A_22 = arith.constant 0 : i32
    %scan3A_23 = arith.constant 128 : i32
    %scan3A_24 = arith.addi %scan3A_22, %scan3A_23 : i32
    %scan3A_25 = arith.constant 1 : i32
    %scan3A_26 = scf.for %scan3A_69 = %scan3A_22 to %scan3A_24 step %scan3A_25 iter_args(%scan3A_70 = %scan3A_21) -> (i32)  : i32 {
      %scan3A_71 = arith.constant 0 : i32
      %scan3A_72 = arith.constant 0 : i32
      %mul3A_73 = arith.constant 16 : i32
      %mul3A_74 = arith.muli %scan3A_72, %mul3A_73 : i32
      %swap3A = arith.index_cast %scan3A_69 : i32 to index
      %swap3A_75 = arith.index_cast %mul3A_74 : i32 to index
      %swap3A_76 = tpu.vector_load %arg15[%swap3A, %swap3A_75] {strides = array<i32>} : memref<128x16xf32, #tpu.memory_space<vmem>>, vector<1x16xf32>,
      %swap3A_77 = vector.shape_cast %swap3A_76 : vector<1x16xf32> to vector<16xf32>
      %swap3A_78 = vector.shape_cast %broadcast_in_dim3A_20 : vector<16xf32> to vector<1x16xf32>
      tpu.vector_store %arg15[%swap3A, %swap3A_75], %swap3A_78 {strides = array<i32>} : memref<128x16xf32, #tpu.memory_space<vmem>>, vector<1x16xf32>,
      %scan3A_79 = arith.constant 0 : i32
      %scan3A_80 = arith.constant 1 : i32
      scf.yield %scan3A_79 : i32
    }
    %scan3A_27 = arith.constant 128 : i32
    %scan3A_28 = arith.constant 0 : i32
    %scan3A_29 = arith.constant 0 : i32
    %scan3A_30 = arith.constant 4 : i32
    %scan3A_31 = arith.addi %scan3A_29, %scan3A_30 : i32
    %scan3A_32 = arith.constant 1 : i32
    %scan3A_33 = scf.for %scan3A_69 = %scan3A_29 to %scan3A_31 step %scan3A_32 iter_args(%scan3A_70 = %scan3A_28) -> (i32)  : i32 {
      %mul3A_71 = arith.constant 128 : i32
      %mul3A_72 = arith.muli %scan3A_69, %mul3A_71 : i32
      %add3A_73 = arith.addi %mul3A_0, %mul3A_72 : i32
      "tpu.region"() ({
        %run_scoped3A = tpu.sem_alloc : memref<!tpu.dma_semaphore, #tpu.memory_space<semaphore_mem>>
        %dma_start3A = arith.constant 0 : i32
        %dma_start3A_78 = tpu.memref_slice %arg11[%add3A_73, %dma_start3A] : memref<10000x64xf32, #tpu.memory_space<vmem_shared>> -> memref<128x64xf32, #tpu.memory_space<vmem_shared>>
        %dma_start3A_79 = arith.constant 0 : i32
        %dma_start3A_80 = tpu.memref_slice %arg11[%add3A_73, %dma_start3A_79] : memref<10000x64xf32, #tpu.memory_space<vmem_shared>> -> memref<128x64xf32, #tpu.memory_space<vmem_shared>>
        tpu.enqueue_dma source(%arg10 : memref<128x64xf32, #tpu.memory_space<vmem>>) target(%dma_start3A_80 : memref<128x64xf32, #tpu.memory_space<vmem_shared>>) target_semaphore(%run_scoped3A : memref<!tpu.dma_semaphore, #tpu.memory_space<semaphore_mem>>)
        %dma_wait3A = arith.constant 0 : i32
        %dma_wait3A_81 = tpu.memref_slice %arg11[%add3A_73, %dma_wait3A] : memref<10000x64xf32, #tpu.memory_space<vmem_shared>> -> memref<128x64xf32, #tpu.memory_space<vmem_shared>>
        %dma_wait3A_82 = arith.constant 0 : i32
        %dma_wait3A_83 = tpu.memref_slice %arg11[%add3A_73, %dma_wait3A_82] : memref<10000x64xf32, #tpu.memory_space<vmem_shared>> -> memref<128x64xf32, #tpu.memory_space<vmem_shared>>
        tpu.wait_dma2 semaphore(%run_scoped3A : memref<!tpu.dma_semaphore, #tpu.memory_space<semaphore_mem>>) src(%arg10 : memref<128x64xf32, #tpu.memory_space<vmem>>) dst(%dma_wait3A_83 : memref<128x64xf32, #tpu.memory_space<vmem_shared>>)
        tpu.yield
      }) : () -> ()
      %mul3A_74 = arith.constant 128 : i32
      %mul3A_75 = arith.muli %scan3A_69, %mul3A_74 : i32
      %add3A_76 = arith.addi %mul3A_0, %mul3A_75 : i32
      "tpu.region"() ({
        %run_scoped3A = tpu.sem_alloc : memref<!tpu.dma_semaphore, #tpu.memory_space<semaphore_mem>>
        %dma_start3A = arith.constant 0 : i32
        %dma_start3A_78 = tpu.memref_slice %arg16[%add3A_76, %dma_start3A] : memref<10000x16xf32, #tpu.memory_space<vmem_shared>> -> memref<128x16xf32, #tpu.memory_space<vmem_shared>>
        %dma_start3A_79 = arith.constant 0 : i32
        %dma_start3A_80 = tpu.memref_slice %arg16[%add3A_76, %dma_start3A_79] : memref<10000x16xf32, #tpu.memory_space<vmem_shared>> -> memref<128x16xf32, #tpu.memory_space<vmem_shared>>
        tpu.enqueue_dma source(%arg15 : memref<128x16xf32, #tpu.memory_space<vmem>>) target(%dma_start3A_80 : memref<128x16xf32, #tpu.memory_space<vmem_shared>>) target_semaphore(%run_scoped3A : memref<!tpu.dma_semaphore, #tpu.memory_space<semaphore_mem>>)
        %dma_wait3A = arith.constant 0 : i32
        %dma_wait3A_81 = tpu.memref_slice %arg16[%add3A_76, %dma_wait3A] : memref<10000x16xf32, #tpu.memory_space<vmem_shared>> -> memref<128x16xf32, #tpu.memory_space<vmem_shared>>
        %dma_wait3A_82 = arith.constant 0 : i32
        %dma_wait3A_83 = tpu.memref_slice %arg16[%add3A_76, %dma_wait3A_82] : memref<10000x16xf32, #tpu.memory_space<vmem_shared>> -> memref<128x16xf32, #tpu.memory_space<vmem_shared>>
        tpu.wait_dma2 semaphore(%run_scoped3A : memref<!tpu.dma_semaphore, #tpu.memory_space<semaphore_mem>>) src(%arg15 : memref<128x16xf32, #tpu.memory_space<vmem>>) dst(%dma_wait3A_83 : memref<128x16xf32, #tpu.memory_space<vmem_shared>>)
        tpu.yield
      }) : () -> ()
      %scan3A_77 = arith.constant 0 : i32
      scf.yield %scan3A_77 : i32
    }
    %scan3A_34 = arith.constant 4 : i32
    %add3A = arith.constant 512 : i32
    %add3A_35 = arith.addi %mul3A_0, %add3A : i32
    "tpu.region"() ({
      %run_scoped3A = tpu.sem_alloc : memref<!tpu.dma_semaphore, #tpu.memory_space<semaphore_mem>>
      %dma_start3A = arith.constant 0 : i32
      %dma_start3A_69 = arith.constant 0 : i32
      %dma_start3A_70 = tpu.memref_slice %arg10[%dma_start3A, %dma_start3A_69] : memref<128x64xf32, #tpu.memory_space<vmem>> -> memref<113x64xf32, #tpu.memory_space<vmem>>
      %dma_start3A_71 = arith.constant 0 : i32
      %dma_start3A_72 = tpu.memref_slice %arg11[%add3A_35, %dma_start3A_71] : memref<10000x64xf32, #tpu.memory_space<vmem_shared>> -> memref<113x64xf32, #tpu.memory_space<vmem_shared>>
      %dma_start3A_73 = arith.constant 0 : i32
      %dma_start3A_74 = tpu.memref_slice %arg11[%add3A_35, %dma_start3A_73] : memref<10000x64xf32, #tpu.memory_space<vmem_shared>> -> memref<113x64xf32, #tpu.memory_space<vmem_shared>>
      %dma_start3A_75 = arith.constant 0 : i32
      %dma_start3A_76 = arith.constant 0 : i32
      %dma_start3A_77 = tpu.memref_slice %arg10[%dma_start3A_75, %dma_start3A_76] : memref<128x64xf32, #tpu.memory_space<vmem>> -> memref<113x64xf32, #tpu.memory_space<vmem>>
      tpu.enqueue_dma source(%dma_start3A_77 : memref<113x64xf32, #tpu.memory_space<vmem>>) target(%dma_start3A_74 : memref<113x64xf32, #tpu.memory_space<vmem_shared>>) target_semaphore(%run_scoped3A : memref<!tpu.dma_semaphore, #tpu.memory_space<semaphore_mem>>)
      %dma_wait3A = arith.constant 0 : i32
      %dma_wait3A_78 = arith.constant 0 : i32
      %dma_wait3A_79 = tpu.memref_slice %arg10[%dma_wait3A, %dma_wait3A_78] : memref<128x64xf32, #tpu.memory_space<vmem>> -> memref<113x64xf32, #tpu.memory_space<vmem>>
      %dma_wait3A_80 = arith.constant 0 : i32
      %dma_wait3A_81 = tpu.memref_slice %arg11[%add3A_35, %dma_wait3A_80] : memref<10000x64xf32, #tpu.memory_space<vmem_shared>> -> memref<113x64xf32, #tpu.memory_space<vmem_shared>>
      %dma_wait3A_82 = arith.constant 0 : i32
      %dma_wait3A_83 = tpu.memref_slice %arg11[%add3A_35, %dma_wait3A_82] : memref<10000x64xf32, #tpu.memory_space<vmem_shared>> -> memref<113x64xf32, #tpu.memory_space<vmem_shared>>
      %dma_wait3A_84 = arith.constant 0 : i32
      %dma_wait3A_85 = arith.constant 0 : i32
      %dma_wait3A_86 = tpu.memref_slice %arg10[%dma_wait3A_84, %dma_wait3A_85] : memref<128x64xf32, #tpu.memory_space<vmem>> -> memref<113x64xf32, #tpu.memory_space<vmem>>
      tpu.wait_dma2 semaphore(%run_scoped3A : memref<!tpu.dma_semaphore, #tpu.memory_space<semaphore_mem>>) src(%dma_wait3A_86 : memref<113x64xf32, #tpu.memory_space<vmem>>) dst(%dma_wait3A_83 : memref<113x64xf32, #tpu.memory_space<vmem_shared>>)
      tpu.yield
    }) : () -> ()
    %add3A_36 = arith.constant 512 : i32
    %add3A_37 = arith.addi %mul3A_0, %add3A_36 : i32
    "tpu.region"() ({
      %run_scoped3A = tpu.sem_alloc : memref<!tpu.dma_semaphore, #tpu.memory_space<semaphore_mem>>
      %dma_start3A = arith.constant 0 : i32
      %dma_start3A_69 = arith.constant 0 : i32
      %dma_start3A_70 = tpu.memref_slice %arg15[%dma_start3A, %dma_start3A_69] : memref<128x16xf32, #tpu.memory_space<vmem>> -> memref<113x16xf32, #tpu.memory_space<vmem>>
      %dma_start3A_71 = arith.constant 0 : i32
      %dma_start3A_72 = tpu.memref_slice %arg16[%add3A_37, %dma_start3A_71] : memref<10000x16xf32, #tpu.memory_space<vmem_shared>> -> memref<113x16xf32, #tpu.memory_space<vmem_shared>>
      %dma_start3A_73 = arith.constant 0 : i32
      %dma_start3A_74 = tpu.memref_slice %arg16[%add3A_37, %dma_start3A_73] : memref<10000x16xf32, #tpu.memory_space<vmem_shared>> -> memref<113x16xf32, #tpu.memory_space<vmem_shared>>
      %dma_start3A_75 = arith.constant 0 : i32
      %dma_start3A_76 = arith.constant 0 : i32
      %dma_start3A_77 = tpu.memref_slice %arg15[%dma_start3A_75, %dma_start3A_76] : memref<128x16xf32, #tpu.memory_space<vmem>> -> memref<113x16xf32, #tpu.memory_space<vmem>>
      tpu.enqueue_dma source(%dma_start3A_77 : memref<113x16xf32, #tpu.memory_space<vmem>>) target(%dma_start3A_74 : memref<113x16xf32, #tpu.memory_space<vmem_shared>>) target_semaphore(%run_scoped3A : memref<!tpu.dma_semaphore, #tpu.memory_space<semaphore_mem>>)
      %dma_wait3A = arith.constant 0 : i32
      %dma_wait3A_78 = arith.constant 0 : i32
      %dma_wait3A_79 = tpu.memref_slice %arg15[%dma_wait3A, %dma_wait3A_78] : memref<128x16xf32, #tpu.memory_space<vmem>> -> memref<113x16xf32, #tpu.memory_space<vmem>>
      %dma_wait3A_80 = arith.constant 0 : i32
      %dma_wait3A_81 = tpu.memref_slice %arg16[%add3A_37, %dma_wait3A_80] : memref<10000x16xf32, #tpu.memory_space<vmem_shared>> -> memref<113x16xf32, #tpu.memory_space<vmem_shared>>
      %dma_wait3A_82 = arith.constant 0 : i32
      %dma_wait3A_83 = tpu.memref_slice %arg16[%add3A_37, %dma_wait3A_82] : memref<10000x16xf32, #tpu.memory_space<vmem_shared>> -> memref<113x16xf32, #tpu.memory_space<vmem_shared>>
      %dma_wait3A_84 = arith.constant 0 : i32
      %dma_wait3A_85 = arith.constant 0 : i32
      %dma_wait3A_86 = tpu.memref_slice %arg15[%dma_wait3A_84, %dma_wait3A_85] : memref<128x16xf32, #tpu.memory_space<vmem>> -> memref<113x16xf32, #tpu.memory_space<vmem>>
      tpu.wait_dma2 semaphore(%run_scoped3A : memref<!tpu.dma_semaphore, #tpu.memory_space<semaphore_mem>>) src(%dma_wait3A_86 : memref<113x16xf32, #tpu.memory_space<vmem>>) dst(%dma_wait3A_83 : memref<113x16xf32, #tpu.memory_space<vmem_shared>>)
      tpu.yield
    }) : () -> ()
    %lt3A = arith.constant 15 : i32
    %lt3A_38 = arith.cmpi slt, %arg1, %lt3A : i32
    %convert_element_type3A = arith.extui %lt3A_38 : i1 to i32
    %cond3A = arith.constant 0 : i32
    %cond3A_39 = arith.cmpi ne, %convert_element_type3A, %cond3A : i32
    scf.if %cond3A_39 {
      %mul3A_69 = arith.constant 2 : i32
      %mul3A_70 = arith.muli %arg1, %mul3A_69 : i32
      "tpu.region"() ({
        %run_scoped3A = tpu.sem_alloc : memref<!tpu.dma_semaphore, #tpu.memory_space<semaphore_mem>>
        %dma_start3A = arith.constant 0 : i32
        %dma_start3A_73 = tpu.memref_slice %arg3[%mul3A_70, %dma_start3A] : memref<2500x128xi32, #tpu.memory_space<hbm>> -> memref<2x128xi32, #tpu.memory_space<hbm>>
        %dma_start3A_74 = arith.constant 0 : i32
        %dma_start3A_75 = tpu.memref_slice %arg3[%mul3A_70, %dma_start3A_74] : memref<2500x128xi32, #tpu.memory_space<hbm>> -> memref<2x128xi32, #tpu.memory_space<hbm>>
        tpu.enqueue_dma source(%dma_start3A_75 : memref<2x128xi32, #tpu.memory_space<hbm>>) target(%arg7 : memref<2x128xi32, #tpu.memory_space<vmem>>) target_semaphore(%run_scoped3A : memref<!tpu.dma_semaphore, #tpu.memory_space<semaphore_mem>>)
        %dma_wait3A = arith.constant 0 : i32
        %dma_wait3A_76 = tpu.memref_slice %arg3[%mul3A_70, %dma_wait3A] : memref<2500x128xi32, #tpu.memory_space<hbm>> -> memref<2x128xi32, #tpu.memory_space<hbm>>
        %dma_wait3A_77 = arith.constant 0 : i32
        %dma_wait3A_78 = tpu.memref_slice %arg3[%mul3A_70, %dma_wait3A_77] : memref<2500x128xi32, #tpu.memory_space<hbm>> -> memref<2x128xi32, #tpu.memory_space<hbm>>
        tpu.wait_dma2 semaphore(%run_scoped3A : memref<!tpu.dma_semaphore, #tpu.memory_space<semaphore_mem>>) src(%dma_wait3A_78 : memref<2x128xi32, #tpu.memory_space<hbm>>) dst(%arg7 : memref<2x128xi32, #tpu.memory_space<vmem>>)
        tpu.yield
      }) : () -> ()
      %mul3A_71 = arith.constant 2 : i32
      %mul3A_72 = arith.muli %arg1, %mul3A_71 : i32
      "tpu.region"() ({
        %run_scoped3A = tpu.sem_alloc : memref<!tpu.dma_semaphore, #tpu.memory_space<semaphore_mem>>
        %dma_start3A = arith.constant 0 : i32
        %dma_start3A_73 = tpu.memref_slice %arg4[%mul3A_72, %dma_start3A] : memref<2500x128xi32, #tpu.memory_space<hbm>> -> memref<2x128xi32, #tpu.memory_space<hbm>>
        %dma_start3A_74 = arith.constant 0 : i32
        %dma_start3A_75 = tpu.memref_slice %arg4[%mul3A_72, %dma_start3A_74] : memref<2500x128xi32, #tpu.memory_space<hbm>> -> memref<2x128xi32, #tpu.memory_space<hbm>>
        tpu.enqueue_dma source(%dma_start3A_75 : memref<2x128xi32, #tpu.memory_space<hbm>>) target(%arg8 : memref<2x128xi32, #tpu.memory_space<vmem>>) target_semaphore(%run_scoped3A : memref<!tpu.dma_semaphore, #tpu.memory_space<semaphore_mem>>)
        %dma_wait3A = arith.constant 0 : i32
        %dma_wait3A_76 = tpu.memref_slice %arg4[%mul3A_72, %dma_wait3A] : memref<2500x128xi32, #tpu.memory_space<hbm>> -> memref<2x128xi32, #tpu.memory_space<hbm>>
        %dma_wait3A_77 = arith.constant 0 : i32
        %dma_wait3A_78 = tpu.memref_slice %arg4[%mul3A_72, %dma_wait3A_77] : memref<2500x128xi32, #tpu.memory_space<hbm>> -> memref<2x128xi32, #tpu.memory_space<hbm>>
        tpu.wait_dma2 semaphore(%run_scoped3A : memref<!tpu.dma_semaphore, #tpu.memory_space<semaphore_mem>>) src(%dma_wait3A_78 : memref<2x128xi32, #tpu.memory_space<hbm>>) dst(%arg8 : memref<2x128xi32, #tpu.memory_space<vmem>>)
        tpu.yield
      }) : () -> ()
    } else {
    }
    %eq3A_40 = arith.constant 15 : i32
    %eq3A_41 = arith.cmpi eq, %arg1, %eq3A_40 : i32
    %convert_element_type3A_42 = arith.extui %eq3A_41 : i1 to i32
    %cond3A_43 = arith.constant 0 : i32
    %cond3A_44 = arith.cmpi ne, %convert_element_type3A_42, %cond3A_43 : i32
    scf.if %cond3A_44 {
      "tpu.region"() ({
        %run_scoped3A = tpu.sem_alloc : memref<!tpu.dma_semaphore, #tpu.memory_space<semaphore_mem>>
        %dma_start3A = arith.constant 0 : i32
        %dma_start3A_69 = arith.constant 0 : i32
        %dma_start3A_70 = tpu.memref_slice %arg7[%dma_start3A, %dma_start3A_69] : memref<2x128xi32, #tpu.memory_space<vmem>> -> memref<145x128xi32, #tpu.memory_space<vmem>>
        %dma_start3A_71 = arith.constant 30 : i32
        %dma_start3A_72 = arith.constant 0 : i32
        %dma_start3A_73 = tpu.memref_slice %arg3[%dma_start3A_71, %dma_start3A_72] : memref<2500x128xi32, #tpu.memory_space<hbm>> -> memref<145x128xi32, #tpu.memory_space<hbm>>
        %dma_start3A_74 = arith.constant 0 : i32
        %dma_start3A_75 = arith.constant 0 : i32
        %dma_start3A_76 = tpu.memref_slice %arg7[%dma_start3A_74, %dma_start3A_75] : memref<2x128xi32, #tpu.memory_space<vmem>> -> memref<145x128xi32, #tpu.memory_space<vmem>>
        %dma_start3A_77 = arith.constant 30 : i32
        %dma_start3A_78 = arith.constant 0 : i32
        %dma_start3A_79 = tpu.memref_slice %arg3[%dma_start3A_77, %dma_start3A_78] : memref<2500x128xi32, #tpu.memory_space<hbm>> -> memref<145x128xi32, #tpu.memory_space<hbm>>
        tpu.enqueue_dma source(%dma_start3A_79 : memref<145x128xi32, #tpu.memory_space<hbm>>) target(%dma_start3A_76 : memref<145x128xi32, #tpu.memory_space<vmem>>) target_semaphore(%run_scoped3A : memref<!tpu.dma_semaphore, #tpu.memory_space<semaphore_mem>>)
        %dma_wait3A = arith.constant 0 : i32
        %dma_wait3A_80 = arith.constant 0 : i32
        %dma_wait3A_81 = tpu.memref_slice %arg7[%dma_wait3A, %dma_wait3A_80] : memref<2x128xi32, #tpu.memory_space<vmem>> -> memref<145x128xi32, #tpu.memory_space<vmem>>
        %dma_wait3A_82 = arith.constant 30 : i32
        %dma_wait3A_83 = arith.constant 0 : i32
        %dma_wait3A_84 = tpu.memref_slice %arg3[%dma_wait3A_82, %dma_wait3A_83] : memref<2500x128xi32, #tpu.memory_space<hbm>> -> memref<145x128xi32, #tpu.memory_space<hbm>>
        %dma_wait3A_85 = arith.constant 0 : i32
        %dma_wait3A_86 = arith.constant 0 : i32
        %dma_wait3A_87 = tpu.memref_slice %arg7[%dma_wait3A_85, %dma_wait3A_86] : memref<2x128xi32, #tpu.memory_space<vmem>> -> memref<145x128xi32, #tpu.memory_space<vmem>>
        %dma_wait3A_88 = arith.constant 30 : i32
        %dma_wait3A_89 = arith.constant 0 : i32
        %dma_wait3A_90 = tpu.memref_slice %arg3[%dma_wait3A_88, %dma_wait3A_89] : memref<2500x128xi32, #tpu.memory_space<hbm>> -> memref<145x128xi32, #tpu.memory_space<hbm>>
        tpu.wait_dma2 semaphore(%run_scoped3A : memref<!tpu.dma_semaphore, #tpu.memory_space<semaphore_mem>>) src(%dma_wait3A_90 : memref<145x128xi32, #tpu.memory_space<hbm>>) dst(%dma_wait3A_87 : memref<145x128xi32, #tpu.memory_space<vmem>>)
        tpu.yield
      }) : () -> ()
      "tpu.region"() ({
        %run_scoped3A = tpu.sem_alloc : memref<!tpu.dma_semaphore, #tpu.memory_space<semaphore_mem>>
        %dma_start3A = arith.constant 0 : i32
        %dma_start3A_69 = arith.constant 0 : i32
        %dma_start3A_70 = tpu.memref_slice %arg8[%dma_start3A, %dma_start3A_69] : memref<2x128xi32, #tpu.memory_space<vmem>> -> memref<145x128xi32, #tpu.memory_space<vmem>>
        %dma_start3A_71 = arith.constant 30 : i32
        %dma_start3A_72 = arith.constant 0 : i32
        %dma_start3A_73 = tpu.memref_slice %arg4[%dma_start3A_71, %dma_start3A_72] : memref<2500x128xi32, #tpu.memory_space<hbm>> -> memref<145x128xi32, #tpu.memory_space<hbm>>
        %dma_start3A_74 = arith.constant 0 : i32
        %dma_start3A_75 = arith.constant 0 : i32
        %dma_start3A_76 = tpu.memref_slice %arg8[%dma_start3A_74, %dma_start3A_75] : memref<2x128xi32, #tpu.memory_space<vmem>> -> memref<145x128xi32, #tpu.memory_space<vmem>>
        %dma_start3A_77 = arith.constant 30 : i32
        %dma_start3A_78 = arith.constant 0 : i32
        %dma_start3A_79 = tpu.memref_slice %arg4[%dma_start3A_77, %dma_start3A_78] : memref<2500x128xi32, #tpu.memory_space<hbm>> -> memref<145x128xi32, #tpu.memory_space<hbm>>
        tpu.enqueue_dma source(%dma_start3A_79 : memref<145x128xi32, #tpu.memory_space<hbm>>) target(%dma_start3A_76 : memref<145x128xi32, #tpu.memory_space<vmem>>) target_semaphore(%run_scoped3A : memref<!tpu.dma_semaphore, #tpu.memory_space<semaphore_mem>>)
        %dma_wait3A = arith.constant 0 : i32
        %dma_wait3A_80 = arith.constant 0 : i32
        %dma_wait3A_81 = tpu.memref_slice %arg8[%dma_wait3A, %dma_wait3A_80] : memref<2x128xi32, #tpu.memory_space<vmem>> -> memref<145x128xi32, #tpu.memory_space<vmem>>
        %dma_wait3A_82 = arith.constant 30 : i32
        %dma_wait3A_83 = arith.constant 0 : i32
        %dma_wait3A_84 = tpu.memref_slice %arg4[%dma_wait3A_82, %dma_wait3A_83] : memref<2500x128xi32, #tpu.memory_space<hbm>> -> memref<145x128xi32, #tpu.memory_space<hbm>>
        %dma_wait3A_85 = arith.constant 0 : i32
        %dma_wait3A_86 = arith.constant 0 : i32
        %dma_wait3A_87 = tpu.memref_slice %arg8[%dma_wait3A_85, %dma_wait3A_86] : memref<2x128xi32, #tpu.memory_space<vmem>> -> memref<145x128xi32, #tpu.memory_space<vmem>>
        %dma_wait3A_88 = arith.constant 30 : i32
        %dma_wait3A_89 = arith.constant 0 : i32
        %dma_wait3A_90 = tpu.memref_slice %arg4[%dma_wait3A_88, %dma_wait3A_89] : memref<2500x128xi32, #tpu.memory_space<hbm>> -> memref<145x128xi32, #tpu.memory_space<hbm>>
        tpu.wait_dma2 semaphore(%run_scoped3A : memref<!tpu.dma_semaphore, #tpu.memory_space<semaphore_mem>>) src(%dma_wait3A_90 : memref<145x128xi32, #tpu.memory_space<hbm>>) dst(%dma_wait3A_87 : memref<145x128xi32, #tpu.memory_space<vmem>>)
        tpu.yield
      }) : () -> ()
    } else {
    }
    %while3A = arith.constant 0 : i32
    %while3A_45 = arith.constant 0 : i32
    %while3A_46 = arith.subi %select_n3A, %while3A : i32
    %while3A_47 = arith.addi %while3A, %while3A_46 : i32
    %while3A_48 = arith.constant 1 : i32
    %while3A_49 = arith.divsi %while3A_46, %while3A_48 : i32
    %while3A_50 = arith.muli %while3A_49, %while3A_48 : i32
    %while3A_51 = arith.addi %while3A, %while3A_50 : i32
    %while3A_52 = arith.constant 1 : i32
    %while3A_53 = scf.for %while3A_69 = %while3A to %while3A_51 step %while3A_52 iter_args(%while3A_70 = %while3A_45) -> (i32)  : i32 {
      %scan3A_71 = arith.constant 0 : i32
      %scan3A_72 = arith.constant 0 : i32
      %scan3A_73 = arith.constant 8 : i32
      %scan3A_74 = arith.addi %scan3A_72, %scan3A_73 : i32
      %scan3A_75 = arith.constant 1 : i32
      %scan3A_76 = scf.for %scan3A_78 = %scan3A_72 to %scan3A_74 step %scan3A_75 iter_args(%scan3A_79 = %scan3A_71) -> (i32)  : i32 {
        %mul3A_80 = arith.constant 16 : i32
        %mul3A_81 = arith.muli %scan3A_78, %mul3A_80 : i32
        %get3A = arith.index_cast %while3A_69 : i32 to index
        %get3A_82 = arith.index_cast %mul3A_81 : i32 to index
        %get3A_83 = tpu.vector_load %arg7[%get3A, %get3A_82] {strides = array<i32>} : memref<2x128xi32, #tpu.memory_space<vmem>>, vector<1x16xi32>,
        %get3A_84 = vector.shape_cast %get3A_83 : vector<1x16xi32> to vector<16xi32>
        %mul3A_85 = arith.constant 2 : i32
        %mul3A_86 = vector.broadcast %mul3A_85 : i32 to vector<16xi32>
        %mul3A_87 = arith.muli %get3A_84, %mul3A_86 : vector<16xi32>
        %add3A_88 = vector.broadcast %arg0 : i32 to vector<16xi32>
        %add3A_89 = arith.addi %mul3A_87, %add3A_88 : vector<16xi32>
        %mul3A_90 = arith.constant 16 : i32
        %mul3A_91 = arith.muli %scan3A_78, %mul3A_90 : i32
        %swap3A = arith.index_cast %while3A_69 : i32 to index
        %swap3A_92 = arith.index_cast %mul3A_91 : i32 to index
        %swap3A_93 = tpu.vector_load %arg7[%swap3A, %swap3A_92] {strides = array<i32>} : memref<2x128xi32, #tpu.memory_space<vmem>>, vector<1x16xi32>,
        %swap3A_94 = vector.shape_cast %swap3A_93 : vector<1x16xi32> to vector<16xi32>
        %swap3A_95 = vector.shape_cast %add3A_89 : vector<16xi32> to vector<1x16xi32>
        tpu.vector_store %arg7[%swap3A, %swap3A_92], %swap3A_95 {strides = array<i32>} : memref<2x128xi32, #tpu.memory_space<vmem>>, vector<1x16xi32>,
        %scan3A_96 = arith.constant 0 : i32
        scf.yield %scan3A_96 : i32
      }
      %scan3A_77 = arith.constant 8 : i32
      scf.yield %scan3A_76 : i32
    }
    %while3A_54 = arith.constant 1 : i32
    %while3A_55 = scf.for %while3A_69 = %while3A_51 to %while3A_47 step %while3A_54 iter_args(%while3A_70 = %while3A_53) -> (i32)  : i32 {
      %scan3A_71 = arith.constant 0 : i32
      %scan3A_72 = arith.constant 0 : i32
      %scan3A_73 = arith.constant 8 : i32
      %scan3A_74 = arith.addi %scan3A_72, %scan3A_73 : i32
      %scan3A_75 = arith.constant 1 : i32
      %scan3A_76 = scf.for %scan3A_78 = %scan3A_72 to %scan3A_74 step %scan3A_75 iter_args(%scan3A_79 = %scan3A_71) -> (i32)  : i32 {
        %mul3A_80 = arith.constant 16 : i32
        %mul3A_81 = arith.muli %scan3A_78, %mul3A_80 : i32
        %get3A = arith.index_cast %while3A_69 : i32 to index
        %get3A_82 = arith.index_cast %mul3A_81 : i32 to index
        %get3A_83 = tpu.vector_load %arg7[%get3A, %get3A_82] {strides = array<i32>} : memref<2x128xi32, #tpu.memory_space<vmem>>, vector<1x16xi32>,
        %get3A_84 = vector.shape_cast %get3A_83 : vector<1x16xi32> to vector<16xi32>
        %mul3A_85 = arith.constant 2 : i32
        %mul3A_86 = vector.broadcast %mul3A_85 : i32 to vector<16xi32>
        %mul3A_87 = arith.muli %get3A_84, %mul3A_86 : vector<16xi32>
        %add3A_88 = vector.broadcast %arg0 : i32 to vector<16xi32>
        %add3A_89 = arith.addi %mul3A_87, %add3A_88 : vector<16xi32>
        %mul3A_90 = arith.constant 16 : i32
        %mul3A_91 = arith.muli %scan3A_78, %mul3A_90 : i32
        %swap3A = arith.index_cast %while3A_69 : i32 to index
        %swap3A_92 = arith.index_cast %mul3A_91 : i32 to index
        %swap3A_93 = tpu.vector_load %arg7[%swap3A, %swap3A_92] {strides = array<i32>} : memref<2x128xi32, #tpu.memory_space<vmem>>, vector<1x16xi32>,
        %swap3A_94 = vector.shape_cast %swap3A_93 : vector<1x16xi32> to vector<16xi32>
        %swap3A_95 = vector.shape_cast %add3A_89 : vector<16xi32> to vector<1x16xi32>
        tpu.vector_store %arg7[%swap3A, %swap3A_92], %swap3A_95 {strides = array<i32>} : memref<2x128xi32, #tpu.memory_space<vmem>>, vector<1x16xi32>,
        %scan3A_96 = arith.constant 0 : i32
        scf.yield %scan3A_96 : i32
      }
      %scan3A_77 = arith.constant 8 : i32
      scf.yield %scan3A_76 : i32
    }
    %barrier3A = arith.constant 0 : index
    tpu.barrier barrier_id(%barrier3A)
    %eq3A_56 = arith.constant 0 : i32
    %eq3A_57 = arith.cmpi eq, %arg0, %eq3A_56 : i32
    %convert_element_type3A_58 = arith.extui %eq3A_57 : i1 to i32
    %cond3A_59 = arith.constant 0 : i32
    %cond3A_60 = arith.cmpi ne, %convert_element_type3A_58, %cond3A_59 : i32
    scf.if %cond3A_60 {
      %dma_start3A = arith.constant 0 : i32
      %dma_start3A_69 = arith.constant 0 : i32
      %dma_start3A_70 = arith.constant 0 : i32
      %dma_start3A_71 = tpu.memref_slice %arg9[%dma_start3A_69, %dma_start3A_70] : memref<384x64xf32, #tpu.memory_space<vmem>> -> memref<128x64xf32, #tpu.memory_space<vmem>>
      %dma_start3A_72 = arith.constant 0 : i32
      %dma_start3A_73 = tpu.memref_slice %arg7[%dma_start3A, %dma_start3A_72] : memref<2x128xi32, #tpu.memory_space<vmem>> -> memref<1x128xi32, #tpu.memory_space<vmem>>
      %dma_start3A_74 = tpu.memref_squeeze %dma_start3A_73 : memref<1x128xi32, #tpu.memory_space<vmem>> -> memref<128xi32, #tpu.memory_space<vmem>>
      %dma_start3A_75 = arith.constant 0 : i32
      %dma_start3A_76 = arith.constant 0 : i32
      %dma_start3A_77 = tpu.memref_slice %arg2[%dma_start3A_75, %dma_start3A_76] : memref<20000x64xf32, #tpu.memory_space<hbm>> -> memref<20000x64xf32, #tpu.memory_space<hbm>>
      tpu.enqueue_indirect_dma source(%dma_start3A_77 : memref<20000x64xf32, #tpu.memory_space<hbm>>) target(%dma_start3A_71 : memref<128x64xf32, #tpu.memory_space<vmem>>) offsets(%dma_start3A_74 : memref<128xi32, #tpu.memory_space<vmem>>) semaphore(%arg12 : memref<!tpu.dma_semaphore, #tpu.memory_space<semaphore_mem>>)
      %dma_start3A_78 = arith.constant 1 : i32
      %dma_start3A_79 = arith.constant 128 : i32
      %dma_start3A_80 = arith.constant 0 : i32
      %dma_start3A_81 = tpu.memref_slice %arg9[%dma_start3A_79, %dma_start3A_80] : memref<384x64xf32, #tpu.memory_space<vmem>> -> memref<128x64xf32, #tpu.memory_space<vmem>>
      %dma_start3A_82 = arith.constant 0 : i32
      %dma_start3A_83 = tpu.memref_slice %arg7[%dma_start3A_78, %dma_start3A_82] : memref<2x128xi32, #tpu.memory_space<vmem>> -> memref<1x128xi32, #tpu.memory_space<vmem>>
      %dma_start3A_84 = tpu.memref_squeeze %dma_start3A_83 : memref<1x128xi32, #tpu.memory_space<vmem>> -> memref<128xi32, #tpu.memory_space<vmem>>
      %dma_start3A_85 = arith.constant 0 : i32
      %dma_start3A_86 = arith.constant 0 : i32
      %dma_start3A_87 = tpu.memref_slice %arg2[%dma_start3A_85, %dma_start3A_86] : memref<20000x64xf32, #tpu.memory_space<hbm>> -> memref<20000x64xf32, #tpu.memory_space<hbm>>
      tpu.enqueue_indirect_dma source(%dma_start3A_87 : memref<20000x64xf32, #tpu.memory_space<hbm>>) target(%dma_start3A_81 : memref<128x64xf32, #tpu.memory_space<vmem>>) offsets(%dma_start3A_84 : memref<128xi32, #tpu.memory_space<vmem>>) semaphore(%arg12 : memref<!tpu.dma_semaphore, #tpu.memory_space<semaphore_mem>>)
      %while3A_88 = arith.constant 0 : i32
      %while3A_89 = arith.constant 0 : i32
      %while3A_90 = arith.subi %select_n3A, %while3A_88 : i32
      %while3A_91 = arith.addi %while3A_88, %while3A_90 : i32
      %while3A_92 = arith.constant 1 : i32
      %while3A_93 = arith.divsi %while3A_90, %while3A_92 : i32
      %while3A_94 = arith.muli %while3A_93, %while3A_92 : i32
      %while3A_95 = arith.addi %while3A_88, %while3A_94 : i32
      %while3A_96 = arith.constant 1 : i32
      %while3A_97 = scf.for %while3A_109 = %while3A_88 to %while3A_95 step %while3A_96 iter_args(%while3A_110 = %while3A_89) -> (i32)  : i32 {
        %rem3A = arith.constant 3 : i32
        %rem3A_111 = arith.remsi %while3A_109, %rem3A : i32
        %mul3A_112 = arith.constant 128 : i32
        %mul3A_113 = arith.muli %rem3A_111, %mul3A_112 : i32
        %dma_wait3A_114 = arith.constant 0 : i32
        %dma_wait3A_115 = tpu.memref_slice %arg9[%mul3A_113, %dma_wait3A_114] : memref<384x64xf32, #tpu.memory_space<vmem>> -> memref<128x64xf32, #tpu.memory_space<vmem>>
        %dma_wait3A_116 = arith.constant 0 : i32
        %dma_wait3A_117 = tpu.memref_slice %arg7[%while3A_109, %dma_wait3A_116] : memref<2x128xi32, #tpu.memory_space<vmem>> -> memref<1x128xi32, #tpu.memory_space<vmem>>
        %dma_wait3A_118 = tpu.memref_squeeze %dma_wait3A_117 : memref<1x128xi32, #tpu.memory_space<vmem>> -> memref<128xi32, #tpu.memory_space<vmem>>
        %dma_wait3A_119 = arith.constant 0 : i32
        %dma_wait3A_120 = arith.constant 0 : i32
        %dma_wait3A_121 = tpu.memref_slice %arg2[%dma_wait3A_119, %dma_wait3A_120] : memref<20000x64xf32, #tpu.memory_space<hbm>> -> memref<20000x64xf32, #tpu.memory_space<hbm>>
        tpu.wait_indirect_dma semaphore(%arg12 : memref<!tpu.dma_semaphore, #tpu.memory_space<semaphore_mem>>) src(%dma_wait3A_121 : memref<20000x64xf32, #tpu.memory_space<hbm>>) dst(%dma_wait3A_115 : memref<128x64xf32, #tpu.memory_space<vmem>>)
        %ge3A = arith.constant 1 : i32
        %ge3A_122 = arith.cmpi sge, %while3A_109, %ge3A : i32
        %convert_element_type3A_123 = arith.extui %ge3A_122 : i1 to i32
        %cond3A_124 = arith.constant 0 : i32
        %cond3A_125 = arith.cmpi ne, %convert_element_type3A_123, %cond3A_124 : i32
        scf.if %cond3A_125 {
          %add3A_148 = arith.constant 2 : i32
          %add3A_149 = arith.addi %while3A_109, %add3A_148 : i32
          %rem3A_150 = arith.constant 3 : i32
          %rem3A_151 = arith.remsi %add3A_149, %rem3A_150 : i32
          %mul3A_152 = arith.constant 128 : i32
          %mul3A_153 = arith.muli %rem3A_151, %mul3A_152 : i32
          %sub3A = arith.constant 1 : i32
          %sub3A_154 = arith.subi %while3A_109, %sub3A : i32
          %dma_wait3A_155 = arith.constant 0 : i32
          %dma_wait3A_156 = tpu.memref_slice %arg9[%mul3A_153, %dma_wait3A_155] : memref<384x64xf32, #tpu.memory_space<vmem>> -> memref<128x64xf32, #tpu.memory_space<vmem>>
          %dma_wait3A_157 = arith.constant 0 : i32
          %dma_wait3A_158 = tpu.memref_slice %arg8[%sub3A_154, %dma_wait3A_157] : memref<2x128xi32, #tpu.memory_space<vmem>> -> memref<1x128xi32, #tpu.memory_space<vmem>>
          %dma_wait3A_159 = tpu.memref_squeeze %dma_wait3A_158 : memref<1x128xi32, #tpu.memory_space<vmem>> -> memref<128xi32, #tpu.memory_space<vmem>>
          %dma_wait3A_160 = arith.constant 0 : i32
          %dma_wait3A_161 = arith.constant 0 : i32
          %dma_wait3A_162 = tpu.memref_slice %arg11[%dma_wait3A_160, %dma_wait3A_161] : memref<10000x64xf32, #tpu.memory_space<vmem_shared>> -> memref<10000x64xf32, #tpu.memory_space<vmem_shared>>
          tpu.wait_indirect_dma semaphore(%arg13 : memref<!tpu.dma_semaphore, #tpu.memory_space<semaphore_mem>>) src(%dma_wait3A_156 : memref<128x64xf32, #tpu.memory_space<vmem>>) dst(%dma_wait3A_162 : memref<10000x64xf32, #tpu.memory_space<vmem_shared>>)
        } else {
        }
        %add3A_126 = arith.constant 2 : i32
        %add3A_127 = arith.addi %while3A_109, %add3A_126 : i32
        %lt3A_128 = arith.cmpi slt, %add3A_127, %select_n3A : i32
        %convert_element_type3A_129 = arith.extui %lt3A_128 : i1 to i32
        %cond3A_130 = arith.constant 0 : i32
        %cond3A_131 = arith.cmpi ne, %convert_element_type3A_129, %cond3A_130 : i32
        scf.if %cond3A_131 {
          %add3A_148 = arith.constant 2 : i32
          %add3A_149 = arith.addi %while3A_109, %add3A_148 : i32
          %rem3A_150 = arith.constant 3 : i32
          %rem3A_151 = arith.remsi %add3A_149, %rem3A_150 : i32
          %add3A_152 = arith.constant 2 : i32
          %add3A_153 = arith.addi %while3A_109, %add3A_152 : i32
          %mul3A_154 = arith.constant 128 : i32
          %mul3A_155 = arith.muli %rem3A_151, %mul3A_154 : i32
          %dma_start3A_156 = arith.constant 0 : i32
          %dma_start3A_157 = tpu.memref_slice %arg9[%mul3A_155, %dma_start3A_156] : memref<384x64xf32, #tpu.memory_space<vmem>> -> memref<128x64xf32, #tpu.memory_space<vmem>>
          %dma_start3A_158 = arith.constant 0 : i32
          %dma_start3A_159 = tpu.memref_slice %arg7[%add3A_153, %dma_start3A_158] : memref<2x128xi32, #tpu.memory_space<vmem>> -> memref<1x128xi32, #tpu.memory_space<vmem>>
          %dma_start3A_160 = tpu.memref_squeeze %dma_start3A_159 : memref<1x128xi32, #tpu.memory_space<vmem>> -> memref<128xi32, #tpu.memory_space<vmem>>
          %dma_start3A_161 = arith.constant 0 : i32
          %dma_start3A_162 = arith.constant 0 : i32
          %dma_start3A_163 = tpu.memref_slice %arg2[%dma_start3A_161, %dma_start3A_162] : memref<20000x64xf32, #tpu.memory_space<hbm>> -> memref<20000x64xf32, #tpu.memory_space<hbm>>
          tpu.enqueue_indirect_dma source(%dma_start3A_163 : memref<20000x64xf32, #tpu.memory_space<hbm>>) target(%dma_start3A_157 : memref<128x64xf32, #tpu.memory_space<vmem>>) offsets(%dma_start3A_160 : memref<128xi32, #tpu.memory_space<vmem>>) semaphore(%arg12 : memref<!tpu.dma_semaphore, #tpu.memory_space<semaphore_mem>>)
        } else {
        }
        %dma_start3A_132 = arith.constant 0 : i32
        %dma_start3A_133 = tpu.memref_slice %arg9[%mul3A_113, %dma_start3A_132] : memref<384x64xf32, #tpu.memory_space<vmem>> -> memref<128x64xf32, #tpu.memory_space<vmem>>
        %dma_start3A_134 = arith.constant 0 : i32
        %dma_start3A_135 = tpu.memref_slice %arg8[%while3A_109, %dma_start3A_134] : memref<2x128xi32, #tpu.memory_space<vmem>> -> memref<1x128xi32, #tpu.memory_space<vmem>>
        %dma_start3A_136 = tpu.memref_squeeze %dma_start3A_135 : memref<1x128xi32, #tpu.memory_space<vmem>> -> memref<128xi32, #tpu.memory_space<vmem>>
        %dma_start3A_137 = arith.constant 0 : i32
        %dma_start3A_138 = arith.constant 0 : i32
        %dma_start3A_139 = tpu.memref_slice %arg11[%dma_start3A_137, %dma_start3A_138] : memref<10000x64xf32, #tpu.memory_space<vmem_shared>> -> memref<10000x64xf32, #tpu.memory_space<vmem_shared>>
        tpu.enqueue_indirect_dma source(%dma_start3A_133 : memref<128x64xf32, #tpu.memory_space<vmem>>) target(%dma_start3A_139 : memref<10000x64xf32, #tpu.memory_space<vmem_shared>>) offsets(%dma_start3A_136 : memref<128xi32, #tpu.memory_space<vmem>>) semaphore(%arg13 : memref<!tpu.dma_semaphore, #tpu.memory_space<semaphore_mem>>) {add = true}
        %ge3A_140 = arith.constant 0 : i32
        %ge3A_141 = arith.cmpi sge, %while3A_109, %ge3A_140 : i32
        %lt3A_142 = arith.constant 79 : i32
        %lt3A_143 = arith.cmpi slt, %while3A_109, %lt3A_142 : i32
        %and3A = arith.andi %ge3A_141, %lt3A_143 : i1
        %convert_element_type3A_144 = arith.extui %and3A : i1 to i32
        %cond3A_145 = arith.constant 0 : i32
        %cond3A_146 = arith.cmpi ne, %convert_element_type3A_144, %cond3A_145 : i32
        scf.if %cond3A_146 {
          "tpu.region"() ({
            %run_scoped3A = tpu.sem_alloc : memref<!tpu.dma_semaphore, #tpu.memory_space<semaphore_mem>>
            %dma_start3A_148 = arith.constant 0 : i32
            %dma_start3A_149 = tpu.memref_slice %arg8[%while3A_109, %dma_start3A_148] : memref<2x128xi32, #tpu.memory_space<vmem>> -> memref<1x128xi32, #tpu.memory_space<vmem>>
            %dma_start3A_150 = tpu.memref_squeeze %dma_start3A_149 : memref<1x128xi32, #tpu.memory_space<vmem>> -> memref<128xi32, #tpu.memory_space<vmem>>
            %dma_start3A_151 = arith.constant 0 : i32
            %dma_start3A_152 = arith.constant 0 : i32
            %dma_start3A_153 = tpu.memref_slice %arg16[%dma_start3A_151, %dma_start3A_152] : memref<10000x16xf32, #tpu.memory_space<vmem_shared>> -> memref<10000x16xf32, #tpu.memory_space<vmem_shared>>
            tpu.enqueue_indirect_dma source(%arg14 : memref<128x16xf32, #tpu.memory_space<vmem>>) target(%dma_start3A_153 : memref<10000x16xf32, #tpu.memory_space<vmem_shared>>) offsets(%dma_start3A_150 : memref<128xi32, #tpu.memory_space<vmem>>) semaphore(%run_scoped3A : memref<!tpu.dma_semaphore, #tpu.memory_space<semaphore_mem>>) {add = true}
            %dma_wait3A_154 = arith.constant 0 : i32
            %dma_wait3A_155 = tpu.memref_slice %arg8[%while3A_109, %dma_wait3A_154] : memref<2x128xi32, #tpu.memory_space<vmem>> -> memref<1x128xi32, #tpu.memory_space<vmem>>
            %dma_wait3A_156 = tpu.memref_squeeze %dma_wait3A_155 : memref<1x128xi32, #tpu.memory_space<vmem>> -> memref<128xi32, #tpu.memory_space<vmem>>
            %dma_wait3A_157 = arith.constant 0 : i32
            %dma_wait3A_158 = arith.constant 0 : i32
            %dma_wait3A_159 = tpu.memref_slice %arg16[%dma_wait3A_157, %dma_wait3A_158] : memref<10000x16xf32, #tpu.memory_space<vmem_shared>> -> memref<10000x16xf32, #tpu.memory_space<vmem_shared>>
            tpu.wait_indirect_dma semaphore(%run_scoped3A : memref<!tpu.dma_semaphore, #tpu.memory_space<semaphore_mem>>) src(%arg14 : memref<128x16xf32, #tpu.memory_space<vmem>>) dst(%dma_wait3A_159 : memref<10000x16xf32, #tpu.memory_space<vmem_shared>>)
            tpu.yield
          }) : () -> ()
        } else {
        }
        %while3A_147 = arith.constant 0 : i32
        scf.yield %while3A_147 : i32
      }
      %while3A_98 = arith.constant 1 : i32
      %while3A_99 = scf.for %while3A_109 = %while3A_95 to %while3A_91 step %while3A_98 iter_args(%while3A_110 = %while3A_97) -> (i32)  : i32 {
        %rem3A = arith.constant 3 : i32
        %rem3A_111 = arith.remsi %while3A_109, %rem3A : i32
        %mul3A_112 = arith.constant 128 : i32
        %mul3A_113 = arith.muli %rem3A_111, %mul3A_112 : i32
        %dma_wait3A_114 = arith.constant 0 : i32
        %dma_wait3A_115 = tpu.memref_slice %arg9[%mul3A_113, %dma_wait3A_114] : memref<384x64xf32, #tpu.memory_space<vmem>> -> memref<128x64xf32, #tpu.memory_space<vmem>>
        %dma_wait3A_116 = arith.constant 0 : i32
        %dma_wait3A_117 = tpu.memref_slice %arg7[%while3A_109, %dma_wait3A_116] : memref<2x128xi32, #tpu.memory_space<vmem>> -> memref<1x128xi32, #tpu.memory_space<vmem>>
        %dma_wait3A_118 = tpu.memref_squeeze %dma_wait3A_117 : memref<1x128xi32, #tpu.memory_space<vmem>> -> memref<128xi32, #tpu.memory_space<vmem>>
        %dma_wait3A_119 = arith.constant 0 : i32
        %dma_wait3A_120 = arith.constant 0 : i32
        %dma_wait3A_121 = tpu.memref_slice %arg2[%dma_wait3A_119, %dma_wait3A_120] : memref<20000x64xf32, #tpu.memory_space<hbm>> -> memref<20000x64xf32, #tpu.memory_space<hbm>>
        tpu.wait_indirect_dma semaphore(%arg12 : memref<!tpu.dma_semaphore, #tpu.memory_space<semaphore_mem>>) src(%dma_wait3A_121 : memref<20000x64xf32, #tpu.memory_space<hbm>>) dst(%dma_wait3A_115 : memref<128x64xf32, #tpu.memory_space<vmem>>)
        %ge3A = arith.constant 1 : i32
        %ge3A_122 = arith.cmpi sge, %while3A_109, %ge3A : i32
        %convert_element_type3A_123 = arith.extui %ge3A_122 : i1 to i32
        %cond3A_124 = arith.constant 0 : i32
        %cond3A_125 = arith.cmpi ne, %convert_element_type3A_123, %cond3A_124 : i32
        scf.if %cond3A_125 {
          %add3A_148 = arith.constant 2 : i32
          %add3A_149 = arith.addi %while3A_109, %add3A_148 : i32
          %rem3A_150 = arith.constant 3 : i32
          %rem3A_151 = arith.remsi %add3A_149, %rem3A_150 : i32
          %mul3A_152 = arith.constant 128 : i32
          %mul3A_153 = arith.muli %rem3A_151, %mul3A_152 : i32
          %sub3A = arith.constant 1 : i32
          %sub3A_154 = arith.subi %while3A_109, %sub3A : i32
          %dma_wait3A_155 = arith.constant 0 : i32
          %dma_wait3A_156 = tpu.memref_slice %arg9[%mul3A_153, %dma_wait3A_155] : memref<384x64xf32, #tpu.memory_space<vmem>> -> memref<128x64xf32, #tpu.memory_space<vmem>>
          %dma_wait3A_157 = arith.constant 0 : i32
          %dma_wait3A_158 = tpu.memref_slice %arg8[%sub3A_154, %dma_wait3A_157] : memref<2x128xi32, #tpu.memory_space<vmem>> -> memref<1x128xi32, #tpu.memory_space<vmem>>
          %dma_wait3A_159 = tpu.memref_squeeze %dma_wait3A_158 : memref<1x128xi32, #tpu.memory_space<vmem>> -> memref<128xi32, #tpu.memory_space<vmem>>
          %dma_wait3A_160 = arith.constant 0 : i32
          %dma_wait3A_161 = arith.constant 0 : i32
          %dma_wait3A_162 = tpu.memref_slice %arg11[%dma_wait3A_160, %dma_wait3A_161] : memref<10000x64xf32, #tpu.memory_space<vmem_shared>> -> memref<10000x64xf32, #tpu.memory_space<vmem_shared>>
          tpu.wait_indirect_dma semaphore(%arg13 : memref<!tpu.dma_semaphore, #tpu.memory_space<semaphore_mem>>) src(%dma_wait3A_156 : memref<128x64xf32, #tpu.memory_space<vmem>>) dst(%dma_wait3A_162 : memref<10000x64xf32, #tpu.memory_space<vmem_shared>>)
        } else {
        }
        %add3A_126 = arith.constant 2 : i32
        %add3A_127 = arith.addi %while3A_109, %add3A_126 : i32
        %lt3A_128 = arith.cmpi slt, %add3A_127, %select_n3A : i32
        %convert_element_type3A_129 = arith.extui %lt3A_128 : i1 to i32
        %cond3A_130 = arith.constant 0 : i32
        %cond3A_131 = arith.cmpi ne, %convert_element_type3A_129, %cond3A_130 : i32
        scf.if %cond3A_131 {
          %add3A_148 = arith.constant 2 : i32
          %add3A_149 = arith.addi %while3A_109, %add3A_148 : i32
          %rem3A_150 = arith.constant 3 : i32
          %rem3A_151 = arith.remsi %add3A_149, %rem3A_150 : i32
          %add3A_152 = arith.constant 2 : i32
          %add3A_153 = arith.addi %while3A_109, %add3A_152 : i32
          %mul3A_154 = arith.constant 128 : i32
          %mul3A_155 = arith.muli %rem3A_151, %mul3A_154 : i32
          %dma_start3A_156 = arith.constant 0 : i32
          %dma_start3A_157 = tpu.memref_slice %arg9[%mul3A_155, %dma_start3A_156] : memref<384x64xf32, #tpu.memory_space<vmem>> -> memref<128x64xf32, #tpu.memory_space<vmem>>
          %dma_start3A_158 = arith.constant 0 : i32
          %dma_start3A_159 = tpu.memref_slice %arg7[%add3A_153, %dma_start3A_158] : memref<2x128xi32, #tpu.memory_space<vmem>> -> memref<1x128xi32, #tpu.memory_space<vmem>>
          %dma_start3A_160 = tpu.memref_squeeze %dma_start3A_159 : memref<1x128xi32, #tpu.memory_space<vmem>> -> memref<128xi32, #tpu.memory_space<vmem>>
          %dma_start3A_161 = arith.constant 0 : i32
          %dma_start3A_162 = arith.constant 0 : i32
          %dma_start3A_163 = tpu.memref_slice %arg2[%dma_start3A_161, %dma_start3A_162] : memref<20000x64xf32, #tpu.memory_space<hbm>> -> memref<20000x64xf32, #tpu.memory_space<hbm>>
          tpu.enqueue_indirect_dma source(%dma_start3A_163 : memref<20000x64xf32, #tpu.memory_space<hbm>>) target(%dma_start3A_157 : memref<128x64xf32, #tpu.memory_space<vmem>>) offsets(%dma_start3A_160 : memref<128xi32, #tpu.memory_space<vmem>>) semaphore(%arg12 : memref<!tpu.dma_semaphore, #tpu.memory_space<semaphore_mem>>)
        } else {
        }
        %dma_start3A_132 = arith.constant 0 : i32
        %dma_start3A_133 = tpu.memref_slice %arg9[%mul3A_113, %dma_start3A_132] : memref<384x64xf32, #tpu.memory_space<vmem>> -> memref<128x64xf32, #tpu.memory_space<vmem>>
        %dma_start3A_134 = arith.constant 0 : i32
        %dma_start3A_135 = tpu.memref_slice %arg8[%while3A_109, %dma_start3A_134] : memref<2x128xi32, #tpu.memory_space<vmem>> -> memref<1x128xi32, #tpu.memory_space<vmem>>
        %dma_start3A_136 = tpu.memref_squeeze %dma_start3A_135 : memref<1x128xi32, #tpu.memory_space<vmem>> -> memref<128xi32, #tpu.memory_space<vmem>>
        %dma_start3A_137 = arith.constant 0 : i32
        %dma_start3A_138 = arith.constant 0 : i32
        %dma_start3A_139 = tpu.memref_slice %arg11[%dma_start3A_137, %dma_start3A_138] : memref<10000x64xf32, #tpu.memory_space<vmem_shared>> -> memref<10000x64xf32, #tpu.memory_space<vmem_shared>>
        tpu.enqueue_indirect_dma source(%dma_start3A_133 : memref<128x64xf32, #tpu.memory_space<vmem>>) target(%dma_start3A_139 : memref<10000x64xf32, #tpu.memory_space<vmem_shared>>) offsets(%dma_start3A_136 : memref<128xi32, #tpu.memory_space<vmem>>) semaphore(%arg13 : memref<!tpu.dma_semaphore, #tpu.memory_space<semaphore_mem>>) {add = true}
        %ge3A_140 = arith.constant 0 : i32
        %ge3A_141 = arith.cmpi sge, %while3A_109, %ge3A_140 : i32
        %lt3A_142 = arith.constant 79 : i32
        %lt3A_143 = arith.cmpi slt, %while3A_109, %lt3A_142 : i32
        %and3A = arith.andi %ge3A_141, %lt3A_143 : i1
        %convert_element_type3A_144 = arith.extui %and3A : i1 to i32
        %cond3A_145 = arith.constant 0 : i32
        %cond3A_146 = arith.cmpi ne, %convert_element_type3A_144, %cond3A_145 : i32
        scf.if %cond3A_146 {
          "tpu.region"() ({
            %run_scoped3A = tpu.sem_alloc : memref<!tpu.dma_semaphore, #tpu.memory_space<semaphore_mem>>
            %dma_start3A_148 = arith.constant 0 : i32
            %dma_start3A_149 = tpu.memref_slice %arg8[%while3A_109, %dma_start3A_148] : memref<2x128xi32, #tpu.memory_space<vmem>> -> memref<1x128xi32, #tpu.memory_space<vmem>>
            %dma_start3A_150 = tpu.memref_squeeze %dma_start3A_149 : memref<1x128xi32, #tpu.memory_space<vmem>> -> memref<128xi32, #tpu.memory_space<vmem>>
            %dma_start3A_151 = arith.constant 0 : i32
            %dma_start3A_152 = arith.constant 0 : i32
            %dma_start3A_153 = tpu.memref_slice %arg16[%dma_start3A_151, %dma_start3A_152] : memref<10000x16xf32, #tpu.memory_space<vmem_shared>> -> memref<10000x16xf32, #tpu.memory_space<vmem_shared>>
            tpu.enqueue_indirect_dma source(%arg14 : memref<128x16xf32, #tpu.memory_space<vmem>>) target(%dma_start3A_153 : memref<10000x16xf32, #tpu.memory_space<vmem_shared>>) offsets(%dma_start3A_150 : memref<128xi32, #tpu.memory_space<vmem>>) semaphore(%run_scoped3A : memref<!tpu.dma_semaphore, #tpu.memory_space<semaphore_mem>>) {add = true}
            %dma_wait3A_154 = arith.constant 0 : i32
            %dma_wait3A_155 = tpu.memref_slice %arg8[%while3A_109, %dma_wait3A_154] : memref<2x128xi32, #tpu.memory_space<vmem>> -> memref<1x128xi32, #tpu.memory_space<vmem>>
            %dma_wait3A_156 = tpu.memref_squeeze %dma_wait3A_155 : memref<1x128xi32, #tpu.memory_space<vmem>> -> memref<128xi32, #tpu.memory_space<vmem>>
            %dma_wait3A_157 = arith.constant 0 : i32
            %dma_wait3A_158 = arith.constant 0 : i32
            %dma_wait3A_159 = tpu.memref_slice %arg16[%dma_wait3A_157, %dma_wait3A_158] : memref<10000x16xf32, #tpu.memory_space<vmem_shared>> -> memref<10000x16xf32, #tpu.memory_space<vmem_shared>>
            tpu.wait_indirect_dma semaphore(%run_scoped3A : memref<!tpu.dma_semaphore, #tpu.memory_space<semaphore_mem>>) src(%arg14 : memref<128x16xf32, #tpu.memory_space<vmem>>) dst(%dma_wait3A_159 : memref<10000x16xf32, #tpu.memory_space<vmem_shared>>)
            tpu.yield
          }) : () -> ()
        } else {
        }
        %while3A_147 = arith.constant 0 : i32
        scf.yield %while3A_147 : i32
      }
      %dma_wait3A = arith.constant 0 : i32
      %dma_wait3A_100 = arith.constant 0 : i32
      %dma_wait3A_101 = arith.constant 0 : i32
      %dma_wait3A_102 = tpu.memref_slice %arg9[%dma_wait3A_100, %dma_wait3A_101] : memref<384x64xf32, #tpu.memory_space<vmem>> -> memref<128x64xf32, #tpu.memory_space<vmem>>
      %dma_wait3A_103 = arith.constant 0 : i32
      %dma_wait3A_104 = tpu.memref_slice %arg8[%dma_wait3A, %dma_wait3A_103] : memref<2x128xi32, #tpu.memory_space<vmem>> -> memref<1x128xi32, #tpu.memory_space<vmem>>
      %dma_wait3A_105 = tpu.memref_squeeze %dma_wait3A_104 : memref<1x128xi32, #tpu.memory_space<vmem>> -> memref<128xi32, #tpu.memory_space<vmem>>
      %dma_wait3A_106 = arith.constant 0 : i32
      %dma_wait3A_107 = arith.constant 0 : i32
      %dma_wait3A_108 = tpu.memref_slice %arg11[%dma_wait3A_106, %dma_wait3A_107] : memref<10000x64xf32, #tpu.memory_space<vmem_shared>> -> memref<10000x64xf32, #tpu.memory_space<vmem_shared>>
      tpu.wait_indirect_dma semaphore(%arg13 : memref<!tpu.dma_semaphore, #tpu.memory_space<semaphore_mem>>) src(%dma_wait3A_102 : memref<128x64xf32, #tpu.memory_space<vmem>>) dst(%dma_wait3A_108 : memref<10000x64xf32, #tpu.memory_space<vmem_shared>>)
    } else {
    }
    %eq3A_61 = arith.constant 1 : i32
    %eq3A_62 = arith.cmpi eq, %arg0, %eq3A_61 : i32
    %convert_element_type3A_63 = arith.extui %eq3A_62 : i1 to i32
    %cond3A_64 = arith.constant 0 : i32
    %cond3A_65 = arith.cmpi ne, %convert_element_type3A_63, %cond3A_64 : i32
    scf.if %cond3A_65 {
      %dma_start3A = arith.constant 0 : i32
      %dma_start3A_69 = arith.constant 0 : i32
      %dma_start3A_70 = arith.constant 0 : i32
      %dma_start3A_71 = tpu.memref_slice %arg9[%dma_start3A_69, %dma_start3A_70] : memref<384x64xf32, #tpu.memory_space<vmem>> -> memref<128x64xf32, #tpu.memory_space<vmem>>
      %dma_start3A_72 = arith.constant 0 : i32
      %dma_start3A_73 = tpu.memref_slice %arg7[%dma_start3A, %dma_start3A_72] : memref<2x128xi32, #tpu.memory_space<vmem>> -> memref<1x128xi32, #tpu.memory_space<vmem>>
      %dma_start3A_74 = tpu.memref_squeeze %dma_start3A_73 : memref<1x128xi32, #tpu.memory_space<vmem>> -> memref<128xi32, #tpu.memory_space<vmem>>
      %dma_start3A_75 = arith.constant 0 : i32
      %dma_start3A_76 = arith.constant 0 : i32
      %dma_start3A_77 = tpu.memref_slice %arg2[%dma_start3A_75, %dma_start3A_76] : memref<20000x64xf32, #tpu.memory_space<hbm>> -> memref<20000x64xf32, #tpu.memory_space<hbm>>
      tpu.enqueue_indirect_dma source(%dma_start3A_77 : memref<20000x64xf32, #tpu.memory_space<hbm>>) target(%dma_start3A_71 : memref<128x64xf32, #tpu.memory_space<vmem>>) offsets(%dma_start3A_74 : memref<128xi32, #tpu.memory_space<vmem>>) semaphore(%arg12 : memref<!tpu.dma_semaphore, #tpu.memory_space<semaphore_mem>>)
      %dma_start3A_78 = arith.constant 1 : i32
      %dma_start3A_79 = arith.constant 128 : i32
      %dma_start3A_80 = arith.constant 0 : i32
      %dma_start3A_81 = tpu.memref_slice %arg9[%dma_start3A_79, %dma_start3A_80] : memref<384x64xf32, #tpu.memory_space<vmem>> -> memref<128x64xf32, #tpu.memory_space<vmem>>
      %dma_start3A_82 = arith.constant 0 : i32
      %dma_start3A_83 = tpu.memref_slice %arg7[%dma_start3A_78, %dma_start3A_82] : memref<2x128xi32, #tpu.memory_space<vmem>> -> memref<1x128xi32, #tpu.memory_space<vmem>>
      %dma_start3A_84 = tpu.memref_squeeze %dma_start3A_83 : memref<1x128xi32, #tpu.memory_space<vmem>> -> memref<128xi32, #tpu.memory_space<vmem>>
      %dma_start3A_85 = arith.constant 0 : i32
      %dma_start3A_86 = arith.constant 0 : i32
      %dma_start3A_87 = tpu.memref_slice %arg2[%dma_start3A_85, %dma_start3A_86] : memref<20000x64xf32, #tpu.memory_space<hbm>> -> memref<20000x64xf32, #tpu.memory_space<hbm>>
      tpu.enqueue_indirect_dma source(%dma_start3A_87 : memref<20000x64xf32, #tpu.memory_space<hbm>>) target(%dma_start3A_81 : memref<128x64xf32, #tpu.memory_space<vmem>>) offsets(%dma_start3A_84 : memref<128xi32, #tpu.memory_space<vmem>>) semaphore(%arg12 : memref<!tpu.dma_semaphore, #tpu.memory_space<semaphore_mem>>)
      %while3A_88 = arith.constant 0 : i32
      %while3A_89 = arith.constant 0 : i32
      %while3A_90 = arith.subi %select_n3A, %while3A_88 : i32
      %while3A_91 = arith.addi %while3A_88, %while3A_90 : i32
      %while3A_92 = arith.constant 1 : i32
      %while3A_93 = arith.divsi %while3A_90, %while3A_92 : i32
      %while3A_94 = arith.muli %while3A_93, %while3A_92 : i32
      %while3A_95 = arith.addi %while3A_88, %while3A_94 : i32
      %while3A_96 = arith.constant 1 : i32
      %while3A_97 = scf.for %while3A_109 = %while3A_88 to %while3A_95 step %while3A_96 iter_args(%while3A_110 = %while3A_89) -> (i32)  : i32 {
        %rem3A = arith.constant 3 : i32
        %rem3A_111 = arith.remsi %while3A_109, %rem3A : i32
        %mul3A_112 = arith.constant 128 : i32
        %mul3A_113 = arith.muli %rem3A_111, %mul3A_112 : i32
        %dma_wait3A_114 = arith.constant 0 : i32
        %dma_wait3A_115 = tpu.memref_slice %arg9[%mul3A_113, %dma_wait3A_114] : memref<384x64xf32, #tpu.memory_space<vmem>> -> memref<128x64xf32, #tpu.memory_space<vmem>>
        %dma_wait3A_116 = arith.constant 0 : i32
        %dma_wait3A_117 = tpu.memref_slice %arg7[%while3A_109, %dma_wait3A_116] : memref<2x128xi32, #tpu.memory_space<vmem>> -> memref<1x128xi32, #tpu.memory_space<vmem>>
        %dma_wait3A_118 = tpu.memref_squeeze %dma_wait3A_117 : memref<1x128xi32, #tpu.memory_space<vmem>> -> memref<128xi32, #tpu.memory_space<vmem>>
        %dma_wait3A_119 = arith.constant 0 : i32
        %dma_wait3A_120 = arith.constant 0 : i32
        %dma_wait3A_121 = tpu.memref_slice %arg2[%dma_wait3A_119, %dma_wait3A_120] : memref<20000x64xf32, #tpu.memory_space<hbm>> -> memref<20000x64xf32, #tpu.memory_space<hbm>>
        tpu.wait_indirect_dma semaphore(%arg12 : memref<!tpu.dma_semaphore, #tpu.memory_space<semaphore_mem>>) src(%dma_wait3A_121 : memref<20000x64xf32, #tpu.memory_space<hbm>>) dst(%dma_wait3A_115 : memref<128x64xf32, #tpu.memory_space<vmem>>)
        %ge3A = arith.constant 1 : i32
        %ge3A_122 = arith.cmpi sge, %while3A_109, %ge3A : i32
        %convert_element_type3A_123 = arith.extui %ge3A_122 : i1 to i32
        %cond3A_124 = arith.constant 0 : i32
        %cond3A_125 = arith.cmpi ne, %convert_element_type3A_123, %cond3A_124 : i32
        scf.if %cond3A_125 {
          %add3A_148 = arith.constant 2 : i32
          %add3A_149 = arith.addi %while3A_109, %add3A_148 : i32
          %rem3A_150 = arith.constant 3 : i32
          %rem3A_151 = arith.remsi %add3A_149, %rem3A_150 : i32
          %mul3A_152 = arith.constant 128 : i32
          %mul3A_153 = arith.muli %rem3A_151, %mul3A_152 : i32
          %sub3A = arith.constant 1 : i32
          %sub3A_154 = arith.subi %while3A_109, %sub3A : i32
          %dma_wait3A_155 = arith.constant 0 : i32
          %dma_wait3A_156 = tpu.memref_slice %arg9[%mul3A_153, %dma_wait3A_155] : memref<384x64xf32, #tpu.memory_space<vmem>> -> memref<128x64xf32, #tpu.memory_space<vmem>>
          %dma_wait3A_157 = arith.constant 0 : i32
          %dma_wait3A_158 = tpu.memref_slice %arg8[%sub3A_154, %dma_wait3A_157] : memref<2x128xi32, #tpu.memory_space<vmem>> -> memref<1x128xi32, #tpu.memory_space<vmem>>
          %dma_wait3A_159 = tpu.memref_squeeze %dma_wait3A_158 : memref<1x128xi32, #tpu.memory_space<vmem>> -> memref<128xi32, #tpu.memory_space<vmem>>
          %dma_wait3A_160 = arith.constant 0 : i32
          %dma_wait3A_161 = arith.constant 0 : i32
          %dma_wait3A_162 = tpu.memref_slice %arg11[%dma_wait3A_160, %dma_wait3A_161] : memref<10000x64xf32, #tpu.memory_space<vmem_shared>> -> memref<10000x64xf32, #tpu.memory_space<vmem_shared>>
          tpu.wait_indirect_dma semaphore(%arg13 : memref<!tpu.dma_semaphore, #tpu.memory_space<semaphore_mem>>) src(%dma_wait3A_156 : memref<128x64xf32, #tpu.memory_space<vmem>>) dst(%dma_wait3A_162 : memref<10000x64xf32, #tpu.memory_space<vmem_shared>>)
        } else {
        }
        %add3A_126 = arith.constant 2 : i32
        %add3A_127 = arith.addi %while3A_109, %add3A_126 : i32
        %lt3A_128 = arith.cmpi slt, %add3A_127, %select_n3A : i32
        %convert_element_type3A_129 = arith.extui %lt3A_128 : i1 to i32
        %cond3A_130 = arith.constant 0 : i32
        %cond3A_131 = arith.cmpi ne, %convert_element_type3A_129, %cond3A_130 : i32
        scf.if %cond3A_131 {
          %add3A_148 = arith.constant 2 : i32
          %add3A_149 = arith.addi %while3A_109, %add3A_148 : i32
          %rem3A_150 = arith.constant 3 : i32
          %rem3A_151 = arith.remsi %add3A_149, %rem3A_150 : i32
          %add3A_152 = arith.constant 2 : i32
          %add3A_153 = arith.addi %while3A_109, %add3A_152 : i32
          %mul3A_154 = arith.constant 128 : i32
          %mul3A_155 = arith.muli %rem3A_151, %mul3A_154 : i32
          %dma_start3A_156 = arith.constant 0 : i32
          %dma_start3A_157 = tpu.memref_slice %arg9[%mul3A_155, %dma_start3A_156] : memref<384x64xf32, #tpu.memory_space<vmem>> -> memref<128x64xf32, #tpu.memory_space<vmem>>
          %dma_start3A_158 = arith.constant 0 : i32
          %dma_start3A_159 = tpu.memref_slice %arg7[%add3A_153, %dma_start3A_158] : memref<2x128xi32, #tpu.memory_space<vmem>> -> memref<1x128xi32, #tpu.memory_space<vmem>>
          %dma_start3A_160 = tpu.memref_squeeze %dma_start3A_159 : memref<1x128xi32, #tpu.memory_space<vmem>> -> memref<128xi32, #tpu.memory_space<vmem>>
          %dma_start3A_161 = arith.constant 0 : i32
          %dma_start3A_162 = arith.constant 0 : i32
          %dma_start3A_163 = tpu.memref_slice %arg2[%dma_start3A_161, %dma_start3A_162] : memref<20000x64xf32, #tpu.memory_space<hbm>> -> memref<20000x64xf32, #tpu.memory_space<hbm>>
          tpu.enqueue_indirect_dma source(%dma_start3A_163 : memref<20000x64xf32, #tpu.memory_space<hbm>>) target(%dma_start3A_157 : memref<128x64xf32, #tpu.memory_space<vmem>>) offsets(%dma_start3A_160 : memref<128xi32, #tpu.memory_space<vmem>>) semaphore(%arg12 : memref<!tpu.dma_semaphore, #tpu.memory_space<semaphore_mem>>)
        } else {
        }
        %dma_start3A_132 = arith.constant 0 : i32
        %dma_start3A_133 = tpu.memref_slice %arg9[%mul3A_113, %dma_start3A_132] : memref<384x64xf32, #tpu.memory_space<vmem>> -> memref<128x64xf32, #tpu.memory_space<vmem>>
        %dma_start3A_134 = arith.constant 0 : i32
        %dma_start3A_135 = tpu.memref_slice %arg8[%while3A_109, %dma_start3A_134] : memref<2x128xi32, #tpu.memory_space<vmem>> -> memref<1x128xi32, #tpu.memory_space<vmem>>
        %dma_start3A_136 = tpu.memref_squeeze %dma_start3A_135 : memref<1x128xi32, #tpu.memory_space<vmem>> -> memref<128xi32, #tpu.memory_space<vmem>>
        %dma_start3A_137 = arith.constant 0 : i32
        %dma_start3A_138 = arith.constant 0 : i32
        %dma_start3A_139 = tpu.memref_slice %arg11[%dma_start3A_137, %dma_start3A_138] : memref<10000x64xf32, #tpu.memory_space<vmem_shared>> -> memref<10000x64xf32, #tpu.memory_space<vmem_shared>>
        tpu.enqueue_indirect_dma source(%dma_start3A_133 : memref<128x64xf32, #tpu.memory_space<vmem>>) target(%dma_start3A_139 : memref<10000x64xf32, #tpu.memory_space<vmem_shared>>) offsets(%dma_start3A_136 : memref<128xi32, #tpu.memory_space<vmem>>) semaphore(%arg13 : memref<!tpu.dma_semaphore, #tpu.memory_space<semaphore_mem>>) {add = true}
        %ge3A_140 = arith.constant 79 : i32
        %ge3A_141 = arith.cmpi sge, %while3A_109, %ge3A_140 : i32
        %lt3A_142 = arith.constant 2 : i32
        %lt3A_143 = arith.cmpi slt, %while3A_109, %lt3A_142 : i32
        %and3A = arith.andi %ge3A_141, %lt3A_143 : i1
        %convert_element_type3A_144 = arith.extui %and3A : i1 to i32
        %cond3A_145 = arith.constant 0 : i32
        %cond3A_146 = arith.cmpi ne, %convert_element_type3A_144, %cond3A_145 : i32
        scf.if %cond3A_146 {
          "tpu.region"() ({
            %run_scoped3A = tpu.sem_alloc : memref<!tpu.dma_semaphore, #tpu.memory_space<semaphore_mem>>
            %dma_start3A_148 = arith.constant 0 : i32
            %dma_start3A_149 = tpu.memref_slice %arg8[%while3A_109, %dma_start3A_148] : memref<2x128xi32, #tpu.memory_space<vmem>> -> memref<1x128xi32, #tpu.memory_space<vmem>>
            %dma_start3A_150 = tpu.memref_squeeze %dma_start3A_149 : memref<1x128xi32, #tpu.memory_space<vmem>> -> memref<128xi32, #tpu.memory_space<vmem>>
            %dma_start3A_151 = arith.constant 0 : i32
            %dma_start3A_152 = arith.constant 0 : i32
            %dma_start3A_153 = tpu.memref_slice %arg16[%dma_start3A_151, %dma_start3A_152] : memref<10000x16xf32, #tpu.memory_space<vmem_shared>> -> memref<10000x16xf32, #tpu.memory_space<vmem_shared>>
            tpu.enqueue_indirect_dma source(%arg14 : memref<128x16xf32, #tpu.memory_space<vmem>>) target(%dma_start3A_153 : memref<10000x16xf32, #tpu.memory_space<vmem_shared>>) offsets(%dma_start3A_150 : memref<128xi32, #tpu.memory_space<vmem>>) semaphore(%run_scoped3A : memref<!tpu.dma_semaphore, #tpu.memory_space<semaphore_mem>>) {add = true}
            %dma_wait3A_154 = arith.constant 0 : i32
            %dma_wait3A_155 = tpu.memref_slice %arg8[%while3A_109, %dma_wait3A_154] : memref<2x128xi32, #tpu.memory_space<vmem>> -> memref<1x128xi32, #tpu.memory_space<vmem>>
            %dma_wait3A_156 = tpu.memref_squeeze %dma_wait3A_155 : memref<1x128xi32, #tpu.memory_space<vmem>> -> memref<128xi32, #tpu.memory_space<vmem>>
            %dma_wait3A_157 = arith.constant 0 : i32
            %dma_wait3A_158 = arith.constant 0 : i32
            %dma_wait3A_159 = tpu.memref_slice %arg16[%dma_wait3A_157, %dma_wait3A_158] : memref<10000x16xf32, #tpu.memory_space<vmem_shared>> -> memref<10000x16xf32, #tpu.memory_space<vmem_shared>>
            tpu.wait_indirect_dma semaphore(%run_scoped3A : memref<!tpu.dma_semaphore, #tpu.memory_space<semaphore_mem>>) src(%arg14 : memref<128x16xf32, #tpu.memory_space<vmem>>) dst(%dma_wait3A_159 : memref<10000x16xf32, #tpu.memory_space<vmem_shared>>)
            tpu.yield
          }) : () -> ()
        } else {
        }
        %while3A_147 = arith.constant 0 : i32
        scf.yield %while3A_147 : i32
      }
      %while3A_98 = arith.constant 1 : i32
      %while3A_99 = scf.for %while3A_109 = %while3A_95 to %while3A_91 step %while3A_98 iter_args(%while3A_110 = %while3A_97) -> (i32)  : i32 {
        %rem3A = arith.constant 3 : i32
        %rem3A_111 = arith.remsi %while3A_109, %rem3A : i32
        %mul3A_112 = arith.constant 128 : i32
        %mul3A_113 = arith.muli %rem3A_111, %mul3A_112 : i32
        %dma_wait3A_114 = arith.constant 0 : i32
        %dma_wait3A_115 = tpu.memref_slice %arg9[%mul3A_113, %dma_wait3A_114] : memref<384x64xf32, #tpu.memory_space<vmem>> -> memref<128x64xf32, #tpu.memory_space<vmem>>
        %dma_wait3A_116 = arith.constant 0 : i32
        %dma_wait3A_117 = tpu.memref_slice %arg7[%while3A_109, %dma_wait3A_116] : memref<2x128xi32, #tpu.memory_space<vmem>> -> memref<1x128xi32, #tpu.memory_space<vmem>>
        %dma_wait3A_118 = tpu.memref_squeeze %dma_wait3A_117 : memref<1x128xi32, #tpu.memory_space<vmem>> -> memref<128xi32, #tpu.memory_space<vmem>>
        %dma_wait3A_119 = arith.constant 0 : i32
        %dma_wait3A_120 = arith.constant 0 : i32
        %dma_wait3A_121 = tpu.memref_slice %arg2[%dma_wait3A_119, %dma_wait3A_120] : memref<20000x64xf32, #tpu.memory_space<hbm>> -> memref<20000x64xf32, #tpu.memory_space<hbm>>
        tpu.wait_indirect_dma semaphore(%arg12 : memref<!tpu.dma_semaphore, #tpu.memory_space<semaphore_mem>>) src(%dma_wait3A_121 : memref<20000x64xf32, #tpu.memory_space<hbm>>) dst(%dma_wait3A_115 : memref<128x64xf32, #tpu.memory_space<vmem>>)
        %ge3A = arith.constant 1 : i32
        %ge3A_122 = arith.cmpi sge, %while3A_109, %ge3A : i32
        %convert_element_type3A_123 = arith.extui %ge3A_122 : i1 to i32
        %cond3A_124 = arith.constant 0 : i32
        %cond3A_125 = arith.cmpi ne, %convert_element_type3A_123, %cond3A_124 : i32
        scf.if %cond3A_125 {
          %add3A_148 = arith.constant 2 : i32
          %add3A_149 = arith.addi %while3A_109, %add3A_148 : i32
          %rem3A_150 = arith.constant 3 : i32
          %rem3A_151 = arith.remsi %add3A_149, %rem3A_150 : i32
          %mul3A_152 = arith.constant 128 : i32
          %mul3A_153 = arith.muli %rem3A_151, %mul3A_152 : i32
          %sub3A = arith.constant 1 : i32
          %sub3A_154 = arith.subi %while3A_109, %sub3A : i32
          %dma_wait3A_155 = arith.constant 0 : i32
          %dma_wait3A_156 = tpu.memref_slice %arg9[%mul3A_153, %dma_wait3A_155] : memref<384x64xf32, #tpu.memory_space<vmem>> -> memref<128x64xf32, #tpu.memory_space<vmem>>
          %dma_wait3A_157 = arith.constant 0 : i32
          %dma_wait3A_158 = tpu.memref_slice %arg8[%sub3A_154, %dma_wait3A_157] : memref<2x128xi32, #tpu.memory_space<vmem>> -> memref<1x128xi32, #tpu.memory_space<vmem>>
          %dma_wait3A_159 = tpu.memref_squeeze %dma_wait3A_158 : memref<1x128xi32, #tpu.memory_space<vmem>> -> memref<128xi32, #tpu.memory_space<vmem>>
          %dma_wait3A_160 = arith.constant 0 : i32
          %dma_wait3A_161 = arith.constant 0 : i32
          %dma_wait3A_162 = tpu.memref_slice %arg11[%dma_wait3A_160, %dma_wait3A_161] : memref<10000x64xf32, #tpu.memory_space<vmem_shared>> -> memref<10000x64xf32, #tpu.memory_space<vmem_shared>>
          tpu.wait_indirect_dma semaphore(%arg13 : memref<!tpu.dma_semaphore, #tpu.memory_space<semaphore_mem>>) src(%dma_wait3A_156 : memref<128x64xf32, #tpu.memory_space<vmem>>) dst(%dma_wait3A_162 : memref<10000x64xf32, #tpu.memory_space<vmem_shared>>)
        } else {
        }
        %add3A_126 = arith.constant 2 : i32
        %add3A_127 = arith.addi %while3A_109, %add3A_126 : i32
        %lt3A_128 = arith.cmpi slt, %add3A_127, %select_n3A : i32
        %convert_element_type3A_129 = arith.extui %lt3A_128 : i1 to i32
        %cond3A_130 = arith.constant 0 : i32
        %cond3A_131 = arith.cmpi ne, %convert_element_type3A_129, %cond3A_130 : i32
        scf.if %cond3A_131 {
          %add3A_148 = arith.constant 2 : i32
          %add3A_149 = arith.addi %while3A_109, %add3A_148 : i32
          %rem3A_150 = arith.constant 3 : i32
          %rem3A_151 = arith.remsi %add3A_149, %rem3A_150 : i32
          %add3A_152 = arith.constant 2 : i32
          %add3A_153 = arith.addi %while3A_109, %add3A_152 : i32
          %mul3A_154 = arith.constant 128 : i32
          %mul3A_155 = arith.muli %rem3A_151, %mul3A_154 : i32
          %dma_start3A_156 = arith.constant 0 : i32
          %dma_start3A_157 = tpu.memref_slice %arg9[%mul3A_155, %dma_start3A_156] : memref<384x64xf32, #tpu.memory_space<vmem>> -> memref<128x64xf32, #tpu.memory_space<vmem>>
          %dma_start3A_158 = arith.constant 0 : i32
          %dma_start3A_159 = tpu.memref_slice %arg7[%add3A_153, %dma_start3A_158] : memref<2x128xi32, #tpu.memory_space<vmem>> -> memref<1x128xi32, #tpu.memory_space<vmem>>
          %dma_start3A_160 = tpu.memref_squeeze %dma_start3A_159 : memref<1x128xi32, #tpu.memory_space<vmem>> -> memref<128xi32, #tpu.memory_space<vmem>>
          %dma_start3A_161 = arith.constant 0 : i32
          %dma_start3A_162 = arith.constant 0 : i32
          %dma_start3A_163 = tpu.memref_slice %arg2[%dma_start3A_161, %dma_start3A_162] : memref<20000x64xf32, #tpu.memory_space<hbm>> -> memref<20000x64xf32, #tpu.memory_space<hbm>>
          tpu.enqueue_indirect_dma source(%dma_start3A_163 : memref<20000x64xf32, #tpu.memory_space<hbm>>) target(%dma_start3A_157 : memref<128x64xf32, #tpu.memory_space<vmem>>) offsets(%dma_start3A_160 : memref<128xi32, #tpu.memory_space<vmem>>) semaphore(%arg12 : memref<!tpu.dma_semaphore, #tpu.memory_space<semaphore_mem>>)
        } else {
        }
        %dma_start3A_132 = arith.constant 0 : i32
        %dma_start3A_133 = tpu.memref_slice %arg9[%mul3A_113, %dma_start3A_132] : memref<384x64xf32, #tpu.memory_space<vmem>> -> memref<128x64xf32, #tpu.memory_space<vmem>>
        %dma_start3A_134 = arith.constant 0 : i32
        %dma_start3A_135 = tpu.memref_slice %arg8[%while3A_109, %dma_start3A_134] : memref<2x128xi32, #tpu.memory_space<vmem>> -> memref<1x128xi32, #tpu.memory_space<vmem>>
        %dma_start3A_136 = tpu.memref_squeeze %dma_start3A_135 : memref<1x128xi32, #tpu.memory_space<vmem>> -> memref<128xi32, #tpu.memory_space<vmem>>
        %dma_start3A_137 = arith.constant 0 : i32
        %dma_start3A_138 = arith.constant 0 : i32
        %dma_start3A_139 = tpu.memref_slice %arg11[%dma_start3A_137, %dma_start3A_138] : memref<10000x64xf32, #tpu.memory_space<vmem_shared>> -> memref<10000x64xf32, #tpu.memory_space<vmem_shared>>
        tpu.enqueue_indirect_dma source(%dma_start3A_133 : memref<128x64xf32, #tpu.memory_space<vmem>>) target(%dma_start3A_139 : memref<10000x64xf32, #tpu.memory_space<vmem_shared>>) offsets(%dma_start3A_136 : memref<128xi32, #tpu.memory_space<vmem>>) semaphore(%arg13 : memref<!tpu.dma_semaphore, #tpu.memory_space<semaphore_mem>>) {add = true}
        %ge3A_140 = arith.constant 79 : i32
        %ge3A_141 = arith.cmpi sge, %while3A_109, %ge3A_140 : i32
        %lt3A_142 = arith.constant 2 : i32
        %lt3A_143 = arith.cmpi slt, %while3A_109, %lt3A_142 : i32
        %and3A = arith.andi %ge3A_141, %lt3A_143 : i1
        %convert_element_type3A_144 = arith.extui %and3A : i1 to i32
        %cond3A_145 = arith.constant 0 : i32
        %cond3A_146 = arith.cmpi ne, %convert_element_type3A_144, %cond3A_145 : i32
        scf.if %cond3A_146 {
          "tpu.region"() ({
            %run_scoped3A = tpu.sem_alloc : memref<!tpu.dma_semaphore, #tpu.memory_space<semaphore_mem>>
            %dma_start3A_148 = arith.constant 0 : i32
            %dma_start3A_149 = tpu.memref_slice %arg8[%while3A_109, %dma_start3A_148] : memref<2x128xi32, #tpu.memory_space<vmem>> -> memref<1x128xi32, #tpu.memory_space<vmem>>
            %dma_start3A_150 = tpu.memref_squeeze %dma_start3A_149 : memref<1x128xi32, #tpu.memory_space<vmem>> -> memref<128xi32, #tpu.memory_space<vmem>>
            %dma_start3A_151 = arith.constant 0 : i32
            %dma_start3A_152 = arith.constant 0 : i32
            %dma_start3A_153 = tpu.memref_slice %arg16[%dma_start3A_151, %dma_start3A_152] : memref<10000x16xf32, #tpu.memory_space<vmem_shared>> -> memref<10000x16xf32, #tpu.memory_space<vmem_shared>>
            tpu.enqueue_indirect_dma source(%arg14 : memref<128x16xf32, #tpu.memory_space<vmem>>) target(%dma_start3A_153 : memref<10000x16xf32, #tpu.memory_space<vmem_shared>>) offsets(%dma_start3A_150 : memref<128xi32, #tpu.memory_space<vmem>>) semaphore(%run_scoped3A : memref<!tpu.dma_semaphore, #tpu.memory_space<semaphore_mem>>) {add = true}
            %dma_wait3A_154 = arith.constant 0 : i32
            %dma_wait3A_155 = tpu.memref_slice %arg8[%while3A_109, %dma_wait3A_154] : memref<2x128xi32, #tpu.memory_space<vmem>> -> memref<1x128xi32, #tpu.memory_space<vmem>>
            %dma_wait3A_156 = tpu.memref_squeeze %dma_wait3A_155 : memref<1x128xi32, #tpu.memory_space<vmem>> -> memref<128xi32, #tpu.memory_space<vmem>>
            %dma_wait3A_157 = arith.constant 0 : i32
            %dma_wait3A_158 = arith.constant 0 : i32
            %dma_wait3A_159 = tpu.memref_slice %arg16[%dma_wait3A_157, %dma_wait3A_158] : memref<10000x16xf32, #tpu.memory_space<vmem_shared>> -> memref<10000x16xf32, #tpu.memory_space<vmem_shared>>
            tpu.wait_indirect_dma semaphore(%run_scoped3A : memref<!tpu.dma_semaphore, #tpu.memory_space<semaphore_mem>>) src(%arg14 : memref<128x16xf32, #tpu.memory_space<vmem>>) dst(%dma_wait3A_159 : memref<10000x16xf32, #tpu.memory_space<vmem_shared>>)
            tpu.yield
          }) : () -> ()
        } else {
        }
        %while3A_147 = arith.constant 0 : i32
        scf.yield %while3A_147 : i32
      }
      %dma_wait3A = arith.constant 0 : i32
      %dma_wait3A_100 = arith.constant 0 : i32
      %dma_wait3A_101 = arith.constant 0 : i32
      %dma_wait3A_102 = tpu.memref_slice %arg9[%dma_wait3A_100, %dma_wait3A_101] : memref<384x64xf32, #tpu.memory_space<vmem>> -> memref<128x64xf32, #tpu.memory_space<vmem>>
      %dma_wait3A_103 = arith.constant 0 : i32
      %dma_wait3A_104 = tpu.memref_slice %arg8[%dma_wait3A, %dma_wait3A_103] : memref<2x128xi32, #tpu.memory_space<vmem>> -> memref<1x128xi32, #tpu.memory_space<vmem>>
      %dma_wait3A_105 = tpu.memref_squeeze %dma_wait3A_104 : memref<1x128xi32, #tpu.memory_space<vmem>> -> memref<128xi32, #tpu.memory_space<vmem>>
      %dma_wait3A_106 = arith.constant 0 : i32
      %dma_wait3A_107 = arith.constant 0 : i32
      %dma_wait3A_108 = tpu.memref_slice %arg11[%dma_wait3A_106, %dma_wait3A_107] : memref<10000x64xf32, #tpu.memory_space<vmem_shared>> -> memref<10000x64xf32, #tpu.memory_space<vmem_shared>>
      tpu.wait_indirect_dma semaphore(%arg13 : memref<!tpu.dma_semaphore, #tpu.memory_space<semaphore_mem>>) src(%dma_wait3A_102 : memref<128x64xf32, #tpu.memory_space<vmem>>) dst(%dma_wait3A_108 : memref<10000x64xf32, #tpu.memory_space<vmem_shared>>)
    } else {
    }
    %barrier3A_66 = arith.constant 0 : index
    tpu.barrier barrier_id(%barrier3A_66)
    %mul3A_67 = arith.constant 64 : i32
    %mul3A_68 = arith.muli %arg0, %mul3A_67 : i32
    "tpu.region"() ({
      %run_scoped3A = tpu.sem_alloc : memref<!tpu.dma_semaphore, #tpu.memory_space<semaphore_mem>>
      %dma_start3A = tpu.memref_slice %arg5[%mul3A_0, %mul3A_68] : memref<10000x128xf32, #tpu.memory_space<hbm>> -> memref<625x64xf32, #tpu.memory_space<hbm>>
      %dma_start3A_69 = arith.constant 0 : i32
      %dma_start3A_70 = tpu.memref_slice %arg11[%mul3A_0, %dma_start3A_69] : memref<10000x64xf32, #tpu.memory_space<vmem_shared>> -> memref<625x64xf32, #tpu.memory_space<vmem_shared>>
      tpu.enqueue_dma source(%dma_start3A_70 : memref<625x64xf32, #tpu.memory_space<vmem_shared>>) target(%dma_start3A : memref<625x64xf32, #tpu.memory_space<hbm>>) target_semaphore(%run_scoped3A : memref<!tpu.dma_semaphore, #tpu.memory_space<semaphore_mem>>)
      %dma_wait3A = tpu.memref_slice %arg5[%mul3A_0, %mul3A_68] : memref<10000x128xf32, #tpu.memory_space<hbm>> -> memref<625x64xf32, #tpu.memory_space<hbm>>
      %dma_wait3A_71 = arith.constant 0 : i32
      %dma_wait3A_72 = tpu.memref_slice %arg11[%mul3A_0, %dma_wait3A_71] : memref<10000x64xf32, #tpu.memory_space<vmem_shared>> -> memref<625x64xf32, #tpu.memory_space<vmem_shared>>
      tpu.wait_dma2 semaphore(%run_scoped3A : memref<!tpu.dma_semaphore, #tpu.memory_space<semaphore_mem>>) src(%dma_wait3A_72 : memref<625x64xf32, #tpu.memory_space<vmem_shared>>) dst(%dma_wait3A : memref<625x64xf32, #tpu.memory_space<hbm>>)
      tpu.yield
    }) : () -> ()
    "tpu.region"() ({
      %run_scoped3A = tpu.sem_alloc : memref<!tpu.dma_semaphore, #tpu.memory_space<semaphore_mem>>
      %dma_start3A = arith.constant 0 : i32
      %dma_start3A_69 = arith.constant 0 : i32
      %dma_start3A_70 = tpu.memref_slice %arg6[%arg0, %dma_start3A, %dma_start3A_69] : memref<2x10000x16xf32, #tpu.memory_space<hbm>> -> memref<1x10000x16xf32, #tpu.memory_space<hbm>>
      %dma_start3A_71 = tpu.memref_squeeze %dma_start3A_70 : memref<1x10000x16xf32, #tpu.memory_space<hbm>> -> memref<10000x16xf32, #tpu.memory_space<hbm>>
      %dma_start3A_72 = arith.constant 0 : i32
      %dma_start3A_73 = tpu.memref_slice %dma_start3A_71[%mul3A_0, %dma_start3A_72] : memref<10000x16xf32, #tpu.memory_space<hbm>> -> memref<625x16xf32, #tpu.memory_space<hbm>>
      %dma_start3A_74 = arith.constant 0 : i32
      %dma_start3A_75 = tpu.memref_slice %arg16[%mul3A_0, %dma_start3A_74] : memref<10000x16xf32, #tpu.memory_space<vmem_shared>> -> memref<625x16xf32, #tpu.memory_space<vmem_shared>>
      tpu.enqueue_dma source(%dma_start3A_75 : memref<625x16xf32, #tpu.memory_space<vmem_shared>>) target(%dma_start3A_73 : memref<625x16xf32, #tpu.memory_space<hbm>>) target_semaphore(%run_scoped3A : memref<!tpu.dma_semaphore, #tpu.memory_space<semaphore_mem>>)
      %dma_wait3A = arith.constant 0 : i32
      %dma_wait3A_76 = arith.constant 0 : i32
      %dma_wait3A_77 = tpu.memref_slice %arg6[%arg0, %dma_wait3A, %dma_wait3A_76] : memref<2x10000x16xf32, #tpu.memory_space<hbm>> -> memref<1x10000x16xf32, #tpu.memory_space<hbm>>
      %dma_wait3A_78 = tpu.memref_squeeze %dma_wait3A_77 : memref<1x10000x16xf32, #tpu.memory_space<hbm>> -> memref<10000x16xf32, #tpu.memory_space<hbm>>
      %dma_wait3A_79 = arith.constant 0 : i32
      %dma_wait3A_80 = tpu.memref_slice %dma_wait3A_78[%mul3A_0, %dma_wait3A_79] : memref<10000x16xf32, #tpu.memory_space<hbm>> -> memref<625x16xf32, #tpu.memory_space<hbm>>
      %dma_wait3A_81 = arith.constant 0 : i32
      %dma_wait3A_82 = tpu.memref_slice %arg16[%mul3A_0, %dma_wait3A_81] : memref<10000x16xf32, #tpu.memory_space<vmem_shared>> -> memref<625x16xf32, #tpu.memory_space<vmem_shared>>
      tpu.wait_dma2 semaphore(%run_scoped3A : memref<!tpu.dma_semaphore, #tpu.memory_space<semaphore_mem>>) src(%dma_wait3A_82 : memref<625x16xf32, #tpu.memory_space<vmem_shared>>) dst(%dma_wait3A_80 : memref<625x16xf32, #tpu.memory_space<hbm>>)
      tpu.yield
    }) : () -> ()
    return
  }
}

module attributes {stable_mosaic.version = 14 : i64} {
  func.func @_dense_body(%arg0: i32, %arg1: memref<2000x128xf32, #tpu.memory_space<vmem>>, %arg2: memref<2000x128xf32, #tpu.memory_space<vmem>>, %arg3: memref<2x2000x16xf32, #tpu.memory_space<vmem>>, %arg4: memref<256x128xf32, #tpu.memory_space<vmem>>, %arg5: memref<1x128xf32, #tpu.memory_space<vmem>>, %arg6: memref<2000x128xf32, #tpu.memory_space<vmem>>) attributes {dimension_semantics = [#tpu.dimension_semantics<arbitrary>], iteration_bounds = array<i64: 5>, scalar_prefetch = 0 : i64, scratch_operands = 0 : i64, tpu.core_type = #tpu.core_type<tc>, window_params = [{transform_indices = @transform_0, window_bounds = array<i64: 2000, 128>}, {transform_indices = @transform_1, window_bounds = array<i64: 2000, 128>}, {transform_indices = @transform_2, window_bounds = array<i64: 2, 2000, 16>}, {pipeline_mode = #tpu.pipeline_mode<synchronous>, transform_indices = @transform_3, window_bounds = array<i64: 256, 128>}, {pipeline_mode = #tpu.pipeline_mode<synchronous>, transform_indices = @transform_4, window_bounds = array<i64: 1, 128>}, {transform_indices = @transform_5, window_bounds = array<i64: 2000, 128>}]} {
    %get3A = arith.constant 0 : index
    %get3A_0 = arith.constant 0 : index
    %get3A_1 = arith.constant 0 : index
    %get3A_2 = vector.load %arg3[%get3A, %get3A_0, %get3A_1] : memref<2x2000x16xf32, #tpu.memory_space<vmem>>, vector<1x2000x1xf32>
    %get3A_3 = vector.shape_cast %get3A_2 : vector<1x2000x1xf32> to vector<2000x1xf32>
    %get3A_4 = arith.constant 1 : index
    %get3A_5 = arith.constant 0 : index
    %get3A_6 = arith.constant 0 : index
    %get3A_7 = vector.load %arg3[%get3A_4, %get3A_5, %get3A_6] : memref<2x2000x16xf32, #tpu.memory_space<vmem>>, vector<1x2000x1xf32>
    %get3A_8 = vector.shape_cast %get3A_7 : vector<1x2000x1xf32> to vector<2000x1xf32>
    %add3A = arith.addf %get3A_3, %get3A_8 : vector<2000x1xf32>
    %max3A = arith.constant 1.000000e+00 : f32
    %max3A_9 = vector.broadcast %max3A : f32 to vector<2000x1xf32>
    %max3A_10 = arith.maximumf %add3A, %max3A_9 : vector<2000x1xf32>
    %get3A_11 = arith.constant 0 : index
    %get3A_12 = arith.constant 0 : index
    %get3A_13 = vector.load %arg2[%get3A_11, %get3A_12] : memref<2000x128xf32, #tpu.memory_space<vmem>>, vector<2000x128xf32>
    %div3A = vector.broadcast %max3A_10 : vector<2000x1xf32> to vector<2000x128xf32>
    %div3A_14 = arith.divf %get3A_13, %div3A : vector<2000x128xf32>
    %get3A_15 = arith.constant 0 : index
    %get3A_16 = arith.constant 0 : index
    %get3A_17 = vector.load %arg1[%get3A_15, %get3A_16] : memref<2000x128xf32, #tpu.memory_space<vmem>>, vector<2000x128xf32>
    %get3A_18 = arith.constant 0 : index
    %get3A_19 = arith.constant 0 : index
    %get3A_20 = vector.load %arg4[%get3A_18, %get3A_19] : memref<256x128xf32, #tpu.memory_space<vmem>>, vector<128x128xf32>
    %dot_general3A = arith.constant dense<0.000000e+00> : vector<2000x128xf32>
    %dot_general3A_21 = tpu.matmul %get3A_17, %get3A_20, %dot_general3A {dimension_numbers = #tpu.dot_dimension_numbers<[1], [0], [0], [1], [0, 0, 1, 1], [], []>, transpose_lhs_hint = false} : vector<2000x128xf32>, vector<128x128xf32>, vector<2000x128xf32> -> vector<2000x128xf32>
    %get3A_22 = arith.constant 128 : index
    %get3A_23 = arith.constant 0 : index
    %get3A_24 = vector.load %arg4[%get3A_22, %get3A_23] : memref<256x128xf32, #tpu.memory_space<vmem>>, vector<128x128xf32>
    %dot_general3A_25 = arith.constant dense<0.000000e+00> : vector<2000x128xf32>
    %dot_general3A_26 = tpu.matmul %div3A_14, %get3A_24, %dot_general3A_25 {dimension_numbers = #tpu.dot_dimension_numbers<[1], [0], [0], [1], [0, 0, 1, 1], [], []>, transpose_lhs_hint = false} : vector<2000x128xf32>, vector<128x128xf32>, vector<2000x128xf32> -> vector<2000x128xf32>
    %add3A_27 = arith.addf %dot_general3A_21, %dot_general3A_26 : vector<2000x128xf32>
    %get3A_28 = arith.constant 0 : index
    %get3A_29 = arith.constant 0 : index
    %get3A_30 = vector.load %arg5[%get3A_28, %get3A_29] : memref<1x128xf32, #tpu.memory_space<vmem>>, vector<1x128xf32>
    %add3A_31 = vector.broadcast %get3A_30 : vector<1x128xf32> to vector<2000x128xf32>
    %add3A_32 = arith.addf %add3A_27, %add3A_31 : vector<2000x128xf32>
    %logistic3A = arith.negf %add3A_32 : vector<2000x128xf32>
    %logistic3A_33 = math.exp %logistic3A : vector<2000x128xf32>
    %logistic3A_34 = arith.constant 1.000000e+00 : f32
    %logistic3A_35 = vector.broadcast %logistic3A_34 : f32 to vector<2000x128xf32>
    %logistic3A_36 = arith.addf %logistic3A_35, %logistic3A_33 : vector<2000x128xf32>
    %logistic3A_37 = arith.divf %logistic3A_35, %logistic3A_36 : vector<2000x128xf32>
    %mul3A = arith.mulf %logistic3A_37, %logistic3A_37 : vector<2000x128xf32>
    %reduce_sum3A = arith.constant dense<0.000000e+00> : vector<2000xf32>
    %reduce_sum3A_38 = vector.multi_reduction <add>, %mul3A, %reduce_sum3A [1] : vector<2000x128xf32> to vector<2000xf32>
    %broadcast_in_dim3A = vector.shape_cast %reduce_sum3A_38 : vector<2000xf32> to vector<2000x1xf32>
    %sqrt3A = math.sqrt %broadcast_in_dim3A : vector<2000x1xf32>
    %max3A_39 = arith.constant 9.99999996E-13 : f32
    %max3A_40 = vector.broadcast %max3A_39 : f32 to vector<2000x1xf32>
    %max3A_41 = arith.maximumf %sqrt3A, %max3A_40 : vector<2000x1xf32>
    %div3A_42 = vector.broadcast %max3A_41 : vector<2000x1xf32> to vector<2000x128xf32>
    %div3A_43 = arith.divf %logistic3A_37, %div3A_42 : vector<2000x128xf32>
    %swap3A = arith.constant 0 : index
    %swap3A_44 = arith.constant 0 : index
    %swap3A_45 = vector.load %arg6[%swap3A, %swap3A_44] : memref<2000x128xf32, #tpu.memory_space<vmem>>, vector<2000x128xf32>
    tpu.vector_store %arg6[%swap3A, %swap3A_44], %div3A_43 {strides = array<i32>} : memref<2000x128xf32, #tpu.memory_space<vmem>>, vector<2000x128xf32>,
    return
  }
  func.func @transform_0(%arg0: i32) -> (i32, i32) {
    %c0_i32 = arith.constant 0 : i32
    %c0_i32_0 = arith.constant 0 : i32
    return %arg0, %c0_i32 : i32, i32
  }
  func.func @transform_1(%arg0: i32) -> (i32, i32) {
    %c0_i32 = arith.constant 0 : i32
    %c0_i32_0 = arith.constant 0 : i32
    return %arg0, %c0_i32 : i32, i32
  }
  func.func @transform_2(%arg0: i32) -> (i32, i32, i32) {
    %c0_i32 = arith.constant 0 : i32
    %c0_i32_0 = arith.constant 0 : i32
    %c0_i32_1 = arith.constant 0 : i32
    return %c0_i32, %arg0, %c0_i32_0 : i32, i32, i32
  }
  func.func @transform_3(%arg0: i32) -> (i32, i32) {
    %c0_i32 = arith.constant 0 : i32
    %c0_i32_0 = arith.constant 0 : i32
    %c0_i32_1 = arith.constant 0 : i32
    return %c0_i32, %c0_i32_0 : i32, i32
  }
  func.func @transform_4(%arg0: i32) -> (i32, i32) {
    %c0_i32 = arith.constant 0 : i32
    %c0_i32_0 = arith.constant 0 : i32
    %c0_i32_1 = arith.constant 0 : i32
    return %c0_i32, %c0_i32_0 : i32, i32
  }
  func.func @transform_5(%arg0: i32) -> (i32, i32) {
    %c0_i32 = arith.constant 0 : i32
    %c0_i32_0 = arith.constant 0 : i32
    return %arg0, %c0_i32 : i32, i32
  }
}

module attributes {stable_mosaic.version = 14 : i64} {
  func.func @_dense_body(%arg0: i32, %arg1: memref<2000x128xf32, #tpu.memory_space<vmem>>, %arg2: memref<2000x128xf32, #tpu.memory_space<vmem>>, %arg3: memref<2x2000x16xf32, #tpu.memory_space<vmem>>, %arg4: memref<256x128xf32, #tpu.memory_space<vmem>>, %arg5: memref<1x128xf32, #tpu.memory_space<vmem>>, %arg6: memref<2000x128xf32, #tpu.memory_space<vmem>>) attributes {dimension_semantics = [#tpu.dimension_semantics<arbitrary>], iteration_bounds = array<i64: 5>, scalar_prefetch = 0 : i64, scratch_operands = 0 : i64, tpu.core_type = #tpu.core_type<tc>, window_params = [{transform_indices = @transform_0, window_bounds = array<i64: 2000, 128>}, {transform_indices = @transform_1, window_bounds = array<i64: 2000, 128>}, {transform_indices = @transform_2, window_bounds = array<i64: 2, 2000, 16>}, {pipeline_mode = #tpu.pipeline_mode<synchronous>, transform_indices = @transform_3, window_bounds = array<i64: 256, 128>}, {pipeline_mode = #tpu.pipeline_mode<synchronous>, transform_indices = @transform_4, window_bounds = array<i64: 1, 128>}, {transform_indices = @transform_5, window_bounds = array<i64: 2000, 128>}]} {
    %get3A = arith.constant 0 : index
    %get3A_0 = arith.constant 0 : index
    %get3A_1 = arith.constant 0 : index
    %get3A_2 = vector.load %arg3[%get3A, %get3A_0, %get3A_1] : memref<2x2000x16xf32, #tpu.memory_space<vmem>>, vector<1x2000x1xf32>
    %get3A_3 = vector.shape_cast %get3A_2 : vector<1x2000x1xf32> to vector<2000x1xf32>
    %get3A_4 = arith.constant 1 : index
    %get3A_5 = arith.constant 0 : index
    %get3A_6 = arith.constant 0 : index
    %get3A_7 = vector.load %arg3[%get3A_4, %get3A_5, %get3A_6] : memref<2x2000x16xf32, #tpu.memory_space<vmem>>, vector<1x2000x1xf32>
    %get3A_8 = vector.shape_cast %get3A_7 : vector<1x2000x1xf32> to vector<2000x1xf32>
    %add3A = arith.addf %get3A_3, %get3A_8 : vector<2000x1xf32>
    %max3A = arith.constant 1.000000e+00 : f32
    %max3A_9 = vector.broadcast %max3A : f32 to vector<2000x1xf32>
    %max3A_10 = arith.maximumf %add3A, %max3A_9 : vector<2000x1xf32>
    %get3A_11 = arith.constant 0 : index
    %get3A_12 = arith.constant 0 : index
    %get3A_13 = vector.load %arg2[%get3A_11, %get3A_12] : memref<2000x128xf32, #tpu.memory_space<vmem>>, vector<2000x128xf32>
    %div3A = vector.broadcast %max3A_10 : vector<2000x1xf32> to vector<2000x128xf32>
    %div3A_14 = arith.divf %get3A_13, %div3A : vector<2000x128xf32>
    %get3A_15 = arith.constant 0 : index
    %get3A_16 = arith.constant 0 : index
    %get3A_17 = vector.load %arg1[%get3A_15, %get3A_16] : memref<2000x128xf32, #tpu.memory_space<vmem>>, vector<2000x128xf32>
    %get3A_18 = arith.constant 0 : index
    %get3A_19 = arith.constant 0 : index
    %get3A_20 = vector.load %arg4[%get3A_18, %get3A_19] : memref<256x128xf32, #tpu.memory_space<vmem>>, vector<128x128xf32>
    %dot_general3A = arith.constant dense<0.000000e+00> : vector<2000x128xf32>
    %dot_general3A_21 = tpu.matmul %get3A_17, %get3A_20, %dot_general3A {dimension_numbers = #tpu.dot_dimension_numbers<[1], [0], [0], [1], [0, 0, 1, 1], [], []>, transpose_lhs_hint = false} : vector<2000x128xf32>, vector<128x128xf32>, vector<2000x128xf32> -> vector<2000x128xf32>
    %get3A_22 = arith.constant 128 : index
    %get3A_23 = arith.constant 0 : index
    %get3A_24 = vector.load %arg4[%get3A_22, %get3A_23] : memref<256x128xf32, #tpu.memory_space<vmem>>, vector<128x128xf32>
    %dot_general3A_25 = arith.constant dense<0.000000e+00> : vector<2000x128xf32>
    %dot_general3A_26 = tpu.matmul %div3A_14, %get3A_24, %dot_general3A_25 {dimension_numbers = #tpu.dot_dimension_numbers<[1], [0], [0], [1], [0, 0, 1, 1], [], []>, transpose_lhs_hint = false} : vector<2000x128xf32>, vector<128x128xf32>, vector<2000x128xf32> -> vector<2000x128xf32>
    %add3A_27 = arith.addf %dot_general3A_21, %dot_general3A_26 : vector<2000x128xf32>
    %get3A_28 = arith.constant 0 : index
    %get3A_29 = arith.constant 0 : index
    %get3A_30 = vector.load %arg5[%get3A_28, %get3A_29] : memref<1x128xf32, #tpu.memory_space<vmem>>, vector<1x128xf32>
    %add3A_31 = vector.broadcast %get3A_30 : vector<1x128xf32> to vector<2000x128xf32>
    %add3A_32 = arith.addf %add3A_27, %add3A_31 : vector<2000x128xf32>
    %logistic3A = arith.negf %add3A_32 : vector<2000x128xf32>
    %logistic3A_33 = math.exp %logistic3A : vector<2000x128xf32>
    %logistic3A_34 = arith.constant 1.000000e+00 : f32
    %logistic3A_35 = vector.broadcast %logistic3A_34 : f32 to vector<2000x128xf32>
    %logistic3A_36 = arith.addf %logistic3A_35, %logistic3A_33 : vector<2000x128xf32>
    %logistic3A_37 = arith.divf %logistic3A_35, %logistic3A_36 : vector<2000x128xf32>
    %mul3A = arith.mulf %logistic3A_37, %logistic3A_37 : vector<2000x128xf32>
    %reduce_sum3A = arith.constant dense<0.000000e+00> : vector<2000xf32>
    %reduce_sum3A_38 = vector.multi_reduction <add>, %mul3A, %reduce_sum3A [1] : vector<2000x128xf32> to vector<2000xf32>
    %broadcast_in_dim3A = vector.shape_cast %reduce_sum3A_38 : vector<2000xf32> to vector<2000x1xf32>
    %sqrt3A = math.sqrt %broadcast_in_dim3A : vector<2000x1xf32>
    %max3A_39 = arith.constant 9.99999996E-13 : f32
    %max3A_40 = vector.broadcast %max3A_39 : f32 to vector<2000x1xf32>
    %max3A_41 = arith.maximumf %sqrt3A, %max3A_40 : vector<2000x1xf32>
    %div3A_42 = vector.broadcast %max3A_41 : vector<2000x1xf32> to vector<2000x128xf32>
    %div3A_43 = arith.divf %logistic3A_37, %div3A_42 : vector<2000x128xf32>
    %swap3A = arith.constant 0 : index
    %swap3A_44 = arith.constant 0 : index
    %swap3A_45 = vector.load %arg6[%swap3A, %swap3A_44] : memref<2000x128xf32, #tpu.memory_space<vmem>>, vector<2000x128xf32>
    tpu.vector_store %arg6[%swap3A, %swap3A_44], %div3A_43 {strides = array<i32>} : memref<2000x128xf32, #tpu.memory_space<vmem>>, vector<2000x128xf32>,
    return
  }
  func.func @transform_0(%arg0: i32) -> (i32, i32) {
    %c0_i32 = arith.constant 0 : i32
    %c0_i32_0 = arith.constant 0 : i32
    return %arg0, %c0_i32 : i32, i32
  }
  func.func @transform_1(%arg0: i32) -> (i32, i32) {
    %c0_i32 = arith.constant 0 : i32
    %c0_i32_0 = arith.constant 0 : i32
    return %arg0, %c0_i32 : i32, i32
  }
  func.func @transform_2(%arg0: i32) -> (i32, i32, i32) {
    %c0_i32 = arith.constant 0 : i32
    %c0_i32_0 = arith.constant 0 : i32
    %c0_i32_1 = arith.constant 0 : i32
    return %c0_i32, %arg0, %c0_i32_0 : i32, i32, i32
  }
  func.func @transform_3(%arg0: i32) -> (i32, i32) {
    %c0_i32 = arith.constant 0 : i32
    %c0_i32_0 = arith.constant 0 : i32
    %c0_i32_1 = arith.constant 0 : i32
    return %c0_i32, %c0_i32_0 : i32, i32
  }
  func.func @transform_4(%arg0: i32) -> (i32, i32) {
    %c0_i32 = arith.constant 0 : i32
    %c0_i32_0 = arith.constant 0 : i32
    %c0_i32_1 = arith.constant 0 : i32
    return %c0_i32, %c0_i32_0 : i32, i32
  }
  func.func @transform_5(%arg0: i32) -> (i32, i32) {
    %c0_i32 = arith.constant 0 : i32
    %c0_i32_0 = arith.constant 0 : i32
    return %arg0, %c0_i32 : i32, i32
  }
}

</mosaic_0001>

<sc_bundles>
// kernel: kernel.6.cloned.1.call-start
scs
__scs_entry_jumppad:
0x0: {  	(pc) =	sbr.rel $0x88, $3  }
0x1: {  	(tag) =	ssettag $0x0;
	lr =	simm.s32 $0x1  }
0x2: {  	[smem:$0x3F9B] =	sst lr;
	_ =	strace $0xD0000000  }
0x3: {  	_ = 	snop  }
0x4: {  	_ = 	snop  }
0x5: {  	_ = 	snop  }
0x6: {  	_ = 	snop  }
0x7: {  	_ = 	snop  }
__scs_overlays_trampoline_lowered:
0x8: {  	[smem:$0x3FAA] =	sst s0  }
0x9: {  	[smem:$0x3FAB] =	sst s1  }
0xa: {  	[smem:$0x3FAC] =	sst s2  }
0xb: {  	[smem:$0x3FAD] =	sst s3  }
0xc: {  	[smem:$0x3FAE] =	sst s4  }
0xd: {  	[smem:$0x3FAF] =	sst s5  }
0xe: {  	[smem:$0x3FB0] =	sst s6  }
0xf: {  	[smem:$0x3FB1] =	sst s7  }
0x10: {  	[smem:$0x3FB2] =	sst s8  }
0x11: {  	[smem:$0x3FB3] =	sst s9;
	s0 =	simm.s32 @!p0 $0x0  }
0x12: {  	s1 =	sld [smem:$0x3F99];
	s0 =	simm.s32 @p0 $0x1  }
0x13: {  	[smem:$0x3FB4] =	sst s0;
	s0 =	simm.s32 @!p1 $0x0  }
0x14: {  	s2 =	sld [smem:$0x3F98];
	s0 =	simm.s32 @p1 $0x1  }
0x15: {  	[smem:$0x3FB5] =	sst s0;
	s0 =	simm.s32 @!p2 $0x0  }
0x16: {  	s3 =	sld [smem:$0x3FDB];
	s0 =	simm.s32 @p2 $0x1  }
0x17: {  	s4 =	simm.s32 $0x1BF5;
	[smem:$0x3FB7] =	sst s0  }
0x18: {  	s0 =	sld [smem:$0x3F9A];
	_ =	swait.ge [sflag:s4], $0x0  }
0x19: {  	s7 =	sld [smem:$0x3F9B]  }
0x1a: {  	s8 =	sadd.s32 $0xFFFFE003, lr  }
0x1b: {  	s9 =	sadd.s32 $0xFFFFFEF7, lr;
	s5 =	simm.s32 $0xFFFFFFFF;
	p2 =	slt.u32 s8, $0xFFFFF086  }
0x1c: {  	p1 =	slt.u32 s9, $0xF7A;
	s5 =	simm.s32 @!p2 $0x0  }
0x1d: {  	s5 =	simm.s32 @p1 $0x1;
	p0 =	seq.s32 s7, s2  }
0x1e: {  	s7 =	smul.u32 @!p0 $0xF7A, s2;
	p2 =	seq.s32 @!p0 s5, $0x0  }
0x1f: {  	s9 =	smul.u32 $0xF7A, s1;
	s8 =	simm.s32 @!p0 $0x1BF5;
	p2 =	por !p2, p0  }
0x20: {  	[sflag:s8] =	ssyncset.s32 @!p0 $0xFFFFF086;
	s6 =	sadd.s32 @!p0 s3, s7;
	s7 =	simm.s32 @!p0 $0x108  }
0x21: {  	s3 =	sadd.s32 s3, s9;
	s6 =	sadd.s32 @!p0 $0x88, s6;
	s7 =	simm.s32 @p2 $0x1082  }
0x22: {  	[simem:s7], [sflag:s8] =	dma.local @!p0 [hbm:s6], $0xF7A  }
0x23: {  	s9 =	sor.u32 $0xD0000000, s2;
	s6 =	simm.s32 $0x108;
	_ =	swait.ge @!p0 [sflag:s8], $0x0  }
0x24: {  	s3 =	sadd.s32 $0x88, s3;
	s6 =	simm.s32 @!p1 $0x1082;
	[sflag:s4] =	ssyncset.s32 $0xFFFFF086  }
0x25: {  	[simem:s6], [sflag:s4] =	dma.local [hbm:s3], $0xF7A  }
0x26: {  	[smem:$0x3F9B] =	sst s1;
	(tag) =	ssettag s2;
	_ =	strace s9  }
0x27: {  	s1 =	sld [smem:$0x3FAB]  }
0x28: {  	s2 =	sld [smem:$0x3FAC]  }
0x29: {  	s4 =	sld [smem:$0x3FAE]  }
0x2a: {  	p0 =	seq.s32 s5, $0x0;
	s5 =	sld [smem:$0x3FAF]  }
0x2b: {  	s6 =	sld [smem:$0x3FB0]  }
0x2c: {  	s7 =	sld [smem:$0x3FB1]  }
0x2d: {  	s3 =	simm.s32 $0x108;
	s8 =	sld [smem:$0x3FB2]  }
0x2e: {  	s3 =	simm.s32 @!p0 $0x1082;
	s9 =	sld [smem:$0x3FB3]  }
0x2f: {  	lr =	sadd.s32 s0, s3;
	s0 =	sld [smem:$0x3FAA]  }
0x30: {  	s3 =	sld [smem:$0x3FAD]  }
0x31: {  	[smem:$0x3FB6] =	sst s10  }
0x32: {  	s10 =	sld [smem:$0x3FB4];
	_ =	sdelay $0x3  }
0x33: {  	p0 =	seq.s32 s10, $0x1;
	s10 =	sld [smem:$0x3FB6];
	_ =	sdelay $0x3  }
0x34: {  	[smem:$0x3FB6] =	sst s10  }
0x35: {  	s10 =	sld [smem:$0x3FB5];
	_ =	sdelay $0x3  }
0x36: {  	p1 =	seq.s32 s10, $0x1;
	s10 =	sld [smem:$0x3FB6];
	_ =	sdelay $0x3  }
0x37: {  	[smem:$0x3FB6] =	sst s10  }
0x38: {  	s10 =	sld [smem:$0x3FB7]  }
0x39: {  	_ = 	snop;
	(pc) =	sbr.ind lr, $3  }
0x3a: {  	_ = 	snop  }
0x3b: {  	_ = 	snop  }
0x3c: {  	p2 =	seq.s32 s10, $0x1;
	s10 =	sld [smem:$0x3FB6]  }
0x3d: {  	_ =	shalt  }
0x3e: {  	_ =	shalt  }
0x3f: {  	_ =	shalt  }
0x40: {  	_ =	shalt  }
0x41: {  	_ =	shalt  }
0x42: {  	_ =	shalt  }
0x43: {  	_ =	shalt  }
0x44: {  	_ =	shalt  }
0x45: {  	_ =	shalt  }
0x46: {  	_ =	shalt  }
0x47: {  	_ =	shalt  }
0x48: {  	_ =	shalt  }
0x49: {  	_ =	shalt  }
0x4a: {  	_ =	shalt  }
0x4b: {  	_ =	shalt  }
0x4c: {  	_ =	shalt  }
0x4d: {  	_ =	shalt  }
0x4e: {  	_ =	shalt  }
0x4f: {  	_ =	shalt  }
0x50: {  	_ =	shalt  }
0x51: {  	_ =	shalt  }
0x52: {  	_ =	shalt  }
0x53: {  	_ =	shalt  }
0x54: {  	_ =	shalt  }
0x55: {  	_ =	shalt  }
0x56: {  	_ =	shalt  }
0x57: {  	_ =	shalt  }
0x58: {  	_ =	shalt  }
0x59: {  	_ =	shalt  }
0x5a: {  	_ =	shalt  }
0x5b: {  	_ =	shalt  }
0x5c: {  	_ =	shalt  }
0x5d: {  	_ =	shalt  }
0x5e: {  	_ =	shalt  }
0x5f: {  	_ =	shalt  }
0x60: {  	_ =	shalt  }
0x61: {  	_ =	shalt  }
0x62: {  	_ =	shalt  }
0x63: {  	_ =	shalt  }
0x64: {  	_ =	shalt  }
0x65: {  	_ =	shalt  }
0x66: {  	_ =	shalt  }
0x67: {  	_ =	shalt  }
0x68: {  	_ =	shalt  }
0x69: {  	_ =	shalt  }
0x6a: {  	_ =	shalt  }
0x6b: {  	_ =	shalt  }
0x6c: {  	_ =	shalt  }
0x6d: {  	_ =	shalt  }
0x6e: {  	_ =	shalt  }
0x6f: {  	_ =	shalt  }
0x70: {  	_ =	shalt  }
0x71: {  	_ =	shalt  }
0x72: {  	_ =	shalt  }
0x73: {  	_ =	shalt  }
0x74: {  	_ =	shalt  }
0x75: {  	_ =	shalt  }
0x76: {  	_ =	shalt  }
0x77: {  	_ =	shalt  }
0x78: {  	_ =	shalt  }
0x79: {  	_ =	shalt  }
0x7a: {  	_ =	shalt  }
0x7b: {  	_ =	shalt  }
0x7c: {  	_ =	shalt  }
0x7d: {  	_ =	shalt  }
0x7e: {  	_ =	shalt  }
0x7f: {  	_ =	shalt  }
0x80: {  	_ =	shalt  }
0x81: {  	_ =	shalt  }
0x82: {  	_ =	shalt  }
0x83: {  	_ =	shalt  }
0x84: {  	_ =	shalt  }
0x85: {  	_ =	shalt  }
0x86: {  	_ =	shalt  }
0x87: {  	_ =	shalt  }
.Lfunc_end0:
.L_simem_size_0:
called_computation_lowered:
.L_overlay_start_0:
0x88: {  	s2 =	sld [smem:$0x3FD9]  }
0x89: {  	s3 =	sld [smem:$0x3FFE];
	_ =	sdelay $0x1  }
0x8a: {  	s1 =	srdreg.scid  }
0x8b: {  	s0 =	sand.u32 $0x1, s1  }
0x8c: {  	s17 =	sshll.u32 s0, $0xA;
	s2 =	sadd.s32 s3, s2  }
0x8d: {  	s2 =	sadd.s32 s2, s17  }
0x8e: {  	[smem:$0x3FC2] =	sst s2  }
0x8f: {  	_ = 	snop  }
0x90: {  	s2 =	sld [smem:$0x3FC9]  }
0x91: {  	s18 =	sld [smem:$0x3FD0];
	(tm) =	ssettm $0x1  }
0x92: {  	s4 =	sld [smem:$0x3FFB];
	_ =	sdelay $0x3  }
0x93: {  	_ =	strace s4  }
0x94: {  	s4 =	sld [smem:$0x3FFC];
	_ =	sdelay $0x3  }
0x95: {  	_ =	strace s4  }
0x96: {  	s4 =	sld [smem:$0x3FFD];
	_ =	sdelay $0x3  }
0x97: {  	_ =	strace s4  }
0x98: {  	_ =	strace $0x8FFFFFFF  }
0x99: {  	s19 =	sld [smem:$0x3FDB];
	_ =	sdelay $0x1  }
0x9a: {  	s5 =	simm.s32 $_scs_section_size  }
0x9b: {  	s6 =	simm.s32 $_size__tile_overlayer_lowered;
	s7 =	simm.s32 $_tile_overlayer_lowered  }
0x9c: {  	s22 =	simm.s32 $0x1BFF;
	s21 =	sshll.u32 s7, $0x1;
	s4 =	sadd.s32 s5, s19  }
0x9d: {  	s8 =	simm.s32 $0x0;
	s20 =	sshll.u32 s6, $0x1;
	s6 =	sadd.s32 s21, s4  }
0x9e: {  	[timem:s8], [sflag:s22] =	dma.local [hbm:s6], s20  }
0x9f: {  	_ =	swait.ge [sflag:s22], s20  }
0xa0: {  	s5 =	ssub.s32 $0x0, s20;
	[sflag:s22] =	ssyncset.done $0x0  }
0xa1: {  	[sflag:s22] =	ssyncadd.s32 s5;
	_ =	sdelay $0x1  }
0xa2: {  	s23 =	simm.s32 $0x1B8B  }
0xa3: {  	_ =	swait.ge [sflag:s23], $0x1  }
0xa4: {  	[sflag:s23] =	ssyncset.done $0x0  }
0xa5: {  	s25 =	simm.s32 $0x1B8E;
	s24 =	sld [smem:$0x3FFE];
	[sflag:s23] =	ssyncadd.s32 $0xFFFFFFFF  }
0xa6: {  	s26 =	simm.s32 $execute0_lowered;
	[smem:$0x3FD2] =	sst s25  }
0xa7: {  	s6 =	sshll.u32 s26, $0x1;
	_ =	strace $0x80000046;
	[dreg:$0x1] =	wrdreg $0xFFFFFFFF  }
0xa8: {  	s28 =	simm.s32 $_size_execute0_lowered;
	s4 =	sadd.s32 s4, s6;
	[dreg:$0x0] =	wrdreg $0x0  }
0xa9: {  	s6 =	sshll.u32 s28, $0x1;
	[dreg:$0x2] =	wrdreg s4  }
0xaa: {  	[dreg:$0x3] =	wrdreg s6  }
0xab: {  	[dreg:$0x4] =	wrdreg $0xC0  }
0xac: {  	_ =	task [dreg:s8], $0x5FFFF  }
0xad: {  	[dreg:$0x1] =	wrdreg $0xFFFFFFFF  }
0xae: {  	[dreg:$0x0] =	wrdreg $0x60  }
0xaf: {  	[dreg:$0x2] =	wrdreg s2  }
0xb0: {  	[dreg:$0x3] =	wrdreg s24  }
0xb1: {  	[dreg:$0x4] =	wrdreg s18  }
0xb2: {  	[dreg:$0x5] =	wrdreg $0x82000  }
0xb3: {  	[dreg:$0x6] =	wrdreg $0x12E400  }
0xb4: {  	[dreg:$0x7] =	wrdreg $0x9  }
0xb5: {  	_ =	task.clear_ibuf [dreg:s8], $0x8FFFF;
	_ =	strace $0x90000046  }
0xb6: {  	s29 =	simm.s32 $0x9;
	_ =	strace $0x80000048  }
0xb7: {  	_ =	swait.ge [sflag:s29], $0x1  }
0xb8: {  	[sflag:s29] =	ssyncadd.s32 $0xFFFFFFFF  }
0xb9: {  	_ =	strace $0x90000048  }
0xba: {  	_ =	sfence  }
0xbb: {  	s30 =	sld [smem:$0x0];
	_ =	sdelay $0x2  }
0xbc: {  	s31 =	sshll.u32 s1, $0xD;
	s1 =	sshrl.u32 s1, $0x2  }
0xbd: {  	s3 =	sand.u32 $0x4000, s31;
	s1 =	sadd.s32 s1, s30  }
0xbe: {  	s0 =	sor.u32 s3, s0;
	s1 =	sshll.u32 s1, $0x11  }
0xbf: {  	s0 =	sor.u32 s1, s0  }
0xc0: {  	s0 =	sadd.s32 $0x8F2B, s0  }
0xc1: {  	[sflag:s0] =	ssyncadd.remote.s32 $0x1  }
0xc2: {  	_ =	sfence.sel $0xFFFF  }
0xc3: {  	[dreg:$0x0] =	wrdreg $0xFFFFFFFF;
	(pc) =	sbr.abs _section_cstart, $3  }
0xc4: {  	[dreg:$0x1] =	wrdreg $0xFFFFFFFF  }
0xc5: {  	_ =	task.clear_ibuf [dreg:s8], $0x2FFFF;
	_ =	strace $0x9FFFFFFF  }
0xc6: {  	(tm) =	ssettm $0x7FFFFFFF  }
0xc7: {  	_ =	shalt  }
tec
execute0_lowered:
.L_overlay_start_1:
0x0: {  	(tag) =	ssettag $0x1  }
0x1: {  	s1 =	rddreg [dreg:$0x0]  }
0x2: {  	s4 =	rddreg [dreg:$0x1]  }
0x3: {  	s7 =	rddreg [dreg:$0x2]  }
0x4: {  	s2 =	rddreg [dreg:$0x3]  }
0x5: {  	s3 =	rddreg [dreg:$0x4];
	s5 =	simm.s32 $0x0  }
0x6: {  	s0 =	srdreg.scid;
	s19 =	stileid.u32;
	s28 =	simm.s32 $0x12640  }
0x7: {  	s29 =	simm.s32 $0x80;
	s31 =	simm.s32 $0x1;
	s10 =	smul.u32 $0x271, s19  }
0x8: {  	[smem:$0x7FF] =	sst s5;
	s0 =	sand.u32 $0x1, s0;
	s25 =	smul.u32 $0x13880, s19  }
0x9: {  	s8 =	sshll.u32 s19, $0x5;
	p0 =	seq.s32 s19, $0xF;
	s16 =	smul.u32 $0x9C40, s19  }
0xa: {  	s26 =	sadd.s32 $0xCDE0, s4;
	s6 =	smul.u32 $0x4E20, s0;
	s9 =	ssub.s32 $0x2, s0  }
0xb: {  	_ =	strace $0x80000047;
	s8 =	sadd.s32 s8, s4;
	[dreg:$0xa] =	wrdreg s26  }
0xc: {  	s30 =	sshll.u32 s0, $0x6;
	p1 =	seq.s32 s0, $0x1;
	v0 =	vmov s0;
	s0 =	simm.s32 $0x2  }
0xd: {  	s11 =	sshrl.u32 s9, $0x1;
	s23 =	sadd.s32 $0x200, s10;
	s24 =	sadd.s32 $0xCC00, s8  }
0xe: {  	s8 =	sadd.s32 $0x2E00, s8;
	s21 =	sadd.s32 $0x80, s10;
	s26 =	sadd.s32 $0x180, s10  }
0xf: {  	s12 =	sadd.s32 s6, s4;
	s9 =	ssub.s32 s9, s11;
	s6 =	simm.s32 $0x91  }
0x10: {  	s13 =	sshll.u32 s23, $0x6;
	s11 =	sshll.u32 s23, $0x4;
	[dreg:$0x8] =	wrdreg s24  }
0x11: {  	[dreg:$0x9] =	wrdreg s8;
	s4 =	sadd.s32 $0x2FE0, s4;
	s8 =	sor.u32 s30, s25  }
0x12: {  	s22 =	sshll.u32 s21, $0x6;
	s23 =	sshll.u32 s21, $0x4;
	s24 =	sadd.s32 $0x100, s10  }
0x13: {  	s30 =	sshll.u32 s26, $0x6;
	s6 =	simm.s32 @!p0 $0x2;
	s13 =	sadd.s32 s13, s2  }
0x14: {  	s11 =	sadd.s32 s11, s3;
	[dreg:$0xb] =	wrdreg s4;
	s4 =	sshrl.u32 s8, $0x3  }
0x15: {  	s17 =	sadd.s32 $0x16A00, s12;
	s9 =	smax.u32 s9, $0x1;
	[dreg:$0x6] =	wrdreg s13  }
0x16: {  	s25 =	sshll.u32 s24, $0x6;
	[dreg:$0x7] =	wrdreg s11;
	s11 =	smul.u32 $0x27100, s19  }
0x17: {  	s13 =	smul.u32 $0x2710, s19;
	s4 =	sadd.s32 s7, s4;
	[dreg:$0xd] =	wrdreg s9  }
0x18: {  	s7 =	sshrl.u32 s16, $0x2;
	s9 =	sshll.u32 s24, $0x4;
	[dreg:$0xc] =	wrdreg s4  }
0x19: {  	s7 =	sadd.s32 s7, s3;
	s20 =	sadd.s32 s9, s3;
	s15 =	sshrl.u32 s11, $0x2  }
0x1a: {  	s18 =	sshrl.u32 s13, $0x3;
	s11 =	sadd.s32 s13, s3;
	[dreg:$0xe] =	wrdreg s7  }
.Ltmp0:
0x1b: {  	s7 =	sadd.s32 s22, s2;
	s22 =	sadd.s32 s30, s2;
	(pc) =	sbr.rel .LBB2_1-.Ltmp0, $4  }
0x1c: {  	s14 =	sadd.s32 s15, s2;
	[dreg:$0xf] =	wrdreg s7;
	s7 =	sadd.s32 s23, s3  }
0x1d: {  	s21 =	sadd.s32 s18, s17;
	[dreg:$0x10] =	wrdreg s7;
	s7 =	sadd.s32 s25, s2  }
0x1e: {  	s24 =	sshrl.u32 s11, $0x3;
	[dreg:$0x11] =	wrdreg s7;
	s7 =	sshll.u32 s26, $0x4  }
0x1f: {  	v1 =	vimm.f32 $0.0e+00;
	v2 =	vimm.f32 $1.000000000e+00;
	s25 =	simm.s32 $0x6200;
	s26 =	simm.s32 $0x3;
	s23 =	sadd.s32 s7, s3  }
.LBB2_15:
0x20: {  	s4 =	sadd.s32 s15, s4;
	s19 =	stileid.u32  }
0x21: {  	[spmem:s2] =	stream.indirect.scatter.add.f32 [tilespmem:s4], [sflag:$0x2], $0x40, s30, s29, $0xb8;
	[tilespmem:$0x15550] =	vst v63  }
.LBB2_16:
0x22: {  	_ =	swait.ge [sflag:s0], $0x2000  }
0x23: {  	[sflag:s0] =	ssyncset.done $0x0  }
0x24: {  	s4 =	sshll.u32 s19, $0x6;
	[sflag:s0] =	ssyncadd.s32 $0xFFFFE000  }
0x25: {  	s7 =	sshrl.u32 s14, $0x3;
	s9 =	simm.s32 $0x10;
	[bflag:$0x0] =	sbarrier.arrive $0xFFFF  }
0x26: {  	s10 =	simm.s32 $0x8;
	s4 =	sor.u32 $0x1C03, s4;
	s8 =	rddreg [dreg:$0xc]  }
0x27: {  	[hbm:s8@s9], [sflag:s4] =	dma.strided [spmem:s7@s10], $0x1388, s31, $0x8   }
0x28: {  	_ =	swait.ge [sflag:s26], $0x1388  }
0x29: {  	[sflag:s26] =	ssyncset.done $0x0  }
0x2a: {  	[sflag:s26] =	ssyncadd.s32 $0xFFFFEC78  }
0x2b: {  	[hbm:s21], [sflag:s4] =	dma.local [spmem:s24], $0x4E2  }
0x2c: {  	_ =	swait.ge [sflag:s26], $0x4E2  }
0x2d: {  	s5 =	sadd.s32 $0x1, s5;
	s30 =	rddreg [dreg:$0xd]  }
0x2e: {  	p2 =	sne.s32 s5, s30  }
.Ltmp1:
0x2f: {  	_ = 	snop;
	(pc) =	sbr.rel @!p2 .LBB2_17-.Ltmp1, $3  }
0x30: {  	_ =	sdelay $0x1  }
0x31: {  	[sflag:s26] =	ssyncset.done $0x0  }
0x32: {  	[sflag:s26] =	ssyncadd.s32 $0xFFFFFB1E  }
.LBB2_1:
0x33: {  	s7 =	simm.s32 $0x100;
	s4 =	simm.s32 $0x0  }
.LBB2_2:
0x34: {  	p2 =	sne.s32 s7, $0x7F00;
	[tilespmem:s4+$0x6230] =	vst v1;
	s8 =	smov.u32 s7;
	s7 =	sadd.s32 $0x100, s7  }
.Ltmp2:
0x35: {  	[tilespmem:s4+$0x6220] =	vst v1;
	(pc) =	sbr.rel @p2 .LBB2_2-.Ltmp2, $3  }
0x36: {  	[tilespmem:s4+$0x6200] =	vst v1  }
0x37: {  	[tilespmem:s4+$0x6210] =	vst v1;
	_ =	sdelay $0x1  }
0x38: {  	s4 =	sshra.s32 s8, $0x2  }
0x39: {  	[tilespmem:s4+$0x6230] =	vst v1  }
0x3a: {  	[tilespmem:s4+$0x6220] =	vst v1  }
0x3b: {  	[tilespmem:s4+$0x6200] =	vst v1  }
0x3c: {  	[tilespmem:s4+$0x6210] =	vst v1;
	s4 =	simm.s32 $0x40;
	s7 =	simm.s32 $0x0  }
.LBB2_4:
0x3d: {  	p2 =	sne.s32 s4, $0x1FC0;
	[tilespmem:s7+$0x11E40] =	vst v2;
	s7 =	smov.u32 s4;
	s4 =	sadd.s32 $0x40, s4  }
.Ltmp3:
0x3e: {  	(pc) =	sbr.rel @p2 .LBB2_4-.Ltmp3, $2  }
0x3f: {  	_ =	sdelay $0x2  }
0x40: {  	s7 =	sshra.s32 s7, $0x2  }
0x41: {  	[tilespmem:s7+$0x11E40] =	vst v2;
	s4 =	simm.s32 $0x40;
	s7 =	simm.s32 $0x0  }
.LBB2_6:
0x42: {  	p2 =	sne.s32 s4, $0x1FC0;
	[tilespmem:s7+$0x12640] =	vst v1;
	s7 =	smov.u32 s4;
	s4 =	sadd.s32 $0x40, s4  }
.Ltmp4:
0x43: {  	(pc) =	sbr.rel @p2 .LBB2_6-.Ltmp4, $2  }
0x44: {  	_ =	sdelay $0x2  }
0x45: {  	s7 =	sshra.s32 s7, $0x2  }
0x46: {  	[tilespmem:s7+$0x12640] =	vst v1  }
0x47: {  	[spmem:s14] =	stream.linear.scatter [tilespmem:s25], [sflag:$0x3], $0x2000, $0x38;
	[tilespmem:$0x15550] =	vst v63  }
0x48: {  	_ =	swait.ge [sflag:s26], $0x2000  }
0x49: {  	[sflag:s26] =	ssyncset.done $0x0  }
0x4a: {  	s4 =	rddreg [dreg:$0xe];
	[sflag:s26] =	ssyncadd.s32 $0xFFFFE000  }
0x4b: {  	[spmem:s4] =	stream.linear.scatter [tilespmem:s28], [sflag:$0x3], $0x800, $0x38;
	[tilespmem:$0x15550] =	vst v63  }
0x4c: {  	_ =	swait.ge [sflag:s26], $0x800  }
0x4d: {  	[sflag:s26] =	ssyncset.done $0x0  }
0x4e: {  	s15 =	rddreg [dreg:$0xf];
	[sflag:s26] =	ssyncadd.s32 $0xFFFFF800  }
0x4f: {  	[spmem:s15] =	stream.linear.scatter [tilespmem:s25], [sflag:$0x3], $0x2000, $0x38;
	[tilespmem:$0x15550] =	vst v63  }
0x50: {  	_ =	swait.ge [sflag:s26], $0x2000  }
0x51: {  	[sflag:s26] =	ssyncset.done $0x0  }
0x52: {  	s16 =	rddreg [dreg:$0x10];
	[sflag:s26] =	ssyncadd.s32 $0xFFFFE000  }
0x53: {  	[spmem:s16] =	stream.linear.scatter [tilespmem:s28], [sflag:$0x3], $0x800, $0x38;
	[tilespmem:$0x15550] =	vst v63  }
0x54: {  	_ =	swait.ge [sflag:s26], $0x800  }
0x55: {  	[sflag:s26] =	ssyncset.done $0x0  }
0x56: {  	s17 =	rddreg [dreg:$0x11];
	[sflag:s26] =	ssyncadd.s32 $0xFFFFF800  }
0x57: {  	[spmem:s17] =	stream.linear.scatter [tilespmem:s25], [sflag:$0x3], $0x2000, $0x38;
	[tilespmem:$0x15550] =	vst v63  }
0x58: {  	_ =	swait.ge [sflag:s26], $0x2000  }
0x59: {  	[sflag:s26] =	ssyncset.done $0x0  }
0x5a: {  	[sflag:s26] =	ssyncadd.s32 $0xFFFFE000  }
0x5b: {  	[spmem:s20] =	stream.linear.scatter [tilespmem:s28], [sflag:$0x3], $0x800, $0x38;
	[tilespmem:$0x15550] =	vst v63  }
0x5c: {  	_ =	swait.ge [sflag:s26], $0x800  }
0x5d: {  	[sflag:s26] =	ssyncset.done $0x0  }
0x5e: {  	[sflag:s26] =	ssyncadd.s32 $0xFFFFF800  }
0x5f: {  	[spmem:s22] =	stream.linear.scatter [tilespmem:s25], [sflag:$0x3], $0x2000, $0x38;
	[tilespmem:$0x15550] =	vst v63  }
0x60: {  	_ =	swait.ge [sflag:s26], $0x2000  }
0x61: {  	[sflag:s26] =	ssyncset.done $0x0  }
0x62: {  	[sflag:s26] =	ssyncadd.s32 $0xFFFFE000  }
0x63: {  	[spmem:s23] =	stream.linear.scatter [tilespmem:s28], [sflag:$0x3], $0x800, $0x38;
	[tilespmem:$0x15550] =	vst v63  }
0x64: {  	_ =	swait.ge [sflag:s26], $0x800  }
0x65: {  	[sflag:s26] =	ssyncset.done $0x0  }
0x66: {  	s18 =	rddreg [dreg:$0x6];
	[sflag:s26] =	ssyncadd.s32 $0xFFFFF800  }
0x67: {  	[spmem:s18] =	stream.linear.scatter [tilespmem:s25], [sflag:$0x3], $0x1C40, $0x38;
	[tilespmem:$0x15550] =	vst v63  }
0x68: {  	_ =	swait.ge [sflag:s26], $0x1C40  }
0x69: {  	[sflag:s26] =	ssyncset.done $0x0  }
0x6a: {  	s30 =	rddreg [dreg:$0x7];
	[sflag:s26] =	ssyncadd.s32 $0xFFFFE3C0  }
0x6b: {  	[spmem:s30] =	stream.linear.scatter [tilespmem:s28], [sflag:$0x3], $0x710, $0x38;
	[tilespmem:$0x15550] =	vst v63  }
0x6c: {  	_ =	swait.ge [sflag:s26], $0x710  }
0x6d: {  	[sflag:s26] =	ssyncset.done $0x0  }
0x6e: {  	s4 =	simm.s32 @p0 $0x0;
	s7 =	rddreg [dreg:$0xa];
	[sflag:s26] =	ssyncadd.s32 $0xFFFFF8F0  }
0x6f: {  	[tilespmem:s4], [sflag:$0x3] =	stream.linear.gather @p0 [hbm4b:s7+s4], $0x4880, $0x38;
	[tilespmem:$0x15550] =	vst v63  }
0x70: {  	s7 =	simm.s32 @p0 $0x3  }
0x71: {  	_ =	swait.ge @p0 [sflag:s7], $0x4880  }
0x72: {  	[sflag:s7] =	ssyncset.done @p0 $0x0  }
0x73: {  	s8 =	simm.s32 @p0 $0x100;
	s9 =	rddreg [dreg:$0xb];
	[sflag:s7] =	ssyncadd.s32 @p0 $0xFFFFB780  }
0x74: {  	[tilespmem:s8], [sflag:$0x3] =	stream.linear.gather @p0 [hbm4b:s9+s4], $0x4880, $0x38;
	[tilespmem:$0x15550] =	vst v63  }
0x75: {  	_ =	swait.ge @p0 [sflag:s7], $0x4880  }
0x76: {  	[sflag:s7] =	ssyncset.done @p0 $0x0  }
0x77: {  	s4 =	simm.s32 @!p0 $0x0;
	[sflag:s7] =	ssyncadd.s32 @p0 $0xFFFFB780;
	s7 =	rddreg [dreg:$0x8]  }
0x78: {  	[tilespmem:s4], [sflag:$0x3] =	stream.linear.gather @!p0 [hbm4b:s7+s4], $0x100, $0x38;
	[tilespmem:$0x15550] =	vst v63  }
0x79: {  	s7 =	simm.s32 @!p0 $0x3  }
0x7a: {  	_ =	swait.ge @!p0 [sflag:s7], $0x100  }
0x7b: {  	[sflag:s7] =	ssyncset.done @!p0 $0x0  }
0x7c: {  	s8 =	simm.s32 @!p0 $0x100;
	s9 =	rddreg [dreg:$0x9];
	[sflag:s7] =	ssyncadd.s32 @!p0 $0xFFFFFF00  }
0x7d: {  	[tilespmem:s8], [sflag:$0x3] =	stream.linear.gather @!p0 [hbm4b:s9+s4], $0x100, $0x38;
	[tilespmem:$0x15550] =	vst v63  }
0x7e: {  	_ =	swait.ge @!p0 [sflag:s7], $0x100  }
0x7f: {  	[sflag:s7] =	ssyncset.done @!p0 $0x0  }
0x80: {  	s4 =	simm.s32 $0x40;
	[sflag:s7] =	ssyncadd.s32 @!p0 $0xFFFFFF00  }
0x81: {  	v4 =	vld [tilespmem:s4+$0xFFFFFFC0]  }
0x82: {  	p2 =	sne.s32 s6, $0x1;
	v6 =	vld [tilespmem:s4+$0xFFFFFFD0]  }
.Ltmp5:
0x83: {  	v7 =	vld [tilespmem:s4+$0xFFFFFFE0];
	(pc) =	sbr.rel @!p2 .LBB2_9-.Ltmp5, $4  }
0x84: {  	v5 =	vld [tilespmem:s4+$0x0]  }
0x85: {  	v3 =	vld [tilespmem:s4+$0x10]  }
0x86: {  	v8 =	vshll.u32 v4, $0x1;
	v4 =	vld [tilespmem:s4+$0x20]  }
0x87: {  	s8 =	simm.s32 $0x40;
	s7 =	sadd.s32 $0xFFFFFFFF, s6;
	v9 =	vshll.u32 v6, $0x1;
	v6 =	vld [tilespmem:s4+$0x30];
	v8 =	vor.u32 v0, v8  }
.LBB2_8:
0x88: {  	p2 =	sne.s32 s7, $0x1;
	[tilespmem:s4+$0xFFFFFFC0] =	vst v8;
	v8 =	vor.u32 v0, v9;
	v7 =	vshll.u32 v7, $0x1;
	v9 =	vld [tilespmem:s4+$0xFFFFFFF0];
	s8 =	sadd.s32 $0x80, s8  }
0x89: {  	v10 =	vld [tilespmem:s8+$0xFFFFFFC0];
	[tilespmem:s4+$0xFFFFFFD0] =	vst v8;
	v7 =	vor.u32 v0, v7;
	v5 =	vshll.u32 v5, $0x1  }
0x8a: {  	v11 =	vld [tilespmem:s8+$0xFFFFFFD0];
	[tilespmem:s4+$0xFFFFFFE0] =	vst v7;
	v5 =	vor.u32 v0, v5;
	v3 =	vshll.u32 v3, $0x1  }
.Ltmp6:
0x8b: {  	v7 =	vld [tilespmem:s8+$0xFFFFFFE0];
	[tilespmem:s4+$0x0] =	vst v5;
	v3 =	vor.u32 v0, v3;
	v4 =	vshll.u32 v4, $0x1;
	(pc) =	sbr.rel @p2 .LBB2_8-.Ltmp6, $4  }
0x8c: {  	v5 =	vld [tilespmem:s8+$0x0];
	[tilespmem:s4+$0x10] =	vst v3;
	v4 =	vor.u32 v0, v4;
	v6 =	vshll.u32 v6, $0x1  }
0x8d: {  	v3 =	vld [tilespmem:s8+$0x10];
	v8 =	vshll.u32 v9, $0x1;
	[tilespmem:s4+$0x20] =	vst v4;
	v6 =	vor.u32 v0, v6  }
0x8e: {  	v9 =	vshll.u32 v10, $0x1;
	v4 =	vld [tilespmem:s8+$0x20];
	v10 =	vor.u32 v0, v8;
	[tilespmem:s4+$0x30] =	vst v6  }
0x8f: {  	s7 =	sadd.s32 $0xFFFFFFFF, s7;
	v8 =	vor.u32 v0, v9;
	v9 =	vshll.u32 v11, $0x1;
	v6 =	vld [tilespmem:s8+$0x30];
	[tilespmem:s4+$0xFFFFFFF0] =	vst v10;
	s4 =	smov.u32 s8  }
.LBB2_9:
0x90: {  	[tilespmem:s4+$0xFFFFFFC0] =	vst v8;
	v59 =	vor.u32 v0, v9;
	v7 =	vshll.u32 v7, $0x1;
	v60 =	vld [tilespmem:s4+$0xFFFFFFF0]  }
0x91: {  	[tilespmem:s4+$0xFFFFFFD0] =	vst v59;
	v7 =	vor.u32 v0, v7;
	v5 =	vshll.u32 v5, $0x1  }
0x92: {  	[tilespmem:s4+$0xFFFFFFE0] =	vst v7;
	v5 =	vor.u32 v0, v5;
	v3 =	vshll.u32 v3, $0x1  }
0x93: {  	[tilespmem:s4+$0x0] =	vst v5;
	v3 =	vor.u32 v0, v3;
	v4 =	vshll.u32 v4, $0x1  }
0x94: {  	[tilespmem:s4+$0x10] =	vst v3;
	v3 =	vor.u32 v0, v4;
	v61 =	vshll.u32 v6, $0x1  }
0x95: {  	v62 =	vshll.u32 v60, $0x1;
	[tilespmem:s4+$0x20] =	vst v3;
	v3 =	vor.u32 v0, v61  }
0x96: {  	v63 =	vor.u32 v0, v62;
	[tilespmem:s4+$0x30] =	vst v3  }
.Ltmp7:
0x97: {  	[tilespmem:s4+$0xFFFFFFF0] =	vst v63;
	(pc) =	sbr.rel @!p1 .LBB2_10-.Ltmp7, $4  }
0x98: {  	s9 =	simm.s32 $0x0;
	s4 =	simm.s32 $0x200;
	[bflag:$0x0] =	sbarrier.arrive $0xFFFF  }
0x99: {  	[tilespmem:s4], [sflag:$0x1] =	stream.indirect.gather [hbm4b:s1+s29], $0x40, s9, s29, $0xb8;
	[tilespmem:$0x15550] =	vst v63  }
0x9a: {  	s7 =	simm.s32 $0x2200;
	s30 =	simm.s32 $0x100;
	s8 =	simm.s32 $0x2  }
0x9b: {  	[tilespmem:s7], [sflag:$0x1] =	stream.indirect.gather [hbm4b:s1+s29], $0x40, s29, s29, $0xb8;
	[tilespmem:$0x15550] =	vst v63  }
0x9c: {  	s7 =	simm.s32 $0x1  }
0x9d: {  	p2 =	sne.s32 s6, $0x1;
	s10 =	smulhi.u32 $0xAAAAAAAB, s8;
	s8 =	simm.s32 $0x2200  }
0x9e: {  	_ =	swait.ge [sflag:s31], $0x2000;
	p3 =	por $0x1, $0x1;
	s9 =	smulhi.u32 $0xAAAAAAAB, s9  }
0x9f: {  	[sflag:s31] =	ssyncset.done $0x0;
	s11 =	simm.s32 @!p3 $0x2;
	s10 =	sshrl.u32 s10, $0x1  }
0xa0: {  	[sflag:s31] =	ssyncadd.s32 $0xFFFFE000;
	s9 =	sshrl.u32 s9, $0x1;
	s10 =	smul.u32 $0xFFFE8000, s10  }
0xa1: {  	p4 =	sle.u32 s6, $0x2;
	_ =	swait.ge @!p3 [sflag:s11], $0x2000;
	s13 =	smul.u32 $0xFFFE8000, s9  }
.Ltmp8:
0xa2: {  	s12 =	simm.s32 $0x6200;
	[sflag:s11] =	ssyncset.done @!p3 $0x0;
	(pc) =	sbr.rel @!p2 .LBB2_15-.Ltmp8, $4  }
0xa3: {  	s10 =	sshra.s32 s10, $0x2;
	[sflag:s11] =	ssyncadd.s32 @!p3 $0xFFFFE000;
	s11 =	simm.s32 $0x180  }
0xa4: {  	s15 =	sshra.s32 s13, $0x2;
	s9 =	sadd.s32 $0x4200, s10;
	s10 =	simm.s32 @!p4 $0x80  }
0xa5: {  	[tilespmem:s9], [sflag:$0x1] =	stream.indirect.gather @!p4 [hbm4b:s1+s10], $0x40, s30, s10, $0xb8;
	[tilespmem:$0x15550] =	vst v63  }
0xa6: {  	s13 =	simm.s32 $0x100;
	s9 =	simm.s32 $0xFFFFFFFF;
	s10 =	simm.s32 $0x3  }
.LBB2_14:
0xa7: {  	s15 =	sadd.s32 s15, s4;
	s13 =	sadd.s32 $0x80, s13;
	s16 =	smov.u32 s7  }
0xa8: {  	s7 =	sadd.s32 $0x1, s7;
	s4 =	smov.u32 s8;
	s17 =	smov.u32 s9  }
0xa9: {  	[spmem:s2] =	stream.indirect.scatter.add.f32 [tilespmem:s15], [sflag:$0x2], $0x40, s30, s29, $0xb8;
	[tilespmem:$0x15550] =	vst v63  }
0xaa: {  	s18 =	smov.u32 s11;
	p2 =	sne.s32 s7, s6;
	s30 =	smov.u32 s13  }
0xab: {  	s8 =	sadd.s32 $0x2000, s8;
	s9 =	sadd.s32 $0xFFFFFFFF, s9  }
0xac: {  	s11 =	sadd.s32 $0x80, s11;
	s15 =	smulhi.u32 $0xAAAAAAAB, s10;
	s10 =	sadd.s32 $0x1, s10  }
0xad: {  	p3 =	seq.s32 s17, $0x0;
	s17 =	sadd.s32 $0x2, s16;
	_ =	swait.ge [sflag:s31], $0x2000  }
0xae: {  	s16 =	smulhi.u32 $0xAAAAAAAB, s16;
	s19 =	simm.s32 @!p3 $0x2;
	s15 =	sshrl.u32 s15, $0x1  }
0xaf: {  	p4 =	sge.u32 s17, s6;
	s15 =	smul.u32 $0xFFFE8000, s15;
	[sflag:s31] =	ssyncset.done $0x0  }
.Ltmp9:
0xb0: {  	s16 =	sshrl.u32 s16, $0x1;
	[sflag:s31] =	ssyncadd.s32 $0xFFFFE000;
	(pc) =	sbr.rel @p2 .LBB2_14-.Ltmp9, $4  }
0xb1: {  	s16 =	smul.u32 $0xFFFE8000, s16;
	s15 =	sshra.s32 s15, $0x2;
	_ =	swait.ge @!p3 [sflag:s19], $0x2000  }
0xb2: {  	s17 =	sadd.s32 s15, s12;
	s12 =	sadd.s32 $0x2000, s12;
	[sflag:s19] =	ssyncset.done @!p3 $0x0  }
0xb3: {  	s15 =	sshra.s32 s16, $0x2;
	s16 =	simm.s32 @!p4 $0x80;
	[sflag:s19] =	ssyncadd.s32 @!p3 $0xFFFFE000  }
0xb4: {  	[tilespmem:s17], [sflag:$0x1] =	stream.indirect.gather @!p4 [hbm4b:s1+s16], $0x40, s18, s16, $0xb8;
	[tilespmem:$0x15550] =	vst v63  }
.Ltmp10:
0xb5: {  	_ = 	snop;
	(pc) =	sbr.rel .LBB2_15-.Ltmp10, $1  }
0xb6: {  	_ =	sdelay $0x3  }
.LBB2_10:
0xb7: {  	s7 =	smulhi.u32 $0xAAAAAAAB, s8;
	s4 =	simm.s32 $0x1;
	_ =	swait.ge [sflag:s31], $0x2000  }
0xb8: {  	s17 =	smulhi.u32 $0xAAAAAAAB, s9;
	p2 =	por $0x1, $0x1;
	p3 =	sle.u32 s6, $0x2  }
0xb9: {  	[sflag:s31] =	ssyncset.done $0x0;
	s9 =	simm.s32 @!p2 $0x2;
	s7 =	sshrl.u32 s7, $0x1  }
0xba: {  	[sflag:s31] =	ssyncadd.s32 $0xFFFFE000;
	s8 =	sshrl.u32 s17, $0x1;
	s7 =	smul.u32 $0xFFFE8000, s7  }
0xbb: {  	s10 =	simm.s32 $0x6200;
	_ =	swait.ge @!p2 [sflag:s9], $0x2000;
	s8 =	smul.u32 $0xFFFE8000, s8  }
0xbc: {  	s11 =	simm.s32 $0x3;
	[sflag:s9] =	ssyncset.done @!p2 $0x0;
	s7 =	sshra.s32 s7, $0x2  }
0xbd: {  	[sflag:s9] =	ssyncadd.s32 @!p2 $0xFFFFE000;
	s8 =	sshra.s32 s8, $0x2;
	s9 =	simm.s32 @!p3 $0x80  }
0xbe: {  	p2 =	seq.s32 s6, $0x1;
	s7 =	sadd.s32 $0x4200, s7;
	s18 =	sadd.s32 $0x200, s8  }
0xbf: {  	[tilespmem:s7], [sflag:$0x1] =	stream.indirect.gather @!p3 [hbm4b:s1+s9], $0x40, s30, s9, $0xb8;
	[tilespmem:$0x15550] =	vst v63  }
.Ltmp11:
0xc0: {  	p3 =	por $0x0, $0x0;
	s7 =	simm.s32 $0xFFFFFFFF;
	(pc) =	sbr.rel @p2 .LBB2_12-.Ltmp11, $4  }
0xc1: {  	[spmem:s2] =	stream.indirect.scatter.add.f32 [tilespmem:s18], [sflag:$0x2], $0x40, s30, s29, $0xb8;
	[tilespmem:$0x15550] =	vst v63  }
0xc2: {  	s8 =	simm.s32 @!p3 $0x80;
	s9 =	simm.s32 @!p3 $0x11E40;
	s12 =	simm.s32 @!p3 $0x3  }
0xc3: {  	[spmem:s3] =	stream.indirect.scatter.add.f32 @!p3 [tilespmem:s9], [sflag:$0x3], $0x10, s30, s8, $0xb8;
	[tilespmem:$0x15550] =	vst v63  }
0xc4: {  	s8 =	simm.s32 $0x2200;
	s9 =	simm.s32 $0x180;
	_ =	swait.ge @!p3 [sflag:s12], $0x800  }
.LBB2_11:
0xc5: {  	[sflag:s12] =	ssyncset.done @!p3 $0x0;
	s30 =	sadd.s32 $0x80, s30  }
0xc6: {  	s13 =	smov.u32 s4;
	s4 =	sadd.s32 $0x1, s4;
	s15 =	smov.u32 s8  }
0xc7: {  	p2 =	seq.s32 s4, s6;
	[sflag:s12] =	ssyncadd.s32 @!p3 $0xFFFFF800  }
0xc8: {  	_ =	swait.ge [sflag:s31], $0x2000  }
0xc9: {  	s12 =	smulhi.u32 $0xAAAAAAAB, s11;
	[sflag:s31] =	ssyncset.done $0x0  }
0xca: {  	[sflag:s31] =	ssyncadd.s32 $0xFFFFE000  }
0xcb: {  	s16 =	smulhi.u32 $0xAAAAAAAB, s13;
	p3 =	seq.s32 s7, $0x0;
	s12 =	sshrl.u32 s12, $0x1  }
0xcc: {  	s7 =	sadd.s32 $0xFFFFFFFF, s7;
	s17 =	simm.s32 @!p3 $0x2;
	s12 =	smul.u32 $0xFFFE8000, s12  }
0xcd: {  	s18 =	sadd.s32 $0x2, s13;
	s16 =	sshrl.u32 s16, $0x1;
	_ =	swait.ge @!p3 [sflag:s17], $0x2000  }
0xce: {  	s16 =	smul.u32 $0xFFFE8000, s16;
	s12 =	sshra.s32 s12, $0x2;
	[sflag:s17] =	ssyncset.done @!p3 $0x0  }
0xcf: {  	s12 =	sadd.s32 s12, s10;
	[sflag:s17] =	ssyncadd.s32 @!p3 $0xFFFFE000;
	p3 =	sge.u32 s18, s6  }
0xd0: {  	s8 =	sadd.s32 $0x2000, s8;
	s16 =	sshra.s32 s16, $0x2;
	s17 =	simm.s32 @!p3 $0x80  }
0xd1: {  	[tilespmem:s12], [sflag:$0x1] =	stream.indirect.gather @!p3 [hbm4b:s1+s17], $0x40, s9, s17, $0xb8;
	[tilespmem:$0x15550] =	vst v63  }
0xd2: {  	s12 =	sadd.s32 s16, s15  }
.Ltmp12:
0xd3: {  	p3 =	sgt.u32 s13, $0x4E;
	s9 =	sadd.s32 $0x80, s9;
	(pc) =	sbr.rel @!p2 .LBB2_11-.Ltmp12, $4  }
0xd4: {  	[spmem:s2] =	stream.indirect.scatter.add.f32 [tilespmem:s12], [sflag:$0x2], $0x40, s30, s29, $0xb8;
	[tilespmem:$0x15550] =	vst v63  }
0xd5: {  	s13 =	simm.s32 @!p3 $0x80;
	s15 =	simm.s32 @!p3 $0x11E40;
	s12 =	simm.s32 @!p3 $0x3  }
0xd6: {  	[spmem:s3] =	stream.indirect.scatter.add.f32 @!p3 [tilespmem:s15], [sflag:$0x3], $0x10, s30, s13, $0xb8;
	[tilespmem:$0x15550] =	vst v63  }
0xd7: {  	s11 =	sadd.s32 $0x1, s11;
	s10 =	sadd.s32 $0x2000, s10;
	_ =	swait.ge @!p3 [sflag:s12], $0x800  }
.LBB2_12:
.Ltmp13:
0xd8: {  	(pc) =	sbr.rel .LBB2_16-.Ltmp13, $3  }
0xd9: {  	_ =	sdelay $0x1  }
0xda: {  	[sflag:s12] =	ssyncset.done @!p3 $0x0  }
0xdb: {  	[sflag:s12] =	ssyncadd.s32 @!p3 $0xFFFFF800  }
.LBB2_17:
0xdc: {  	_ =	sfence.sel $0x180000  }
0xdd: {  	[bflag:$0x0] =	sbarrier.arrive $0xFFFF  }
0xde: {  	_ =	strace $0x90000047  }
0xdf: {  	[bflag:$0x2] =	sbarrier.arrive $0xFFFF  }
0xe0: {  	p0 =	sne.s32 s19, $0x0;
	s0 =	rddreg [dreg:$0x5]  }
0xe1: {  	s0 =	sadd.s32 @!p0 $0x100000, s0  }
0xe2: {  	[sflag:s0] =	ssyncadd.tile.s32 @!p0 $0x1;
	_ =	shalt  }
.Lfunc_end2:
_tile_overlayer_lowered:
.L_overlay_start_2:
0xe3: {  	(tag) =	ssettag $0x2  }
0xe4: {  	s0 =	rddreg [dreg:$0x0];
	s2 =	stileid.u32  }
0xe5: {  	s1 =	rddreg [dreg:$0x1];
	p0 =	sne.s32 s2, $0x0  }
0xe6: {  	s3 =	rddreg [dreg:$0x2];
	[bflag:$0x3] =	sbarrier.arrive $0xFFFF;
	s2 =	simm.s32 @!p0 $0x1C03  }
0xe7: {  	[timem:s3], [sflag:s2] =	dma.local @!p0 [hbm:s0], s1  }
0xe8: {  	s0 =	simm.s32 @!p0 $0x3  }
0xe9: {  	_ =	swait.ge @!p0 [sflag:s0], s1  }
0xea: {  	s1 =	ssub.s32 @!p0 $0x0, s1;
	[sflag:s0] =	ssyncset.done @!p0 $0x0  }
0xeb: {  	[sflag:s0] =	ssyncadd.s32 @!p0 s1  }
0xec: {  	[bflag:$0x3] =	sbarrier.arrive $0xFFFF  }
0xed: {  	_ =	shalt  }

// kernel: kernel.9.cloned.1.call-start
scs
__scs_entry_jumppad:
0x0: {  	(pc) =	sbr.rel $0x88, $3  }
0x1: {  	(tag) =	ssettag $0x0;
	lr =	simm.s32 $0x1  }
0x2: {  	[smem:$0x3F9B] =	sst lr;
	_ =	strace $0xD0000000  }
0x3: {  	_ = 	snop  }
0x4: {  	_ = 	snop  }
0x5: {  	_ = 	snop  }
0x6: {  	_ = 	snop  }
0x7: {  	_ = 	snop  }
__scs_overlays_trampoline_lowered:
0x8: {  	[smem:$0x3FAA] =	sst s0  }
0x9: {  	[smem:$0x3FAB] =	sst s1  }
0xa: {  	[smem:$0x3FAC] =	sst s2  }
0xb: {  	[smem:$0x3FAD] =	sst s3  }
0xc: {  	[smem:$0x3FAE] =	sst s4  }
0xd: {  	[smem:$0x3FAF] =	sst s5  }
0xe: {  	[smem:$0x3FB0] =	sst s6  }
0xf: {  	[smem:$0x3FB1] =	sst s7  }
0x10: {  	[smem:$0x3FB2] =	sst s8  }
0x11: {  	[smem:$0x3FB3] =	sst s9;
	s0 =	simm.s32 @!p0 $0x0  }
0x12: {  	s1 =	sld [smem:$0x3F99];
	s0 =	simm.s32 @p0 $0x1  }
0x13: {  	[smem:$0x3FB4] =	sst s0;
	s0 =	simm.s32 @!p1 $0x0  }
0x14: {  	s2 =	sld [smem:$0x3F98];
	s0 =	simm.s32 @p1 $0x1  }
0x15: {  	[smem:$0x3FB5] =	sst s0;
	s0 =	simm.s32 @!p2 $0x0  }
0x16: {  	s3 =	sld [smem:$0x3FDB];
	s0 =	simm.s32 @p2 $0x1  }
0x17: {  	s4 =	simm.s32 $0x1BF5;
	[smem:$0x3FB7] =	sst s0  }
0x18: {  	s0 =	sld [smem:$0x3F9A];
	_ =	swait.ge [sflag:s4], $0x0  }
0x19: {  	s7 =	sld [smem:$0x3F9B]  }
0x1a: {  	s8 =	sadd.s32 $0xFFFFE003, lr  }
0x1b: {  	s9 =	sadd.s32 $0xFFFFFEF7, lr;
	s5 =	simm.s32 $0xFFFFFFFF;
	p2 =	slt.u32 s8, $0xFFFFF086  }
0x1c: {  	p1 =	slt.u32 s9, $0xF7A;
	s5 =	simm.s32 @!p2 $0x0  }
0x1d: {  	s5 =	simm.s32 @p1 $0x1;
	p0 =	seq.s32 s7, s2  }
0x1e: {  	s7 =	smul.u32 @!p0 $0xF7A, s2;
	p2 =	seq.s32 @!p0 s5, $0x0  }
0x1f: {  	s9 =	smul.u32 $0xF7A, s1;
	s8 =	simm.s32 @!p0 $0x1BF5;
	p2 =	por !p2, p0  }
0x20: {  	[sflag:s8] =	ssyncset.s32 @!p0 $0xFFFFF086;
	s6 =	sadd.s32 @!p0 s3, s7;
	s7 =	simm.s32 @!p0 $0x108  }
0x21: {  	s3 =	sadd.s32 s3, s9;
	s6 =	sadd.s32 @!p0 $0x88, s6;
	s7 =	simm.s32 @p2 $0x1082  }
0x22: {  	[simem:s7], [sflag:s8] =	dma.local @!p0 [hbm:s6], $0xF7A  }
0x23: {  	s9 =	sor.u32 $0xD0000000, s2;
	s6 =	simm.s32 $0x108;
	_ =	swait.ge @!p0 [sflag:s8], $0x0  }
0x24: {  	s3 =	sadd.s32 $0x88, s3;
	s6 =	simm.s32 @!p1 $0x1082;
	[sflag:s4] =	ssyncset.s32 $0xFFFFF086  }
0x25: {  	[simem:s6], [sflag:s4] =	dma.local [hbm:s3], $0xF7A  }
0x26: {  	[smem:$0x3F9B] =	sst s1;
	(tag) =	ssettag s2;
	_ =	strace s9  }
0x27: {  	s1 =	sld [smem:$0x3FAB]  }
0x28: {  	s2 =	sld [smem:$0x3FAC]  }
0x29: {  	s4 =	sld [smem:$0x3FAE]  }
0x2a: {  	p0 =	seq.s32 s5, $0x0;
	s5 =	sld [smem:$0x3FAF]  }
0x2b: {  	s6 =	sld [smem:$0x3FB0]  }
0x2c: {  	s7 =	sld [smem:$0x3FB1]  }
0x2d: {  	s3 =	simm.s32 $0x108;
	s8 =	sld [smem:$0x3FB2]  }
0x2e: {  	s3 =	simm.s32 @!p0 $0x1082;
	s9 =	sld [smem:$0x3FB3]  }
0x2f: {  	lr =	sadd.s32 s0, s3;
	s0 =	sld [smem:$0x3FAA]  }
0x30: {  	s3 =	sld [smem:$0x3FAD]  }
0x31: {  	[smem:$0x3FB6] =	sst s10  }
0x32: {  	s10 =	sld [smem:$0x3FB4];
	_ =	sdelay $0x3  }
0x33: {  	p0 =	seq.s32 s10, $0x1;
	s10 =	sld [smem:$0x3FB6];
	_ =	sdelay $0x3  }
0x34: {  	[smem:$0x3FB6] =	sst s10  }
0x35: {  	s10 =	sld [smem:$0x3FB5];
	_ =	sdelay $0x3  }
0x36: {  	p1 =	seq.s32 s10, $0x1;
	s10 =	sld [smem:$0x3FB6];
	_ =	sdelay $0x3  }
0x37: {  	[smem:$0x3FB6] =	sst s10  }
0x38: {  	s10 =	sld [smem:$0x3FB7]  }
0x39: {  	_ = 	snop;
	(pc) =	sbr.ind lr, $3  }
0x3a: {  	_ = 	snop  }
0x3b: {  	_ = 	snop  }
0x3c: {  	p2 =	seq.s32 s10, $0x1;
	s10 =	sld [smem:$0x3FB6]  }
0x3d: {  	_ =	shalt  }
0x3e: {  	_ =	shalt  }
0x3f: {  	_ =	shalt  }
0x40: {  	_ =	shalt  }
0x41: {  	_ =	shalt  }
0x42: {  	_ =	shalt  }
0x43: {  	_ =	shalt  }
0x44: {  	_ =	shalt  }
0x45: {  	_ =	shalt  }
0x46: {  	_ =	shalt  }
0x47: {  	_ =	shalt  }
0x48: {  	_ =	shalt  }
0x49: {  	_ =	shalt  }
0x4a: {  	_ =	shalt  }
0x4b: {  	_ =	shalt  }
0x4c: {  	_ =	shalt  }
0x4d: {  	_ =	shalt  }
0x4e: {  	_ =	shalt  }
0x4f: {  	_ =	shalt  }
0x50: {  	_ =	shalt  }
0x51: {  	_ =	shalt  }
0x52: {  	_ =	shalt  }
0x53: {  	_ =	shalt  }
0x54: {  	_ =	shalt  }
0x55: {  	_ =	shalt  }
0x56: {  	_ =	shalt  }
0x57: {  	_ =	shalt  }
0x58: {  	_ =	shalt  }
0x59: {  	_ =	shalt  }
0x5a: {  	_ =	shalt  }
0x5b: {  	_ =	shalt  }
0x5c: {  	_ =	shalt  }
0x5d: {  	_ =	shalt  }
0x5e: {  	_ =	shalt  }
0x5f: {  	_ =	shalt  }
0x60: {  	_ =	shalt  }
0x61: {  	_ =	shalt  }
0x62: {  	_ =	shalt  }
0x63: {  	_ =	shalt  }
0x64: {  	_ =	shalt  }
0x65: {  	_ =	shalt  }
0x66: {  	_ =	shalt  }
0x67: {  	_ =	shalt  }
0x68: {  	_ =	shalt  }
0x69: {  	_ =	shalt  }
0x6a: {  	_ =	shalt  }
0x6b: {  	_ =	shalt  }
0x6c: {  	_ =	shalt  }
0x6d: {  	_ =	shalt  }
0x6e: {  	_ =	shalt  }
0x6f: {  	_ =	shalt  }
0x70: {  	_ =	shalt  }
0x71: {  	_ =	shalt  }
0x72: {  	_ =	shalt  }
0x73: {  	_ =	shalt  }
0x74: {  	_ =	shalt  }
0x75: {  	_ =	shalt  }
0x76: {  	_ =	shalt  }
0x77: {  	_ =	shalt  }
0x78: {  	_ =	shalt  }
0x79: {  	_ =	shalt  }
0x7a: {  	_ =	shalt  }
0x7b: {  	_ =	shalt  }
0x7c: {  	_ =	shalt  }
0x7d: {  	_ =	shalt  }
0x7e: {  	_ =	shalt  }
0x7f: {  	_ =	shalt  }
0x80: {  	_ =	shalt  }
0x81: {  	_ =	shalt  }
0x82: {  	_ =	shalt  }
0x83: {  	_ =	shalt  }
0x84: {  	_ =	shalt  }
0x85: {  	_ =	shalt  }
0x86: {  	_ =	shalt  }
0x87: {  	_ =	shalt  }
.Lfunc_end0:
.L_simem_size_0:
called_computation.1_lowered:
.L_overlay_start_0:
0x88: {  	s2 =	sld [smem:$0x3FD9]  }
0x89: {  	s3 =	sld [smem:$0x3FFE];
	_ =	sdelay $0x1  }
0x8a: {  	s1 =	srdreg.scid  }
0x8b: {  	s0 =	sand.u32 $0x1, s1  }
0x8c: {  	s17 =	sshll.u32 s0, $0xA;
	s2 =	sadd.s32 s3, s2  }
0x8d: {  	s2 =	sadd.s32 s2, s17  }
0x8e: {  	[smem:$0x3FC2] =	sst s2  }
0x8f: {  	_ = 	snop  }
0x90: {  	s2 =	sld [smem:$0x3FD0];
	(tm) =	ssettm $0x1  }
0x91: {  	s18 =	sld [smem:$0x3FFB];
	_ =	sdelay $0x3  }
0x92: {  	_ =	strace s18  }
0x93: {  	s3 =	sld [smem:$0x3FFC];
	_ =	sdelay $0x3  }
0x94: {  	_ =	strace s3  }
0x95: {  	s3 =	sld [smem:$0x3FFD];
	_ =	sdelay $0x3  }
0x96: {  	_ =	strace s3  }
0x97: {  	_ =	strace $0x8FFFFFFF  }
0x98: {  	s19 =	sld [smem:$0x3FDB];
	_ =	sdelay $0x1  }
0x99: {  	s4 =	simm.s32 $_scs_section_size  }
0x9a: {  	s5 =	simm.s32 $_size__tile_overlayer_lowered;
	s6 =	simm.s32 $_tile_overlayer_lowered  }
0x9b: {  	s22 =	simm.s32 $0x1BFF;
	s21 =	sshll.u32 s6, $0x1;
	s3 =	sadd.s32 s4, s19  }
0x9c: {  	s7 =	simm.s32 $0x0;
	s20 =	sshll.u32 s5, $0x1;
	s5 =	sadd.s32 s21, s3  }
0x9d: {  	[timem:s7], [sflag:s22] =	dma.local [hbm:s5], s20  }
0x9e: {  	_ =	swait.ge [sflag:s22], s20  }
0x9f: {  	s4 =	ssub.s32 $0x0, s20;
	[sflag:s22] =	ssyncset.done $0x0  }
0xa0: {  	[sflag:s22] =	ssyncadd.s32 s4;
	_ =	sdelay $0x1  }
0xa1: {  	s23 =	simm.s32 $0x1B8B  }
0xa2: {  	_ =	swait.ge [sflag:s23], $0x1  }
0xa3: {  	[sflag:s23] =	ssyncset.done $0x0  }
0xa4: {  	s25 =	simm.s32 $0x1B8E;
	s24 =	sld [smem:$0x3FFE];
	[sflag:s23] =	ssyncadd.s32 $0xFFFFFFFF  }
0xa5: {  	s26 =	simm.s32 $execute0_lowered;
	[smem:$0x3FD2] =	sst s25  }
0xa6: {  	s5 =	sshll.u32 s26, $0x1;
	_ =	strace $0x80000049;
	[dreg:$0x1] =	wrdreg $0xFFFFFFFF  }
0xa7: {  	s28 =	simm.s32 $_size_execute0_lowered;
	s3 =	sadd.s32 s3, s5;
	[dreg:$0x0] =	wrdreg $0x0  }
0xa8: {  	s5 =	sshll.u32 s28, $0x1;
	[dreg:$0x2] =	wrdreg s3  }
0xa9: {  	[dreg:$0x3] =	wrdreg s5  }
0xaa: {  	[dreg:$0x4] =	wrdreg $0xC0  }
0xab: {  	_ =	task [dreg:s7], $0x5FFFF  }
0xac: {  	[dreg:$0x1] =	wrdreg $0xFFFFFFFF  }
0xad: {  	[dreg:$0x0] =	wrdreg $0x60  }
0xae: {  	[dreg:$0x2] =	wrdreg s2  }
0xaf: {  	[dreg:$0x3] =	wrdreg s24  }
0xb0: {  	[dreg:$0x4] =	wrdreg $0xA2000  }
0xb1: {  	[dreg:$0x5] =	wrdreg $0x9  }
0xb2: {  	_ =	task.clear_ibuf [dreg:s7], $0x6FFFF;
	_ =	strace $0x90000049  }
0xb3: {  	s29 =	simm.s32 $0x9;
	_ =	strace $0x8000004B  }
0xb4: {  	_ =	swait.ge [sflag:s29], $0x1  }
0xb5: {  	[sflag:s29] =	ssyncadd.s32 $0xFFFFFFFF  }
0xb6: {  	_ =	strace $0x9000004B  }
0xb7: {  	_ =	sfence  }
0xb8: {  	s30 =	sld [smem:$0x0];
	_ =	sdelay $0x2  }
0xb9: {  	s31 =	sshll.u32 s1, $0xD;
	s1 =	sshrl.u32 s1, $0x2  }
0xba: {  	s3 =	sand.u32 $0x4000, s31;
	s1 =	sadd.s32 s1, s30  }
0xbb: {  	s0 =	sor.u32 s3, s0;
	s1 =	sshll.u32 s1, $0x11  }
0xbc: {  	s0 =	sor.u32 s1, s0  }
0xbd: {  	s0 =	sadd.s32 $0x8F2B, s0  }
0xbe: {  	[sflag:s0] =	ssyncadd.remote.s32 $0x1  }
0xbf: {  	_ =	sfence.sel $0xFFFF  }
0xc0: {  	[dreg:$0x0] =	wrdreg $0xFFFFFFFF;
	(pc) =	sbr.abs _section_cstart, $3  }
0xc1: {  	[dreg:$0x1] =	wrdreg $0xFFFFFFFF  }
0xc2: {  	_ =	task.clear_ibuf [dreg:s7], $0x2FFFF;
	_ =	strace $0x9FFFFFFF  }
0xc3: {  	(tm) =	ssettm $0x7FFFFFFF  }
tec
execute0_lowered:
.L_overlay_start_1:
0x0: {  	(tag) =	ssettag $0x1  }
0x1: {  	s1 =	rddreg [dreg:$0x0]  }
0x2: {  	s0 =	rddreg [dreg:$0x1]  }
0x3: {  	s3 =	rddreg [dreg:$0x2];
	s5 =	simm.s32 $0x0;
	s2 =	stileid.u32  }
0x4: {  	s4 =	srdreg.scid;
	s18 =	simm.s32 $0x8200;
	s19 =	simm.s32 $0x3  }
0x5: {  	s20 =	simm.s32 $0x80;
	s23 =	simm.s32 $0x100;
	s25 =	simm.s32 $0x1  }
0x6: {  	s29 =	simm.s32 $0x8;
	s30 =	simm.s32 $0x0;
	[smem:$0x7FF] =	sst s5  }
0x7: {  	s4 =	sand.u32 $0x1, s4;
	s26 =	smul.u32 $0x13880, s2;
	s7 =	sshll.u32 s2, $0x5  }
0x8: {  	s28 =	smul.u32 $0x27100, s2;
	p0 =	seq.s32 s2, $0xF;
	s10 =	sadd.s32 $0xCDE0, s0  }
0x9: {  	s11 =	sadd.s32 $0x2FE0, s0;
	p2 =	sne.s32 s2, $0xF;
	_ =	strace $0x8000004A  }
0xa: {  	s6 =	sshll.u32 s4, $0x6;
	s9 =	sadd.s32 s7, s0;
	s31 =	ssub.s32 $0x2, s4  }
0xb: {  	p1 =	seq.s32 s4, $0x1;
	s5 =	sor.u32 s6, s26;
	s8 =	sshrl.u32 s31, $0x1  }
0xc: {  	s6 =	sshrl.u32 s28, $0x2;
	s26 =	simm.s32 $0x2;
	s5 =	sshrl.u32 s5, $0x3  }
.Ltmp0:
0xd: {  	s6 =	sadd.s32 s6, s3;
	s13 =	ssub.s32 s31, s8;
	(pc) =	sbr.rel .LBB2_1-.Ltmp0, $4  }
0xe: {  	s8 =	sadd.s32 $0xCC00, s9;
	s9 =	sadd.s32 $0x2E00, s9;
	s12 =	sadd.s32 s5, s0  }
0xf: {  	s5 =	simm.s32 $0x91;
	s7 =	sadd.s32 $0x8000, s6;
	s13 =	smax.u32 s13, $0x1  }
0x10: {  	s14 =	sadd.s32 $0x2000, s6;
	s15 =	sadd.s32 $0x4000, s6;
	s5 =	simm.s32 @!p0 $0x2  }
0x11: {  	v1 =	vimm.f32 $0.0e+00;
	v0 =	vmov s4;
	s16 =	sadd.s32 $0x6000, s6;
	s12 =	sadd.s32 $0x6EA00, s12;
	s0 =	sadd.s32 $0xFFFFFFFF, s5  }
.LBB2_10:
0x12: {  	_ =	swait.ge [sflag:s26], $0x2000;
	s4 =	sshll.u32 s2, $0x6  }
0x13: {  	s17 =	sshrl.u32 s6, $0x3;
	s30 =	sadd.s32 $0x1, s30;
	[sflag:s26] =	ssyncset.done $0x0  }
0x14: {  	s21 =	simm.s32 $0x10;
	p3 =	sne.s32 s30, s13;
	[sflag:s26] =	ssyncadd.s32 $0xFFFFE000  }
.Ltmp1:
0x15: {  	s4 =	sor.u32 $0x1C03, s4;
	[bflag:$0x0] =	sbarrier.arrive $0xFFFF;
	(pc) =	sbr.rel @!p3 .LBB2_11-.Ltmp1, $4  }
0x16: {  	[hbm:s12@s21], [sflag:s4] =	dma.strided [spmem:s17@s29], $0x1388, s25, $0x8   }
0x17: {  	_ =	swait.ge [sflag:s19], $0x1388  }
0x18: {  	[sflag:s19] =	ssyncset.done $0x0  }
0x19: {  	[sflag:s19] =	ssyncadd.s32 $0xFFFFEC78  }
.LBB2_1:
0x1a: {  	s17 =	simm.s32 $0x100;
	s4 =	simm.s32 $0x0  }
.LBB2_2:
0x1b: {  	p3 =	sne.s32 s17, $0x7F00;
	[tilespmem:s4+$0x8230] =	vst v1;
	s21 =	smov.u32 s17;
	s17 =	sadd.s32 $0x100, s17  }
.Ltmp2:
0x1c: {  	[tilespmem:s4+$0x8220] =	vst v1;
	(pc) =	sbr.rel @p3 .LBB2_2-.Ltmp2, $3  }
0x1d: {  	[tilespmem:s4+$0x8200] =	vst v1  }
0x1e: {  	[tilespmem:s4+$0x8210] =	vst v1;
	_ =	sdelay $0x1  }
0x1f: {  	s4 =	sshra.s32 s21, $0x2  }
0x20: {  	[tilespmem:s4+$0x8230] =	vst v1  }
0x21: {  	[tilespmem:s4+$0x8220] =	vst v1  }
0x22: {  	[tilespmem:s4+$0x8200] =	vst v1  }
0x23: {  	[tilespmem:s4+$0x8210] =	vst v1  }
0x24: {  	[spmem:s6] =	stream.linear.scatter [tilespmem:s18], [sflag:$0x3], $0x2000, $0x38;
	[tilespmem:$0x13E40] =	vst v63  }
0x25: {  	_ =	swait.ge [sflag:s19], $0x2000  }
0x26: {  	[sflag:s19] =	ssyncset.done $0x0  }
0x27: {  	[sflag:s19] =	ssyncadd.s32 $0xFFFFE000  }
0x28: {  	[spmem:s14] =	stream.linear.scatter [tilespmem:s18], [sflag:$0x3], $0x2000, $0x38;
	[tilespmem:$0x13E40] =	vst v63  }
0x29: {  	_ =	swait.ge [sflag:s19], $0x2000  }
0x2a: {  	[sflag:s19] =	ssyncset.done $0x0  }
0x2b: {  	[sflag:s19] =	ssyncadd.s32 $0xFFFFE000  }
0x2c: {  	[spmem:s15] =	stream.linear.scatter [tilespmem:s18], [sflag:$0x3], $0x2000, $0x38;
	[tilespmem:$0x13E40] =	vst v63  }
0x2d: {  	_ =	swait.ge [sflag:s19], $0x2000  }
0x2e: {  	[sflag:s19] =	ssyncset.done $0x0  }
0x2f: {  	[sflag:s19] =	ssyncadd.s32 $0xFFFFE000  }
0x30: {  	[spmem:s16] =	stream.linear.scatter [tilespmem:s18], [sflag:$0x3], $0x2000, $0x38;
	[tilespmem:$0x13E40] =	vst v63  }
0x31: {  	_ =	swait.ge [sflag:s19], $0x2000  }
0x32: {  	[sflag:s19] =	ssyncset.done $0x0  }
0x33: {  	[sflag:s19] =	ssyncadd.s32 $0xFFFFE000  }
0x34: {  	[spmem:s7] =	stream.linear.scatter [tilespmem:s18], [sflag:$0x3], $0x1C40, $0x38;
	[tilespmem:$0x13E40] =	vst v63  }
0x35: {  	_ =	swait.ge [sflag:s19], $0x1C40  }
0x36: {  	[sflag:s19] =	ssyncset.done $0x0  }
0x37: {  	s4 =	simm.s32 @p0 $0x0;
	s17 =	simm.s32 @p0 $0x3;
	[sflag:s19] =	ssyncadd.s32 $0xFFFFE3C0  }
0x38: {  	[tilespmem:s4], [sflag:$0x3] =	stream.linear.gather @p0 [hbm4b:s10+s4], $0x4880, $0x38;
	[tilespmem:$0x13E40] =	vst v63  }
0x39: {  	_ =	swait.ge @p0 [sflag:s17], $0x4880  }
0x3a: {  	[sflag:s17] =	ssyncset.done @p0 $0x0  }
0x3b: {  	s21 =	simm.s32 @p0 $0x100;
	[sflag:s17] =	ssyncadd.s32 @p0 $0xFFFFB780  }
0x3c: {  	[tilespmem:s21], [sflag:$0x3] =	stream.linear.gather @p0 [hbm4b:s11+s4], $0x4880, $0x38;
	[tilespmem:$0x13E40] =	vst v63  }
0x3d: {  	_ =	swait.ge @p0 [sflag:s17], $0x4880  }
0x3e: {  	[sflag:s17] =	ssyncset.done @p0 $0x0  }
0x3f: {  	s4 =	simm.s32 @!p0 $0x0;
	[sflag:s17] =	ssyncadd.s32 @p0 $0xFFFFB780;
	s17 =	simm.s32 @!p0 $0x3  }
0x40: {  	[tilespmem:s4], [sflag:$0x3] =	stream.linear.gather @!p0 [hbm4b:s8+s4], $0x100, $0x38;
	[tilespmem:$0x13E40] =	vst v63  }
0x41: {  	_ =	swait.ge @!p0 [sflag:s17], $0x100  }
0x42: {  	[sflag:s17] =	ssyncset.done @!p0 $0x0  }
0x43: {  	s21 =	simm.s32 @!p0 $0x100;
	[sflag:s17] =	ssyncadd.s32 @!p0 $0xFFFFFF00  }
0x44: {  	[tilespmem:s21], [sflag:$0x3] =	stream.linear.gather @!p0 [hbm4b:s9+s4], $0x100, $0x38;
	[tilespmem:$0x13E40] =	vst v63  }
0x45: {  	_ =	swait.ge @!p0 [sflag:s17], $0x100  }
0x46: {  	[sflag:s17] =	ssyncset.done @!p0 $0x0  }
0x47: {  	s31 =	simm.s32 $0x40;
	[sflag:s17] =	ssyncadd.s32 @!p0 $0xFFFFFF00  }
0x48: {  	v3 =	vld [tilespmem:s31+$0xFFFFFFC0]  }
0x49: {  	p3 =	sne.s32 s5, $0x1;
	v5 =	vld [tilespmem:s31+$0xFFFFFFD0]  }
.Ltmp3:
0x4a: {  	v6 =	vld [tilespmem:s31+$0xFFFFFFE0];
	(pc) =	sbr.rel @!p3 .LBB2_5-.Ltmp3, $4  }
0x4b: {  	v4 =	vld [tilespmem:s31+$0x0]  }
0x4c: {  	v2 =	vld [tilespmem:s31+$0x10]  }
0x4d: {  	v7 =	vshll.u32 v3, $0x1;
	v3 =	vld [tilespmem:s31+$0x20]  }
0x4e: {  	s4 =	simm.s32 $0x40;
	s17 =	smov.u32 s0;
	v8 =	vshll.u32 v5, $0x1;
	v5 =	vld [tilespmem:s31+$0x30];
	v7 =	vor.u32 v0, v7  }
.LBB2_4:
0x4f: {  	p3 =	sne.s32 s17, $0x1;
	[tilespmem:s31+$0xFFFFFFC0] =	vst v7;
	v7 =	vor.u32 v0, v8;
	v6 =	vshll.u32 v6, $0x1;
	v8 =	vld [tilespmem:s31+$0xFFFFFFF0];
	s4 =	sadd.s32 $0x80, s4  }
0x50: {  	v9 =	vld [tilespmem:s4+$0xFFFFFFC0];
	[tilespmem:s31+$0xFFFFFFD0] =	vst v7;
	v6 =	vor.u32 v0, v6;
	v4 =	vshll.u32 v4, $0x1  }
0x51: {  	v10 =	vld [tilespmem:s4+$0xFFFFFFD0];
	[tilespmem:s31+$0xFFFFFFE0] =	vst v6;
	v4 =	vor.u32 v0, v4;
	v2 =	vshll.u32 v2, $0x1  }
.Ltmp4:
0x52: {  	v6 =	vld [tilespmem:s4+$0xFFFFFFE0];
	[tilespmem:s31+$0x0] =	vst v4;
	v2 =	vor.u32 v0, v2;
	v3 =	vshll.u32 v3, $0x1;
	(pc) =	sbr.rel @p3 .LBB2_4-.Ltmp4, $4  }
0x53: {  	v4 =	vld [tilespmem:s4+$0x0];
	[tilespmem:s31+$0x10] =	vst v2;
	v3 =	vor.u32 v0, v3;
	v5 =	vshll.u32 v5, $0x1  }
0x54: {  	v2 =	vld [tilespmem:s4+$0x10];
	v7 =	vshll.u32 v8, $0x1;
	[tilespmem:s31+$0x20] =	vst v3;
	v5 =	vor.u32 v0, v5  }
0x55: {  	v8 =	vshll.u32 v9, $0x1;
	v3 =	vld [tilespmem:s4+$0x20];
	v9 =	vor.u32 v0, v7;
	[tilespmem:s31+$0x30] =	vst v5  }
0x56: {  	s17 =	sadd.s32 $0xFFFFFFFF, s17;
	v7 =	vor.u32 v0, v8;
	v8 =	vshll.u32 v10, $0x1;
	v5 =	vld [tilespmem:s4+$0x30];
	[tilespmem:s31+$0xFFFFFFF0] =	vst v9;
	s31 =	smov.u32 s4  }
.LBB2_5:
0x57: {  	[tilespmem:s31+$0xFFFFFFC0] =	vst v7;
	v61 =	vor.u32 v0, v8;
	v6 =	vshll.u32 v6, $0x1;
	v62 =	vld [tilespmem:s31+$0xFFFFFFF0]  }
0x58: {  	[tilespmem:s31+$0xFFFFFFD0] =	vst v61;
	v6 =	vor.u32 v0, v6;
	v4 =	vshll.u32 v4, $0x1  }
0x59: {  	[tilespmem:s31+$0xFFFFFFE0] =	vst v6;
	v4 =	vor.u32 v0, v4;
	v2 =	vshll.u32 v2, $0x1  }
0x5a: {  	[tilespmem:s31+$0x0] =	vst v4;
	v2 =	vor.u32 v0, v2;
	v3 =	vshll.u32 v3, $0x1  }
0x5b: {  	[tilespmem:s31+$0x10] =	vst v2;
	v2 =	vor.u32 v0, v3;
	v3 =	vshll.u32 v5, $0x1  }
0x5c: {  	v63 =	vshll.u32 v62, $0x1;
	[tilespmem:s31+$0x20] =	vst v2;
	v2 =	vor.u32 v0, v3  }
0x5d: {  	v3 =	vor.u32 v0, v63;
	[tilespmem:s31+$0x30] =	vst v2  }
0x5e: {  	[tilespmem:s31+$0xFFFFFFF0] =	vst v3  }
0x5f: {  	s4 =	simm.s32 $0x0;
	s17 =	simm.s32 $0x200;
	[bflag:$0x0] =	sbarrier.arrive $0xFFFF  }
0x60: {  	[tilespmem:s17], [sflag:$0x1] =	stream.indirect.gather [hbm4b:s1+s20], $0x40, s4, s20, $0xb8;
	[tilespmem:$0x13E40] =	vst v63  }
0x61: {  	s28 =	simm.s32 $0x2200  }
0x62: {  	[tilespmem:s28], [sflag:$0x1] =	stream.indirect.gather [hbm4b:s1+s20], $0x40, s20, s20, $0xb8;
	[tilespmem:$0x13E40] =	vst v63  }
.Ltmp5:
0x63: {  	s31 =	simm.s32 $0x4200;
	(pc) =	sbr.rel @!p1 .LBB2_6-.Ltmp5, $4  }
0x64: {  	[tilespmem:s31], [sflag:$0x1] =	stream.indirect.gather [hbm4b:s1+s20], $0x40, s23, s20, $0xb8;
	[tilespmem:$0x13E40] =	vst v63  }
0x65: {  	_ =	swait.ge [sflag:s25], $0x2000  }
0x66: {  	[sflag:s25] =	ssyncset.done $0x0  }
0x67: {  	[sflag:s25] =	ssyncadd.s32 $0xFFFFE000  }
0x68: {  	s4 =	simm.s32 @!p2 $0x80;
	s17 =	simm.s32 @!p2 $0x180;
	s21 =	simm.s32 @!p2 $0x6200  }
0x69: {  	[tilespmem:s21], [sflag:$0x1] =	stream.indirect.gather @!p2 [hbm4b:s1+s4], $0x40, s17, s4, $0xb8;
	[tilespmem:$0x13E40] =	vst v63  }
0x6a: {  	s4 =	simm.s32 $0x200  }
0x6b: {  	[spmem:s3] =	stream.indirect.scatter.add.f32 [tilespmem:s4], [sflag:$0x2], $0x40, s23, s20, $0xb8;
	[tilespmem:$0x13E40] =	vst v63  }
0x6c: {  	_ =	swait.ge [sflag:s25], $0x2000  }
0x6d: {  	[sflag:s25] =	ssyncset.done $0x0  }
0x6e: {  	p3 =	sle.u32 s5, $0x4;
	s17 =	simm.s32 $0x20000;
	[sflag:s25] =	ssyncadd.s32 $0xFFFFE000  }
0x6f: {  	s17 =	sand.u32 @!p3 $0x18000, s17;
	_ =	swait.ge [sflag:s26], $0x2000  }
0x70: {  	s17 =	sshrl.u32 @!p3 s17, $0x2;
	[sflag:s26] =	ssyncset.done $0x0  }
0x71: {  	s21 =	simm.s32 @!p3 $0x80;
	s17 =	sor.u32 @!p3 $0x200, s17;
	[sflag:s26] =	ssyncadd.s32 $0xFFFFE000  }
0x72: {  	[tilespmem:s17], [sflag:$0x1] =	stream.indirect.gather @!p3 [hbm4b:s1+s21], $0x40, s4, s21, $0xb8;
	[tilespmem:$0x13E40] =	vst v63  }
0x73: {  	s22 =	simm.s32 $0x8000;
	p3 =	sne.s32 s0, $0x1  }
.Ltmp6:
0x74: {  	s22 =	sand.u32 $0x18000, s22;
	(pc) =	sbr.rel @!p3 .LBB2_10-.Ltmp6, $4  }
0x75: {  	s28 =	sshrl.u32 s22, $0x2  }
0x76: {  	s4 =	simm.s32 $0x180;
	s17 =	sor.u32 $0x200, s28  }
0x77: {  	[spmem:s3] =	stream.indirect.scatter.add.f32 [tilespmem:s17], [sflag:$0x2], $0x40, s4, s20, $0xb8;
	[tilespmem:$0x13E40] =	vst v63  }
0x78: {  	s31 =	simm.s32 $0x28000;
	s21 =	simm.s32 $0x280;
	s17 =	simm.s32 $0x1  }
.LBB2_9:
0x79: {  	_ =	swait.ge [sflag:s25], $0x2000  }
0x7a: {  	s4 =	sadd.s32 $0x80, s4;
	s22 =	smov.u32 s17;
	s17 =	sadd.s32 $0x1, s17  }
0x7b: {  	[sflag:s25] =	ssyncset.done $0x0;
	s22 =	sadd.s32 $0x4, s22;
	p3 =	sne.s32 s0, s17  }
0x7c: {  	[sflag:s25] =	ssyncadd.s32 $0xFFFFE000;
	p4 =	sge.u32 s22, s5  }
0x7d: {  	_ =	swait.ge [sflag:s26], $0x2000;
	s22 =	sand.u32 @!p4 $0x18000, s31;
	s24 =	simm.s32 @!p4 $0x80  }
0x7e: {  	s28 =	sadd.s32 $0xFFFE8000, s31;
	[sflag:s26] =	ssyncset.done $0x0;
	s22 =	sshrl.u32 @!p4 s22, $0x2  }
0x7f: {  	s28 =	sand.u32 $0x18000, s28;
	[sflag:s26] =	ssyncadd.s32 $0xFFFFE000;
	s22 =	sor.u32 @!p4 $0x200, s22  }
0x80: {  	[tilespmem:s22], [sflag:$0x1] =	stream.indirect.gather @!p4 [hbm4b:s1+s24], $0x40, s21, s24, $0xb8;
	[tilespmem:$0x13E40] =	vst v63  }
.Ltmp7:
0x81: {  	_ = 	snop;
	(pc) =	sbr.rel @p3 .LBB2_9-.Ltmp7, $4  }
0x82: {  	s22 =	sshrl.u32 s28, $0x2  }
0x83: {  	s22 =	sor.u32 $0x200, s22  }
0x84: {  	[spmem:s3] =	stream.indirect.scatter.add.f32 [tilespmem:s22], [sflag:$0x2], $0x40, s4, s20, $0xb8;
	[tilespmem:$0x13E40] =	vst v63  }
0x85: {  	s31 =	sadd.s32 $0x8000, s31;
	s21 =	sadd.s32 $0x80, s21  }
.Ltmp8:
0x86: {  	_ = 	snop;
	(pc) =	sbr.rel .LBB2_10-.Ltmp8, $1  }
0x87: {  	_ =	sdelay $0x3  }
.LBB2_6:
0x88: {  	s4 =	simm.s32 @!p2 $0x80;
	s17 =	simm.s32 @!p2 $0x180;
	s21 =	simm.s32 @!p2 $0x6200  }
0x89: {  	[tilespmem:s21], [sflag:$0x1] =	stream.indirect.gather @!p2 [hbm4b:s1+s4], $0x40, s17, s4, $0xb8;
	[tilespmem:$0x13E40] =	vst v63  }
0x8a: {  	s4 =	simm.s32 $0x200  }
0x8b: {  	[spmem:s3] =	stream.indirect.scatter.add.f32 [tilespmem:s4], [sflag:$0x2], $0x40, s23, s20, $0xb8;
	[tilespmem:$0x13E40] =	vst v63  }
0x8c: {  	_ =	swait.ge [sflag:s25], $0x2000  }
0x8d: {  	[sflag:s25] =	ssyncset.done $0x0  }
0x8e: {  	p3 =	sle.u32 s5, $0x4;
	s17 =	simm.s32 $0x20000;
	[sflag:s25] =	ssyncadd.s32 $0xFFFFE000  }
0x8f: {  	s17 =	sand.u32 @!p3 $0x18000, s17;
	_ =	swait.ge [sflag:s26], $0x2000  }
0x90: {  	s17 =	sshrl.u32 @!p3 s17, $0x2;
	[sflag:s26] =	ssyncset.done $0x0  }
0x91: {  	s21 =	simm.s32 @!p3 $0x80;
	s17 =	sor.u32 @!p3 $0x200, s17;
	[sflag:s26] =	ssyncadd.s32 $0xFFFFE000  }
0x92: {  	[tilespmem:s17], [sflag:$0x1] =	stream.indirect.gather @!p3 [hbm4b:s1+s21], $0x40, s4, s21, $0xb8;
	[tilespmem:$0x13E40] =	vst v63  }
0x93: {  	s31 =	simm.s32 $0x8000;
	p3 =	seq.s32 s0, $0x1  }
.Ltmp9:
0x94: {  	s31 =	sand.u32 $0x18000, s31;
	(pc) =	sbr.rel @p3 .LBB2_10-.Ltmp9, $4  }
0x95: {  	s28 =	sshrl.u32 s31, $0x2  }
0x96: {  	s4 =	simm.s32 $0x180;
	s17 =	sor.u32 $0x200, s28  }
0x97: {  	[spmem:s3] =	stream.indirect.scatter.add.f32 [tilespmem:s17], [sflag:$0x2], $0x40, s4, s20, $0xb8;
	[tilespmem:$0x13E40] =	vst v63  }
0x98: {  	s31 =	simm.s32 $0x28000;
	s21 =	simm.s32 $0x280;
	s17 =	simm.s32 $0x1  }
.LBB2_7:
0x99: {  	_ =	swait.ge [sflag:s25], $0x2000  }
0x9a: {  	s4 =	sadd.s32 $0x80, s4;
	s22 =	smov.u32 s17;
	s17 =	sadd.s32 $0x1, s17  }
0x9b: {  	[sflag:s25] =	ssyncset.done $0x0;
	s22 =	sadd.s32 $0x4, s22;
	p3 =	seq.s32 s0, s17  }
0x9c: {  	[sflag:s25] =	ssyncadd.s32 $0xFFFFE000;
	p4 =	sge.u32 s22, s5  }
0x9d: {  	_ =	swait.ge [sflag:s26], $0x2000;
	s22 =	sand.u32 @!p4 $0x18000, s31;
	s24 =	simm.s32 @!p4 $0x80  }
0x9e: {  	s28 =	sadd.s32 $0xFFFE8000, s31;
	[sflag:s26] =	ssyncset.done $0x0;
	s22 =	sshrl.u32 @!p4 s22, $0x2  }
0x9f: {  	s28 =	sand.u32 $0x18000, s28;
	[sflag:s26] =	ssyncadd.s32 $0xFFFFE000;
	s22 =	sor.u32 @!p4 $0x200, s22  }
0xa0: {  	[tilespmem:s22], [sflag:$0x1] =	stream.indirect.gather @!p4 [hbm4b:s1+s24], $0x40, s21, s24, $0xb8;
	[tilespmem:$0x13E40] =	vst v63  }
.Ltmp10:
0xa1: {  	_ = 	snop;
	(pc) =	sbr.rel @!p3 .LBB2_7-.Ltmp10, $4  }
0xa2: {  	s22 =	sshrl.u32 s28, $0x2  }
0xa3: {  	s22 =	sor.u32 $0x200, s22  }
0xa4: {  	[spmem:s3] =	stream.indirect.scatter.add.f32 [tilespmem:s22], [sflag:$0x2], $0x40, s4, s20, $0xb8;
	[tilespmem:$0x13E40] =	vst v63  }
0xa5: {  	s31 =	sadd.s32 $0x8000, s31;
	s21 =	sadd.s32 $0x80, s21  }
.Ltmp11:
0xa6: {  	_ = 	snop;
	(pc) =	sbr.rel .LBB2_10-.Ltmp11, $1  }
0xa7: {  	_ =	sdelay $0x3  }
.LBB2_11:
0xa8: {  	_ =	sfence.sel $0x180000  }
0xa9: {  	[bflag:$0x0] =	sbarrier.arrive $0xFFFF  }
0xaa: {  	_ =	strace $0x9000004A  }
0xab: {  	[bflag:$0x2] =	sbarrier.arrive $0xFFFF  }
0xac: {  	p0 =	sne.s32 s2, $0x0;
	s0 =	rddreg [dreg:$0x3]  }
0xad: {  	s0 =	sadd.s32 @!p0 $0x100000, s0  }
0xae: {  	[sflag:s0] =	ssyncadd.tile.s32 @!p0 $0x1;
	_ =	shalt  }
.Lfunc_end2:
_tile_overlayer_lowered:
.L_overlay_start_2:
0xaf: {  	(tag) =	ssettag $0x2  }
0xb0: {  	s0 =	rddreg [dreg:$0x0];
	s2 =	stileid.u32  }
0xb1: {  	s1 =	rddreg [dreg:$0x1];
	p0 =	sne.s32 s2, $0x0  }
0xb2: {  	s3 =	rddreg [dreg:$0x2];
	[bflag:$0x3] =	sbarrier.arrive $0xFFFF;
	s2 =	simm.s32 @!p0 $0x1C03  }
0xb3: {  	[timem:s3], [sflag:s2] =	dma.local @!p0 [hbm:s0], s1  }
0xb4: {  	s0 =	simm.s32 @!p0 $0x3  }
0xb5: {  	_ =	swait.ge @!p0 [sflag:s0], s1  }
0xb6: {  	s1 =	ssub.s32 @!p0 $0x0, s1;
	[sflag:s0] =	ssyncset.done @!p0 $0x0  }
0xb7: {  	[sflag:s0] =	ssyncadd.s32 @!p0 s1  }
0xb8: {  	[bflag:$0x3] =	sbarrier.arrive $0xFFFF  }
0xb9: {  	_ =	shalt  }

</sc_bundles>
